<compile_context>
chip_gen: v7x
topology: tpu7x:2x2x1
jax: 0.10.2.dev20260603
libtpu: 0.0.44.dev20260713+nightly
codegen_flags: <defaults>
</compile_context>

<pallas_src>
import jax
import jax.numpy as jnp
from jax import lax
from jax.experimental import pallas as pl
from jax.experimental.pallas import tpu as pltpu
from jax.experimental.pallas import tpu_sc as plsc

_N = 16384
_C = 1000
_NW = 32
_RPW = _N // _NW
_CH = 32
_NCH = _RPW // _CH
_NBUF = 2


def _sc_body(x_hbm, o_hbm, buf, idx_v, sems):
    cid = lax.axis_index("c")
    sid = lax.axis_index("s")
    wid = sid * 2 + cid
    base = wid * _RPW

    z = jnp.zeros((16,), jnp.float32)

    def zero_row(r, _):
        for b in range(_NBUF):
            for c in range(_C // 16):
                buf[b, r, pl.ds(c * 16, 16)] = z
            buf[b, r, pl.ds(_C - 16, 16)] = z
        return _

    lax.fori_loop(0, _CH, zero_row, None)

    pltpu.sync_copy(x_hbm.at[pl.ds(base, _RPW)], idx_v)

    ones = jnp.full((16,), 1.0, jnp.float32)
    lane = lax.iota(jnp.int32, 16)

    def scatter(k, val):
        s = k % _NBUF
        for g in range(_CH // 16):
            rvec = g * 16 + lane
            xv = idx_v[pl.ds(k * _CH + g * 16, 16)]
            plsc.store_scatter(buf.at[s], [rvec, xv], val)

    def copy(k):
        return pltpu.make_async_copy(
            buf.at[k % _NBUF],
            o_hbm.at[pl.ds(base + k * _CH, _CH), :],
            sems.at[k % _NBUF],
        )

    for k in range(_NCH):
        if k >= _NBUF:
            copy(k - _NBUF).wait()
            scatter(k - _NBUF, z)
        scatter(k, ones)
        copy(k).start()
    for k in range(_NCH - _NBUF, _NCH):
        copy(k).wait()


_mesh = plsc.VectorSubcoreMesh(core_axis_name="c", subcore_axis_name="s")

_sc_call = pl.kernel(
    _sc_body,
    out_type=jax.ShapeDtypeStruct((_N, _C), jnp.float32),
    mesh=_mesh,
    scratch_types=[
        pltpu.VMEM((_NBUF, _CH, _C), jnp.float32),
        pltpu.VMEM((_RPW,), jnp.int32),
        pltpu.SemaphoreType.DMA((_NBUF,)),
    ],
    compiler_params=pltpu.CompilerParams(needs_layout_passes=False),
)


def kernel(x):
    return _sc_call(x.astype(jnp.int32))

# --- scband reference (transcript-rebuilt; emitter-appended) ---
"""Pipeline reference for scband-onehotify-16209206575122 (READ-ONLY COPY).

The authoritative reference and input builder live on the scoring server;
editing this copy changes nothing except your own understanding.
"""

import jax, jax.numpy as jnp
import numpy as np

NUM_CLASSES = 1000

def setup_inputs(seed: int = 0) -> dict:
    key = jax.random.key(seed)
    x = jax.random.randint(key, (16384,), 0, NUM_CLASSES, dtype=jnp.int64 if jax.config.jax_enable_x64 else jnp.int32)
    return {"x": x}

def reference(x) -> jnp.ndarray:
    # Faithful translation of torch.nn.functional.one_hot(x, num_classes).float()
    return jax.nn.one_hot(x, NUM_CLASSES, dtype=jnp.float32)

if __name__ == "__main__":
    import jax
    _d = setup_inputs()
    print(jax.jit(kernel)(*tuple(_d.values())))

</pallas_src>

<mosaic_0001>
#map = affine_map<(d0, d1) -> (0)>
#map1 = affine_map<(d0, d1) -> (0, 0)>
module attributes {stable_mosaic.version = 14 : i64} {
  func.func @_sc_body(%arg0: i32, %arg1: i32, %arg2: memref<16384xi32, #tpu.memory_space<hbm>>, %arg3: memref<16384x1000xf32, #tpu.memory_space<hbm>>, %arg4: memref<2x32x1000xf32, #tpu.memory_space<vmem>>, %arg5: memref<512xi32, #tpu.memory_space<vmem>>, %arg6: memref<2x!tpu.dma_semaphore, #tpu.memory_space<semaphore_mem>>) attributes {dimension_semantics = [#tpu.dimension_semantics<core_parallel>, #tpu.dimension_semantics<subcore_parallel>], iteration_bounds = array<i64: 2, 16>, scalar_prefetch = 0 : i64, scratch_operands = 3 : i64, tpu.core_type = #tpu.core_type<sc_vector_subcore>, window_params = [{transform_indices = #map}, {transform_indices = #map1}]} {
    %mul3A = arith.constant 2 : i32
    %mul3A_0 = arith.muli %arg1, %mul3A : i32
    %add3A = arith.addi %mul3A_0, %arg0 : i32
    %mul3A_1 = arith.constant 512 : i32
    %mul3A_2 = arith.muli %add3A, %mul3A_1 : i32
    %broadcast_in_dim3A = arith.constant 0.000000e+00 : f32
    %broadcast_in_dim3A_3 = vector.broadcast %broadcast_in_dim3A : f32 to vector<16xf32>
    %scan3A = arith.constant 0 : i32
    %scan3A_4 = arith.constant 32 : i32
    %scan3A_5 = arith.addi %scan3A, %scan3A_4 : i32
    %scan3A_6 = arith.constant 1 : i32
    scf.for %scan3A_1182 = %scan3A to %scan3A_5 step %scan3A_6  : i32 {
      %swap3A = arith.constant 0 : i32
      %swap3A_1183 = arith.index_cast %swap3A : i32 to index
      %swap3A_1184 = arith.index_cast %scan3A_1182 : i32 to index
      %swap3A_1185 = arith.constant 0 : index
      %swap3A_1186 = tpu.vector_load %arg4[%swap3A_1183, %swap3A_1184, %swap3A_1185] {strides = array<i32>} : memref<2x32x1000xf32, #tpu.memory_space<vmem>>, vector<16xf32>,
      tpu.vector_store %arg4[%swap3A_1183, %swap3A_1184, %swap3A_1185], %broadcast_in_dim3A_3 {strides = array<i32>} : memref<2x32x1000xf32, #tpu.memory_space<vmem>>, vector<16xf32>,
      %swap3A_1187 = arith.constant 0 : i32
      %swap3A_1188 = arith.index_cast %swap3A_1187 : i32 to index
      %swap3A_1189 = arith.index_cast %scan3A_1182 : i32 to index
      %swap3A_1190 = arith.constant 16 : index
      %swap3A_1191 = tpu.vector_load %arg4[%swap3A_1188, %swap3A_1189, %swap3A_1190] {strides = array<i32>} : memref<2x32x1000xf32, #tpu.memory_space<vmem>>, vector<16xf32>,
      tpu.vector_store %arg4[%swap3A_1188, %swap3A_1189, %swap3A_1190], %broadcast_in_dim3A_3 {strides = array<i32>} : memref<2x32x1000xf32, #tpu.memory_space<vmem>>, vector<16xf32>,
      %swap3A_1192 = arith.constant 0 : i32
      %swap3A_1193 = arith.index_cast %swap3A_1192 : i32 to index
      %swap3A_1194 = arith.index_cast %scan3A_1182 : i32 to index
      %swap3A_1195 = arith.constant 32 : index
      %swap3A_1196 = tpu.vector_load %arg4[%swap3A_1193, %swap3A_1194, %swap3A_1195] {strides = array<i32>} : memref<2x32x1000xf32, #tpu.memory_space<vmem>>, vector<16xf32>,
      tpu.vector_store %arg4[%swap3A_1193, %swap3A_1194, %swap3A_1195], %broadcast_in_dim3A_3 {strides = array<i32>} : memref<2x32x1000xf32, #tpu.memory_space<vmem>>, vector<16xf32>,
      %swap3A_1197 = arith.constant 0 : i32
      %swap3A_1198 = arith.index_cast %swap3A_1197 : i32 to index
      %swap3A_1199 = arith.index_cast %scan3A_1182 : i32 to index
      %swap3A_1200 = arith.constant 48 : index
      %swap3A_1201 = tpu.vector_load %arg4[%swap3A_1198, %swap3A_1199, %swap3A_1200] {strides = array<i32>} : memref<2x32x1000xf32, #tpu.memory_space<vmem>>, vector<16xf32>,
      tpu.vector_store %arg4[%swap3A_1198, %swap3A_1199, %swap3A_1200], %broadcast_in_dim3A_3 {strides = array<i32>} : memref<2x32x1000xf32, #tpu.memory_space<vmem>>, vector<16xf32>,
      %swap3A_1202 = arith.constant 0 : i32
      %swap3A_1203 = arith.index_cast %swap3A_1202 : i32 to index
      %swap3A_1204 = arith.index_cast %scan3A_1182 : i32 to index
      %swap3A_1205 = arith.constant 64 : index
      %swap3A_1206 = tpu.vector_load %arg4[%swap3A_1203, %swap3A_1204, %swap3A_1205] {strides = array<i32>} : memref<2x32x1000xf32, #tpu.memory_space<vmem>>, vector<16xf32>,
      tpu.vector_store %arg4[%swap3A_1203, %swap3A_1204, %swap3A_1205], %broadcast_in_dim3A_3 {strides = array<i32>} : memref<2x32x1000xf32, #tpu.memory_space<vmem>>, vector<16xf32>,
      %swap3A_1207 = arith.constant 0 : i32
      %swap3A_1208 = arith.index_cast %swap3A_1207 : i32 to index
      %swap3A_1209 = arith.index_cast %scan3A_1182 : i32 to index
      %swap3A_1210 = arith.constant 80 : index
      %swap3A_1211 = tpu.vector_load %arg4[%swap3A_1208, %swap3A_1209, %swap3A_1210] {strides = array<i32>} : memref<2x32x1000xf32, #tpu.memory_space<vmem>>, vector<16xf32>,
      tpu.vector_store %arg4[%swap3A_1208, %swap3A_1209, %swap3A_1210], %broadcast_in_dim3A_3 {strides = array<i32>} : memref<2x32x1000xf32, #tpu.memory_space<vmem>>, vector<16xf32>,
      %swap3A_1212 = arith.constant 0 : i32
      %swap3A_1213 = arith.index_cast %swap3A_1212 : i32 to index
      %swap3A_1214 = arith.index_cast %scan3A_1182 : i32 to index
      %swap3A_1215 = arith.constant 96 : index
      %swap3A_1216 = tpu.vector_load %arg4[%swap3A_1213, %swap3A_1214, %swap3A_1215] {strides = array<i32>} : memref<2x32x1000xf32, #tpu.memory_space<vmem>>, vector<16xf32>,
      tpu.vector_store %arg4[%swap3A_1213, %swap3A_1214, %swap3A_1215], %broadcast_in_dim3A_3 {strides = array<i32>} : memref<2x32x1000xf32, #tpu.memory_space<vmem>>, vector<16xf32>,
      %swap3A_1217 = arith.constant 0 : i32
      %swap3A_1218 = arith.index_cast %swap3A_1217 : i32 to index
      %swap3A_1219 = arith.index_cast %scan3A_1182 : i32 to index
      %swap3A_1220 = arith.constant 112 : index
      %swap3A_1221 = tpu.vector_load %arg4[%swap3A_1218, %swap3A_1219, %swap3A_1220] {strides = array<i32>} : memref<2x32x1000xf32, #tpu.memory_space<vmem>>, vector<16xf32>,
      tpu.vector_store %arg4[%swap3A_1218, %swap3A_1219, %swap3A_1220], %broadcast_in_dim3A_3 {strides = array<i32>} : memref<2x32x1000xf32, #tpu.memory_space<vmem>>, vector<16xf32>,
      %swap3A_1222 = arith.constant 0 : i32
      %swap3A_1223 = arith.index_cast %swap3A_1222 : i32 to index
      %swap3A_1224 = arith.index_cast %scan3A_1182 : i32 to index
      %swap3A_1225 = arith.constant 128 : index
      %swap3A_1226 = tpu.vector_load %arg4[%swap3A_1223, %swap3A_1224, %swap3A_1225] {strides = array<i32>} : memref<2x32x1000xf32, #tpu.memory_space<vmem>>, vector<16xf32>,
      tpu.vector_store %arg4[%swap3A_1223, %swap3A_1224, %swap3A_1225], %broadcast_in_dim3A_3 {strides = array<i32>} : memref<2x32x1000xf32, #tpu.memory_space<vmem>>, vector<16xf32>,
      %swap3A_1227 = arith.constant 0 : i32
      %swap3A_1228 = arith.index_cast %swap3A_1227 : i32 to index
      %swap3A_1229 = arith.index_cast %scan3A_1182 : i32 to index
      %swap3A_1230 = arith.constant 144 : index
      %swap3A_1231 = tpu.vector_load %arg4[%swap3A_1228, %swap3A_1229, %swap3A_1230] {strides = array<i32>} : memref<2x32x1000xf32, #tpu.memory_space<vmem>>, vector<16xf32>,
      tpu.vector_store %arg4[%swap3A_1228, %swap3A_1229, %swap3A_1230], %broadcast_in_dim3A_3 {strides = array<i32>} : memref<2x32x1000xf32, #tpu.memory_space<vmem>>, vector<16xf32>,
      %swap3A_1232 = arith.constant 0 : i32
      %swap3A_1233 = arith.index_cast %swap3A_1232 : i32 to index
      %swap3A_1234 = arith.index_cast %scan3A_1182 : i32 to index
      %swap3A_1235 = arith.constant 160 : index
      %swap3A_1236 = tpu.vector_load %arg4[%swap3A_1233, %swap3A_1234, %swap3A_1235] {strides = array<i32>} : memref<2x32x1000xf32, #tpu.memory_space<vmem>>, vector<16xf32>,
      tpu.vector_store %arg4[%swap3A_1233, %swap3A_1234, %swap3A_1235], %broadcast_in_dim3A_3 {strides = array<i32>} : memref<2x32x1000xf32, #tpu.memory_space<vmem>>, vector<16xf32>,
      %swap3A_1237 = arith.constant 0 : i32
      %swap3A_1238 = arith.index_cast %swap3A_1237 : i32 to index
      %swap3A_1239 = arith.index_cast %scan3A_1182 : i32 to index
      %swap3A_1240 = arith.constant 176 : index
      %swap3A_1241 = tpu.vector_load %arg4[%swap3A_1238, %swap3A_1239, %swap3A_1240] {strides = array<i32>} : memref<2x32x1000xf32, #tpu.memory_space<vmem>>, vector<16xf32>,
      tpu.vector_store %arg4[%swap3A_1238, %swap3A_1239, %swap3A_1240], %broadcast_in_dim3A_3 {strides = array<i32>} : memref<2x32x1000xf32, #tpu.memory_space<vmem>>, vector<16xf32>,
      %swap3A_1242 = arith.constant 0 : i32
      %swap3A_1243 = arith.index_cast %swap3A_1242 : i32 to index
      %swap3A_1244 = arith.index_cast %scan3A_1182 : i32 to index
      %swap3A_1245 = arith.constant 192 : index
      %swap3A_1246 = tpu.vector_load %arg4[%swap3A_1243, %swap3A_1244, %swap3A_1245] {strides = array<i32>} : memref<2x32x1000xf32, #tpu.memory_space<vmem>>, vector<16xf32>,
      tpu.vector_store %arg4[%swap3A_1243, %swap3A_1244, %swap3A_1245], %broadcast_in_dim3A_3 {strides = array<i32>} : memref<2x32x1000xf32, #tpu.memory_space<vmem>>, vector<16xf32>,
      %swap3A_1247 = arith.constant 0 : i32
      %swap3A_1248 = arith.index_cast %swap3A_1247 : i32 to index
      %swap3A_1249 = arith.index_cast %scan3A_1182 : i32 to index
      %swap3A_1250 = arith.constant 208 : index
      %swap3A_1251 = tpu.vector_load %arg4[%swap3A_1248, %swap3A_1249, %swap3A_1250] {strides = array<i32>} : memref<2x32x1000xf32, #tpu.memory_space<vmem>>, vector<16xf32>,
      tpu.vector_store %arg4[%swap3A_1248, %swap3A_1249, %swap3A_1250], %broadcast_in_dim3A_3 {strides = array<i32>} : memref<2x32x1000xf32, #tpu.memory_space<vmem>>, vector<16xf32>,
      %swap3A_1252 = arith.constant 0 : i32
      %swap3A_1253 = arith.index_cast %swap3A_1252 : i32 to index
      %swap3A_1254 = arith.index_cast %scan3A_1182 : i32 to index
      %swap3A_1255 = arith.constant 224 : index
      %swap3A_1256 = tpu.vector_load %arg4[%swap3A_1253, %swap3A_1254, %swap3A_1255] {strides = array<i32>} : memref<2x32x1000xf32, #tpu.memory_space<vmem>>, vector<16xf32>,
      tpu.vector_store %arg4[%swap3A_1253, %swap3A_1254, %swap3A_1255], %broadcast_in_dim3A_3 {strides = array<i32>} : memref<2x32x1000xf32, #tpu.memory_space<vmem>>, vector<16xf32>,
      %swap3A_1257 = arith.constant 0 : i32
      %swap3A_1258 = arith.index_cast %swap3A_1257 : i32 to index
      %swap3A_1259 = arith.index_cast %scan3A_1182 : i32 to index
      %swap3A_1260 = arith.constant 240 : index
      %swap3A_1261 = tpu.vector_load %arg4[%swap3A_1258, %swap3A_1259, %swap3A_1260] {strides = array<i32>} : memref<2x32x1000xf32, #tpu.memory_space<vmem>>, vector<16xf32>,
      tpu.vector_store %arg4[%swap3A_1258, %swap3A_1259, %swap3A_1260], %broadcast_in_dim3A_3 {strides = array<i32>} : memref<2x32x1000xf32, #tpu.memory_space<vmem>>, vector<16xf32>,
      %swap3A_1262 = arith.constant 0 : i32
      %swap3A_1263 = arith.index_cast %swap3A_1262 : i32 to index
      %swap3A_1264 = arith.index_cast %scan3A_1182 : i32 to index
      %swap3A_1265 = arith.constant 256 : index
      %swap3A_1266 = tpu.vector_load %arg4[%swap3A_1263, %swap3A_1264, %swap3A_1265] {strides = array<i32>} : memref<2x32x1000xf32, #tpu.memory_space<vmem>>, vector<16xf32>,
      tpu.vector_store %arg4[%swap3A_1263, %swap3A_1264, %swap3A_1265], %broadcast_in_dim3A_3 {strides = array<i32>} : memref<2x32x1000xf32, #tpu.memory_space<vmem>>, vector<16xf32>,
      %swap3A_1267 = arith.constant 0 : i32
      %swap3A_1268 = arith.index_cast %swap3A_1267 : i32 to index
      %swap3A_1269 = arith.index_cast %scan3A_1182 : i32 to index
      %swap3A_1270 = arith.constant 272 : index
      %swap3A_1271 = tpu.vector_load %arg4[%swap3A_1268, %swap3A_1269, %swap3A_1270] {strides = array<i32>} : memref<2x32x1000xf32, #tpu.memory_space<vmem>>, vector<16xf32>,
      tpu.vector_store %arg4[%swap3A_1268, %swap3A_1269, %swap3A_1270], %broadcast_in_dim3A_3 {strides = array<i32>} : memref<2x32x1000xf32, #tpu.memory_space<vmem>>, vector<16xf32>,
      %swap3A_1272 = arith.constant 0 : i32
      %swap3A_1273 = arith.index_cast %swap3A_1272 : i32 to index
      %swap3A_1274 = arith.index_cast %scan3A_1182 : i32 to index
      %swap3A_1275 = arith.constant 288 : index
      %swap3A_1276 = tpu.vector_load %arg4[%swap3A_1273, %swap3A_1274, %swap3A_1275] {strides = array<i32>} : memref<2x32x1000xf32, #tpu.memory_space<vmem>>, vector<16xf32>,
      tpu.vector_store %arg4[%swap3A_1273, %swap3A_1274, %swap3A_1275], %broadcast_in_dim3A_3 {strides = array<i32>} : memref<2x32x1000xf32, #tpu.memory_space<vmem>>, vector<16xf32>,
      %swap3A_1277 = arith.constant 0 : i32
      %swap3A_1278 = arith.index_cast %swap3A_1277 : i32 to index
      %swap3A_1279 = arith.index_cast %scan3A_1182 : i32 to index
      %swap3A_1280 = arith.constant 304 : index
      %swap3A_1281 = tpu.vector_load %arg4[%swap3A_1278, %swap3A_1279, %swap3A_1280] {strides = array<i32>} : memref<2x32x1000xf32, #tpu.memory_space<vmem>>, vector<16xf32>,
      tpu.vector_store %arg4[%swap3A_1278, %swap3A_1279, %swap3A_1280], %broadcast_in_dim3A_3 {strides = array<i32>} : memref<2x32x1000xf32, #tpu.memory_space<vmem>>, vector<16xf32>,
      %swap3A_1282 = arith.constant 0 : i32
      %swap3A_1283 = arith.index_cast %swap3A_1282 : i32 to index
      %swap3A_1284 = arith.index_cast %scan3A_1182 : i32 to index
      %swap3A_1285 = arith.constant 320 : index
      %swap3A_1286 = tpu.vector_load %arg4[%swap3A_1283, %swap3A_1284, %swap3A_1285] {strides = array<i32>} : memref<2x32x1000xf32, #tpu.memory_space<vmem>>, vector<16xf32>,
      tpu.vector_store %arg4[%swap3A_1283, %swap3A_1284, %swap3A_1285], %broadcast_in_dim3A_3 {strides = array<i32>} : memref<2x32x1000xf32, #tpu.memory_space<vmem>>, vector<16xf32>,
      %swap3A_1287 = arith.constant 0 : i32
      %swap3A_1288 = arith.index_cast %swap3A_1287 : i32 to index
      %swap3A_1289 = arith.index_cast %scan3A_1182 : i32 to index
      %swap3A_1290 = arith.constant 336 : index
      %swap3A_1291 = tpu.vector_load %arg4[%swap3A_1288, %swap3A_1289, %swap3A_1290] {strides = array<i32>} : memref<2x32x1000xf32, #tpu.memory_space<vmem>>, vector<16xf32>,
      tpu.vector_store %arg4[%swap3A_1288, %swap3A_1289, %swap3A_1290], %broadcast_in_dim3A_3 {strides = array<i32>} : memref<2x32x1000xf32, #tpu.memory_space<vmem>>, vector<16xf32>,
      %swap3A_1292 = arith.constant 0 : i32
      %swap3A_1293 = arith.index_cast %swap3A_1292 : i32 to index
      %swap3A_1294 = arith.index_cast %scan3A_1182 : i32 to index
      %swap3A_1295 = arith.constant 352 : index
      %swap3A_1296 = tpu.vector_load %arg4[%swap3A_1293, %swap3A_1294, %swap3A_1295] {strides = array<i32>} : memref<2x32x1000xf32, #tpu.memory_space<vmem>>, vector<16xf32>,
      tpu.vector_store %arg4[%swap3A_1293, %swap3A_1294, %swap3A_1295], %broadcast_in_dim3A_3 {strides = array<i32>} : memref<2x32x1000xf32, #tpu.memory_space<vmem>>, vector<16xf32>,
      %swap3A_1297 = arith.constant 0 : i32
      %swap3A_1298 = arith.index_cast %swap3A_1297 : i32 to index
      %swap3A_1299 = arith.index_cast %scan3A_1182 : i32 to index
      %swap3A_1300 = arith.constant 368 : index
      %swap3A_1301 = tpu.vector_load %arg4[%swap3A_1298, %swap3A_1299, %swap3A_1300] {strides = array<i32>} : memref<2x32x1000xf32, #tpu.memory_space<vmem>>, vector<16xf32>,
      tpu.vector_store %arg4[%swap3A_1298, %swap3A_1299, %swap3A_1300], %broadcast_in_dim3A_3 {strides = array<i32>} : memref<2x32x1000xf32, #tpu.memory_space<vmem>>, vector<16xf32>,
      %swap3A_1302 = arith.constant 0 : i32
      %swap3A_1303 = arith.index_cast %swap3A_1302 : i32 to index
      %swap3A_1304 = arith.index_cast %scan3A_1182 : i32 to index
      %swap3A_1305 = arith.constant 384 : index
      %swap3A_1306 = tpu.vector_load %arg4[%swap3A_1303, %swap3A_1304, %swap3A_1305] {strides = array<i32>} : memref<2x32x1000xf32, #tpu.memory_space<vmem>>, vector<16xf32>,
      tpu.vector_store %arg4[%swap3A_1303, %swap3A_1304, %swap3A_1305], %broadcast_in_dim3A_3 {strides = array<i32>} : memref<2x32x1000xf32, #tpu.memory_space<vmem>>, vector<16xf32>,
      %swap3A_1307 = arith.constant 0 : i32
      %swap3A_1308 = arith.index_cast %swap3A_1307 : i32 to index
      %swap3A_1309 = arith.index_cast %scan3A_1182 : i32 to index
      %swap3A_1310 = arith.constant 400 : index
      %swap3A_1311 = tpu.vector_load %arg4[%swap3A_1308, %swap3A_1309, %swap3A_1310] {strides = array<i32>} : memref<2x32x1000xf32, #tpu.memory_space<vmem>>, vector<16xf32>,
      tpu.vector_store %arg4[%swap3A_1308, %swap3A_1309, %swap3A_1310], %broadcast_in_dim3A_3 {strides = array<i32>} : memref<2x32x1000xf32, #tpu.memory_space<vmem>>, vector<16xf32>,
      %swap3A_1312 = arith.constant 0 : i32
      %swap3A_1313 = arith.index_cast %swap3A_1312 : i32 to index
      %swap3A_1314 = arith.index_cast %scan3A_1182 : i32 to index
      %swap3A_1315 = arith.constant 416 : index
      %swap3A_1316 = tpu.vector_load %arg4[%swap3A_1313, %swap3A_1314, %swap3A_1315] {strides = array<i32>} : memref<2x32x1000xf32, #tpu.memory_space<vmem>>, vector<16xf32>,
      tpu.vector_store %arg4[%swap3A_1313, %swap3A_1314, %swap3A_1315], %broadcast_in_dim3A_3 {strides = array<i32>} : memref<2x32x1000xf32, #tpu.memory_space<vmem>>, vector<16xf32>,
      %swap3A_1317 = arith.constant 0 : i32
      %swap3A_1318 = arith.index_cast %swap3A_1317 : i32 to index
      %swap3A_1319 = arith.index_cast %scan3A_1182 : i32 to index
      %swap3A_1320 = arith.constant 432 : index
      %swap3A_1321 = tpu.vector_load %arg4[%swap3A_1318, %swap3A_1319, %swap3A_1320] {strides = array<i32>} : memref<2x32x1000xf32, #tpu.memory_space<vmem>>, vector<16xf32>,
      tpu.vector_store %arg4[%swap3A_1318, %swap3A_1319, %swap3A_1320], %broadcast_in_dim3A_3 {strides = array<i32>} : memref<2x32x1000xf32, #tpu.memory_space<vmem>>, vector<16xf32>,
      %swap3A_1322 = arith.constant 0 : i32
      %swap3A_1323 = arith.index_cast %swap3A_1322 : i32 to index
      %swap3A_1324 = arith.index_cast %scan3A_1182 : i32 to index
      %swap3A_1325 = arith.constant 448 : index
      %swap3A_1326 = tpu.vector_load %arg4[%swap3A_1323, %swap3A_1324, %swap3A_1325] {strides = array<i32>} : memref<2x32x1000xf32, #tpu.memory_space<vmem>>, vector<16xf32>,
      tpu.vector_store %arg4[%swap3A_1323, %swap3A_1324, %swap3A_1325], %broadcast_in_dim3A_3 {strides = array<i32>} : memref<2x32x1000xf32, #tpu.memory_space<vmem>>, vector<16xf32>,
      %swap3A_1327 = arith.constant 0 : i32
      %swap3A_1328 = arith.index_cast %swap3A_1327 : i32 to index
      %swap3A_1329 = arith.index_cast %scan3A_1182 : i32 to index
      %swap3A_1330 = arith.constant 464 : index
      %swap3A_1331 = tpu.vector_load %arg4[%swap3A_1328, %swap3A_1329, %swap3A_1330] {strides = array<i32>} : memref<2x32x1000xf32, #tpu.memory_space<vmem>>, vector<16xf32>,
      tpu.vector_store %arg4[%swap3A_1328, %swap3A_1329, %swap3A_1330], %broadcast_in_dim3A_3 {strides = array<i32>} : memref<2x32x1000xf32, #tpu.memory_space<vmem>>, vector<16xf32>,
      %swap3A_1332 = arith.constant 0 : i32
      %swap3A_1333 = arith.index_cast %swap3A_1332 : i32 to index
      %swap3A_1334 = arith.index_cast %scan3A_1182 : i32 to index
      %swap3A_1335 = arith.constant 480 : index
      %swap3A_1336 = tpu.vector_load %arg4[%swap3A_1333, %swap3A_1334, %swap3A_1335] {strides = array<i32>} : memref<2x32x1000xf32, #tpu.memory_space<vmem>>, vector<16xf32>,
      tpu.vector_store %arg4[%swap3A_1333, %swap3A_1334, %swap3A_1335], %broadcast_in_dim3A_3 {strides = array<i32>} : memref<2x32x1000xf32, #tpu.memory_space<vmem>>, vector<16xf32>,
      %swap3A_1337 = arith.constant 0 : i32
      %swap3A_1338 = arith.index_cast %swap3A_1337 : i32 to index
      %swap3A_1339 = arith.index_cast %scan3A_1182 : i32 to index
      %swap3A_1340 = arith.constant 496 : index
      %swap3A_1341 = tpu.vector_load %arg4[%swap3A_1338, %swap3A_1339, %swap3A_1340] {strides = array<i32>} : memref<2x32x1000xf32, #tpu.memory_space<vmem>>, vector<16xf32>,
      tpu.vector_store %arg4[%swap3A_1338, %swap3A_1339, %swap3A_1340], %broadcast_in_dim3A_3 {strides = array<i32>} : memref<2x32x1000xf32, #tpu.memory_space<vmem>>, vector<16xf32>,
      %swap3A_1342 = arith.constant 0 : i32
      %swap3A_1343 = arith.index_cast %swap3A_1342 : i32 to index
      %swap3A_1344 = arith.index_cast %scan3A_1182 : i32 to index
      %swap3A_1345 = arith.constant 512 : index
      %swap3A_1346 = tpu.vector_load %arg4[%swap3A_1343, %swap3A_1344, %swap3A_1345] {strides = array<i32>} : memref<2x32x1000xf32, #tpu.memory_space<vmem>>, vector<16xf32>,
      tpu.vector_store %arg4[%swap3A_1343, %swap3A_1344, %swap3A_1345], %broadcast_in_dim3A_3 {strides = array<i32>} : memref<2x32x1000xf32, #tpu.memory_space<vmem>>, vector<16xf32>,
      %swap3A_1347 = arith.constant 0 : i32
      %swap3A_1348 = arith.index_cast %swap3A_1347 : i32 to index
      %swap3A_1349 = arith.index_cast %scan3A_1182 : i32 to index
      %swap3A_1350 = arith.constant 528 : index
      %swap3A_1351 = tpu.vector_load %arg4[%swap3A_1348, %swap3A_1349, %swap3A_1350] {strides = array<i32>} : memref<2x32x1000xf32, #tpu.memory_space<vmem>>, vector<16xf32>,
      tpu.vector_store %arg4[%swap3A_1348, %swap3A_1349, %swap3A_1350], %broadcast_in_dim3A_3 {strides = array<i32>} : memref<2x32x1000xf32, #tpu.memory_space<vmem>>, vector<16xf32>,
      %swap3A_1352 = arith.constant 0 : i32
      %swap3A_1353 = arith.index_cast %swap3A_1352 : i32 to index
      %swap3A_1354 = arith.index_cast %scan3A_1182 : i32 to index
      %swap3A_1355 = arith.constant 544 : index
      %swap3A_1356 = tpu.vector_load %arg4[%swap3A_1353, %swap3A_1354, %swap3A_1355] {strides = array<i32>} : memref<2x32x1000xf32, #tpu.memory_space<vmem>>, vector<16xf32>,
      tpu.vector_store %arg4[%swap3A_1353, %swap3A_1354, %swap3A_1355], %broadcast_in_dim3A_3 {strides = array<i32>} : memref<2x32x1000xf32, #tpu.memory_space<vmem>>, vector<16xf32>,
      %swap3A_1357 = arith.constant 0 : i32
      %swap3A_1358 = arith.index_cast %swap3A_1357 : i32 to index
      %swap3A_1359 = arith.index_cast %scan3A_1182 : i32 to index
      %swap3A_1360 = arith.constant 560 : index
      %swap3A_1361 = tpu.vector_load %arg4[%swap3A_1358, %swap3A_1359, %swap3A_1360] {strides = array<i32>} : memref<2x32x1000xf32, #tpu.memory_space<vmem>>, vector<16xf32>,
      tpu.vector_store %arg4[%swap3A_1358, %swap3A_1359, %swap3A_1360], %broadcast_in_dim3A_3 {strides = array<i32>} : memref<2x32x1000xf32, #tpu.memory_space<vmem>>, vector<16xf32>,
      %swap3A_1362 = arith.constant 0 : i32
      %swap3A_1363 = arith.index_cast %swap3A_1362 : i32 to index
      %swap3A_1364 = arith.index_cast %scan3A_1182 : i32 to index
      %swap3A_1365 = arith.constant 576 : index
      %swap3A_1366 = tpu.vector_load %arg4[%swap3A_1363, %swap3A_1364, %swap3A_1365] {strides = array<i32>} : memref<2x32x1000xf32, #tpu.memory_space<vmem>>, vector<16xf32>,
      tpu.vector_store %arg4[%swap3A_1363, %swap3A_1364, %swap3A_1365], %broadcast_in_dim3A_3 {strides = array<i32>} : memref<2x32x1000xf32, #tpu.memory_space<vmem>>, vector<16xf32>,
      %swap3A_1367 = arith.constant 0 : i32
      %swap3A_1368 = arith.index_cast %swap3A_1367 : i32 to index
      %swap3A_1369 = arith.index_cast %scan3A_1182 : i32 to index
      %swap3A_1370 = arith.constant 592 : index
      %swap3A_1371 = tpu.vector_load %arg4[%swap3A_1368, %swap3A_1369, %swap3A_1370] {strides = array<i32>} : memref<2x32x1000xf32, #tpu.memory_space<vmem>>, vector<16xf32>,
      tpu.vector_store %arg4[%swap3A_1368, %swap3A_1369, %swap3A_1370], %broadcast_in_dim3A_3 {strides = array<i32>} : memref<2x32x1000xf32, #tpu.memory_space<vmem>>, vector<16xf32>,
      %swap3A_1372 = arith.constant 0 : i32
      %swap3A_1373 = arith.index_cast %swap3A_1372 : i32 to index
      %swap3A_1374 = arith.index_cast %scan3A_1182 : i32 to index
      %swap3A_1375 = arith.constant 608 : index
      %swap3A_1376 = tpu.vector_load %arg4[%swap3A_1373, %swap3A_1374, %swap3A_1375] {strides = array<i32>} : memref<2x32x1000xf32, #tpu.memory_space<vmem>>, vector<16xf32>,
      tpu.vector_store %arg4[%swap3A_1373, %swap3A_1374, %swap3A_1375], %broadcast_in_dim3A_3 {strides = array<i32>} : memref<2x32x1000xf32, #tpu.memory_space<vmem>>, vector<16xf32>,
      %swap3A_1377 = arith.constant 0 : i32
      %swap3A_1378 = arith.index_cast %swap3A_1377 : i32 to index
      %swap3A_1379 = arith.index_cast %scan3A_1182 : i32 to index
      %swap3A_1380 = arith.constant 624 : index
      %swap3A_1381 = tpu.vector_load %arg4[%swap3A_1378, %swap3A_1379, %swap3A_1380] {strides = array<i32>} : memref<2x32x1000xf32, #tpu.memory_space<vmem>>, vector<16xf32>,
      tpu.vector_store %arg4[%swap3A_1378, %swap3A_1379, %swap3A_1380], %broadcast_in_dim3A_3 {strides = array<i32>} : memref<2x32x1000xf32, #tpu.memory_space<vmem>>, vector<16xf32>,
      %swap3A_1382 = arith.constant 0 : i32
      %swap3A_1383 = arith.index_cast %swap3A_1382 : i32 to index
      %swap3A_1384 = arith.index_cast %scan3A_1182 : i32 to index
      %swap3A_1385 = arith.constant 640 : index
      %swap3A_1386 = tpu.vector_load %arg4[%swap3A_1383, %swap3A_1384, %swap3A_1385] {strides = array<i32>} : memref<2x32x1000xf32, #tpu.memory_space<vmem>>, vector<16xf32>,
      tpu.vector_store %arg4[%swap3A_1383, %swap3A_1384, %swap3A_1385], %broadcast_in_dim3A_3 {strides = array<i32>} : memref<2x32x1000xf32, #tpu.memory_space<vmem>>, vector<16xf32>,
      %swap3A_1387 = arith.constant 0 : i32
      %swap3A_1388 = arith.index_cast %swap3A_1387 : i32 to index
      %swap3A_1389 = arith.index_cast %scan3A_1182 : i32 to index
      %swap3A_1390 = arith.constant 656 : index
      %swap3A_1391 = tpu.vector_load %arg4[%swap3A_1388, %swap3A_1389, %swap3A_1390] {strides = array<i32>} : memref<2x32x1000xf32, #tpu.memory_space<vmem>>, vector<16xf32>,
      tpu.vector_store %arg4[%swap3A_1388, %swap3A_1389, %swap3A_1390], %broadcast_in_dim3A_3 {strides = array<i32>} : memref<2x32x1000xf32, #tpu.memory_space<vmem>>, vector<16xf32>,
      %swap3A_1392 = arith.constant 0 : i32
      %swap3A_1393 = arith.index_cast %swap3A_1392 : i32 to index
      %swap3A_1394 = arith.index_cast %scan3A_1182 : i32 to index
      %swap3A_1395 = arith.constant 672 : index
      %swap3A_1396 = tpu.vector_load %arg4[%swap3A_1393, %swap3A_1394, %swap3A_1395] {strides = array<i32>} : memref<2x32x1000xf32, #tpu.memory_space<vmem>>, vector<16xf32>,
      tpu.vector_store %arg4[%swap3A_1393, %swap3A_1394, %swap3A_1395], %broadcast_in_dim3A_3 {strides = array<i32>} : memref<2x32x1000xf32, #tpu.memory_space<vmem>>, vector<16xf32>,
      %swap3A_1397 = arith.constant 0 : i32
      %swap3A_1398 = arith.index_cast %swap3A_1397 : i32 to index
      %swap3A_1399 = arith.index_cast %scan3A_1182 : i32 to index
      %swap3A_1400 = arith.constant 688 : index
      %swap3A_1401 = tpu.vector_load %arg4[%swap3A_1398, %swap3A_1399, %swap3A_1400] {strides = array<i32>} : memref<2x32x1000xf32, #tpu.memory_space<vmem>>, vector<16xf32>,
      tpu.vector_store %arg4[%swap3A_1398, %swap3A_1399, %swap3A_1400], %broadcast_in_dim3A_3 {strides = array<i32>} : memref<2x32x1000xf32, #tpu.memory_space<vmem>>, vector<16xf32>,
      %swap3A_1402 = arith.constant 0 : i32
      %swap3A_1403 = arith.index_cast %swap3A_1402 : i32 to index
      %swap3A_1404 = arith.index_cast %scan3A_1182 : i32 to index
      %swap3A_1405 = arith.constant 704 : index
      %swap3A_1406 = tpu.vector_load %arg4[%swap3A_1403, %swap3A_1404, %swap3A_1405] {strides = array<i32>} : memref<2x32x1000xf32, #tpu.memory_space<vmem>>, vector<16xf32>,
      tpu.vector_store %arg4[%swap3A_1403, %swap3A_1404, %swap3A_1405], %broadcast_in_dim3A_3 {strides = array<i32>} : memref<2x32x1000xf32, #tpu.memory_space<vmem>>, vector<16xf32>,
      %swap3A_1407 = arith.constant 0 : i32
      %swap3A_1408 = arith.index_cast %swap3A_1407 : i32 to index
      %swap3A_1409 = arith.index_cast %scan3A_1182 : i32 to index
      %swap3A_1410 = arith.constant 720 : index
      %swap3A_1411 = tpu.vector_load %arg4[%swap3A_1408, %swap3A_1409, %swap3A_1410] {strides = array<i32>} : memref<2x32x1000xf32, #tpu.memory_space<vmem>>, vector<16xf32>,
      tpu.vector_store %arg4[%swap3A_1408, %swap3A_1409, %swap3A_1410], %broadcast_in_dim3A_3 {strides = array<i32>} : memref<2x32x1000xf32, #tpu.memory_space<vmem>>, vector<16xf32>,
      %swap3A_1412 = arith.constant 0 : i32
      %swap3A_1413 = arith.index_cast %swap3A_1412 : i32 to index
      %swap3A_1414 = arith.index_cast %scan3A_1182 : i32 to index
      %swap3A_1415 = arith.constant 736 : index
      %swap3A_1416 = tpu.vector_load %arg4[%swap3A_1413, %swap3A_1414, %swap3A_1415] {strides = array<i32>} : memref<2x32x1000xf32, #tpu.memory_space<vmem>>, vector<16xf32>,
      tpu.vector_store %arg4[%swap3A_1413, %swap3A_1414, %swap3A_1415], %broadcast_in_dim3A_3 {strides = array<i32>} : memref<2x32x1000xf32, #tpu.memory_space<vmem>>, vector<16xf32>,
      %swap3A_1417 = arith.constant 0 : i32
      %swap3A_1418 = arith.index_cast %swap3A_1417 : i32 to index
      %swap3A_1419 = arith.index_cast %scan3A_1182 : i32 to index
      %swap3A_1420 = arith.constant 752 : index
      %swap3A_1421 = tpu.vector_load %arg4[%swap3A_1418, %swap3A_1419, %swap3A_1420] {strides = array<i32>} : memref<2x32x1000xf32, #tpu.memory_space<vmem>>, vector<16xf32>,
      tpu.vector_store %arg4[%swap3A_1418, %swap3A_1419, %swap3A_1420], %broadcast_in_dim3A_3 {strides = array<i32>} : memref<2x32x1000xf32, #tpu.memory_space<vmem>>, vector<16xf32>,
      %swap3A_1422 = arith.constant 0 : i32
      %swap3A_1423 = arith.index_cast %swap3A_1422 : i32 to index
      %swap3A_1424 = arith.index_cast %scan3A_1182 : i32 to index
      %swap3A_1425 = arith.constant 768 : index
      %swap3A_1426 = tpu.vector_load %arg4[%swap3A_1423, %swap3A_1424, %swap3A_1425] {strides = array<i32>} : memref<2x32x1000xf32, #tpu.memory_space<vmem>>, vector<16xf32>,
      tpu.vector_store %arg4[%swap3A_1423, %swap3A_1424, %swap3A_1425], %broadcast_in_dim3A_3 {strides = array<i32>} : memref<2x32x1000xf32, #tpu.memory_space<vmem>>, vector<16xf32>,
      %swap3A_1427 = arith.constant 0 : i32
      %swap3A_1428 = arith.index_cast %swap3A_1427 : i32 to index
      %swap3A_1429 = arith.index_cast %scan3A_1182 : i32 to index
      %swap3A_1430 = arith.constant 784 : index
      %swap3A_1431 = tpu.vector_load %arg4[%swap3A_1428, %swap3A_1429, %swap3A_1430] {strides = array<i32>} : memref<2x32x1000xf32, #tpu.memory_space<vmem>>, vector<16xf32>,
      tpu.vector_store %arg4[%swap3A_1428, %swap3A_1429, %swap3A_1430], %broadcast_in_dim3A_3 {strides = array<i32>} : memref<2x32x1000xf32, #tpu.memory_space<vmem>>, vector<16xf32>,
      %swap3A_1432 = arith.constant 0 : i32
      %swap3A_1433 = arith.index_cast %swap3A_1432 : i32 to index
      %swap3A_1434 = arith.index_cast %scan3A_1182 : i32 to index
      %swap3A_1435 = arith.constant 800 : index
      %swap3A_1436 = tpu.vector_load %arg4[%swap3A_1433, %swap3A_1434, %swap3A_1435] {strides = array<i32>} : memref<2x32x1000xf32, #tpu.memory_space<vmem>>, vector<16xf32>,
      tpu.vector_store %arg4[%swap3A_1433, %swap3A_1434, %swap3A_1435], %broadcast_in_dim3A_3 {strides = array<i32>} : memref<2x32x1000xf32, #tpu.memory_space<vmem>>, vector<16xf32>,
      %swap3A_1437 = arith.constant 0 : i32
      %swap3A_1438 = arith.index_cast %swap3A_1437 : i32 to index
      %swap3A_1439 = arith.index_cast %scan3A_1182 : i32 to index
      %swap3A_1440 = arith.constant 816 : index
      %swap3A_1441 = tpu.vector_load %arg4[%swap3A_1438, %swap3A_1439, %swap3A_1440] {strides = array<i32>} : memref<2x32x1000xf32, #tpu.memory_space<vmem>>, vector<16xf32>,
      tpu.vector_store %arg4[%swap3A_1438, %swap3A_1439, %swap3A_1440], %broadcast_in_dim3A_3 {strides = array<i32>} : memref<2x32x1000xf32, #tpu.memory_space<vmem>>, vector<16xf32>,
      %swap3A_1442 = arith.constant 0 : i32
      %swap3A_1443 = arith.index_cast %swap3A_1442 : i32 to index
      %swap3A_1444 = arith.index_cast %scan3A_1182 : i32 to index
      %swap3A_1445 = arith.constant 832 : index
      %swap3A_1446 = tpu.vector_load %arg4[%swap3A_1443, %swap3A_1444, %swap3A_1445] {strides = array<i32>} : memref<2x32x1000xf32, #tpu.memory_space<vmem>>, vector<16xf32>,
      tpu.vector_store %arg4[%swap3A_1443, %swap3A_1444, %swap3A_1445], %broadcast_in_dim3A_3 {strides = array<i32>} : memref<2x32x1000xf32, #tpu.memory_space<vmem>>, vector<16xf32>,
      %swap3A_1447 = arith.constant 0 : i32
      %swap3A_1448 = arith.index_cast %swap3A_1447 : i32 to index
      %swap3A_1449 = arith.index_cast %scan3A_1182 : i32 to index
      %swap3A_1450 = arith.constant 848 : index
      %swap3A_1451 = tpu.vector_load %arg4[%swap3A_1448, %swap3A_1449, %swap3A_1450] {strides = array<i32>} : memref<2x32x1000xf32, #tpu.memory_space<vmem>>, vector<16xf32>,
      tpu.vector_store %arg4[%swap3A_1448, %swap3A_1449, %swap3A_1450], %broadcast_in_dim3A_3 {strides = array<i32>} : memref<2x32x1000xf32, #tpu.memory_space<vmem>>, vector<16xf32>,
      %swap3A_1452 = arith.constant 0 : i32
      %swap3A_1453 = arith.index_cast %swap3A_1452 : i32 to index
      %swap3A_1454 = arith.index_cast %scan3A_1182 : i32 to index
      %swap3A_1455 = arith.constant 864 : index
      %swap3A_1456 = tpu.vector_load %arg4[%swap3A_1453, %swap3A_1454, %swap3A_1455] {strides = array<i32>} : memref<2x32x1000xf32, #tpu.memory_space<vmem>>, vector<16xf32>,
      tpu.vector_store %arg4[%swap3A_1453, %swap3A_1454, %swap3A_1455], %broadcast_in_dim3A_3 {strides = array<i32>} : memref<2x32x1000xf32, #tpu.memory_space<vmem>>, vector<16xf32>,
      %swap3A_1457 = arith.constant 0 : i32
      %swap3A_1458 = arith.index_cast %swap3A_1457 : i32 to index
      %swap3A_1459 = arith.index_cast %scan3A_1182 : i32 to index
      %swap3A_1460 = arith.constant 880 : index
      %swap3A_1461 = tpu.vector_load %arg4[%swap3A_1458, %swap3A_1459, %swap3A_1460] {strides = array<i32>} : memref<2x32x1000xf32, #tpu.memory_space<vmem>>, vector<16xf32>,
      tpu.vector_store %arg4[%swap3A_1458, %swap3A_1459, %swap3A_1460], %broadcast_in_dim3A_3 {strides = array<i32>} : memref<2x32x1000xf32, #tpu.memory_space<vmem>>, vector<16xf32>,
      %swap3A_1462 = arith.constant 0 : i32
      %swap3A_1463 = arith.index_cast %swap3A_1462 : i32 to index
      %swap3A_1464 = arith.index_cast %scan3A_1182 : i32 to index
      %swap3A_1465 = arith.constant 896 : index
      %swap3A_1466 = tpu.vector_load %arg4[%swap3A_1463, %swap3A_1464, %swap3A_1465] {strides = array<i32>} : memref<2x32x1000xf32, #tpu.memory_space<vmem>>, vector<16xf32>,
      tpu.vector_store %arg4[%swap3A_1463, %swap3A_1464, %swap3A_1465], %broadcast_in_dim3A_3 {strides = array<i32>} : memref<2x32x1000xf32, #tpu.memory_space<vmem>>, vector<16xf32>,
      %swap3A_1467 = arith.constant 0 : i32
      %swap3A_1468 = arith.index_cast %swap3A_1467 : i32 to index
      %swap3A_1469 = arith.index_cast %scan3A_1182 : i32 to index
      %swap3A_1470 = arith.constant 912 : index
      %swap3A_1471 = tpu.vector_load %arg4[%swap3A_1468, %swap3A_1469, %swap3A_1470] {strides = array<i32>} : memref<2x32x1000xf32, #tpu.memory_space<vmem>>, vector<16xf32>,
      tpu.vector_store %arg4[%swap3A_1468, %swap3A_1469, %swap3A_1470], %broadcast_in_dim3A_3 {strides = array<i32>} : memref<2x32x1000xf32, #tpu.memory_space<vmem>>, vector<16xf32>,
      %swap3A_1472 = arith.constant 0 : i32
      %swap3A_1473 = arith.index_cast %swap3A_1472 : i32 to index
      %swap3A_1474 = arith.index_cast %scan3A_1182 : i32 to index
      %swap3A_1475 = arith.constant 928 : index
      %swap3A_1476 = tpu.vector_load %arg4[%swap3A_1473, %swap3A_1474, %swap3A_1475] {strides = array<i32>} : memref<2x32x1000xf32, #tpu.memory_space<vmem>>, vector<16xf32>,
      tpu.vector_store %arg4[%swap3A_1473, %swap3A_1474, %swap3A_1475], %broadcast_in_dim3A_3 {strides = array<i32>} : memref<2x32x1000xf32, #tpu.memory_space<vmem>>, vector<16xf32>,
      %swap3A_1477 = arith.constant 0 : i32
      %swap3A_1478 = arith.index_cast %swap3A_1477 : i32 to index
      %swap3A_1479 = arith.index_cast %scan3A_1182 : i32 to index
      %swap3A_1480 = arith.constant 944 : index
      %swap3A_1481 = tpu.vector_load %arg4[%swap3A_1478, %swap3A_1479, %swap3A_1480] {strides = array<i32>} : memref<2x32x1000xf32, #tpu.memory_space<vmem>>, vector<16xf32>,
      tpu.vector_store %arg4[%swap3A_1478, %swap3A_1479, %swap3A_1480], %broadcast_in_dim3A_3 {strides = array<i32>} : memref<2x32x1000xf32, #tpu.memory_space<vmem>>, vector<16xf32>,
      %swap3A_1482 = arith.constant 0 : i32
      %swap3A_1483 = arith.index_cast %swap3A_1482 : i32 to index
      %swap3A_1484 = arith.index_cast %scan3A_1182 : i32 to index
      %swap3A_1485 = arith.constant 960 : index
      %swap3A_1486 = tpu.vector_load %arg4[%swap3A_1483, %swap3A_1484, %swap3A_1485] {strides = array<i32>} : memref<2x32x1000xf32, #tpu.memory_space<vmem>>, vector<16xf32>,
      tpu.vector_store %arg4[%swap3A_1483, %swap3A_1484, %swap3A_1485], %broadcast_in_dim3A_3 {strides = array<i32>} : memref<2x32x1000xf32, #tpu.memory_space<vmem>>, vector<16xf32>,
      %swap3A_1487 = arith.constant 0 : i32
      %swap3A_1488 = arith.index_cast %swap3A_1487 : i32 to index
      %swap3A_1489 = arith.index_cast %scan3A_1182 : i32 to index
      %swap3A_1490 = arith.constant 976 : index
      %swap3A_1491 = tpu.vector_load %arg4[%swap3A_1488, %swap3A_1489, %swap3A_1490] {strides = array<i32>} : memref<2x32x1000xf32, #tpu.memory_space<vmem>>, vector<16xf32>,
      tpu.vector_store %arg4[%swap3A_1488, %swap3A_1489, %swap3A_1490], %broadcast_in_dim3A_3 {strides = array<i32>} : memref<2x32x1000xf32, #tpu.memory_space<vmem>>, vector<16xf32>,
      %swap3A_1492 = arith.constant 0 : i32
      %swap3A_1493 = arith.index_cast %swap3A_1492 : i32 to index
      %swap3A_1494 = arith.index_cast %scan3A_1182 : i32 to index
      %swap3A_1495 = arith.constant 984 : index
      %swap3A_1496 = tpu.vector_load %arg4[%swap3A_1493, %swap3A_1494, %swap3A_1495] {strides = array<i32>} : memref<2x32x1000xf32, #tpu.memory_space<vmem>>, vector<16xf32>,
      tpu.vector_store %arg4[%swap3A_1493, %swap3A_1494, %swap3A_1495], %broadcast_in_dim3A_3 {strides = array<i32>} : memref<2x32x1000xf32, #tpu.memory_space<vmem>>, vector<16xf32>,
      %swap3A_1497 = arith.constant 1 : i32
      %swap3A_1498 = arith.index_cast %swap3A_1497 : i32 to index
      %swap3A_1499 = arith.index_cast %scan3A_1182 : i32 to index
      %swap3A_1500 = arith.constant 0 : index
      %swap3A_1501 = tpu.vector_load %arg4[%swap3A_1498, %swap3A_1499, %swap3A_1500] {strides = array<i32>} : memref<2x32x1000xf32, #tpu.memory_space<vmem>>, vector<16xf32>,
      tpu.vector_store %arg4[%swap3A_1498, %swap3A_1499, %swap3A_1500], %broadcast_in_dim3A_3 {strides = array<i32>} : memref<2x32x1000xf32, #tpu.memory_space<vmem>>, vector<16xf32>,
      %swap3A_1502 = arith.constant 1 : i32
      %swap3A_1503 = arith.index_cast %swap3A_1502 : i32 to index
      %swap3A_1504 = arith.index_cast %scan3A_1182 : i32 to index
      %swap3A_1505 = arith.constant 16 : index
      %swap3A_1506 = tpu.vector_load %arg4[%swap3A_1503, %swap3A_1504, %swap3A_1505] {strides = array<i32>} : memref<2x32x1000xf32, #tpu.memory_space<vmem>>, vector<16xf32>,
      tpu.vector_store %arg4[%swap3A_1503, %swap3A_1504, %swap3A_1505], %broadcast_in_dim3A_3 {strides = array<i32>} : memref<2x32x1000xf32, #tpu.memory_space<vmem>>, vector<16xf32>,
      %swap3A_1507 = arith.constant 1 : i32
      %swap3A_1508 = arith.index_cast %swap3A_1507 : i32 to index
      %swap3A_1509 = arith.index_cast %scan3A_1182 : i32 to index
      %swap3A_1510 = arith.constant 32 : index
      %swap3A_1511 = tpu.vector_load %arg4[%swap3A_1508, %swap3A_1509, %swap3A_1510] {strides = array<i32>} : memref<2x32x1000xf32, #tpu.memory_space<vmem>>, vector<16xf32>,
      tpu.vector_store %arg4[%swap3A_1508, %swap3A_1509, %swap3A_1510], %broadcast_in_dim3A_3 {strides = array<i32>} : memref<2x32x1000xf32, #tpu.memory_space<vmem>>, vector<16xf32>,
      %swap3A_1512 = arith.constant 1 : i32
      %swap3A_1513 = arith.index_cast %swap3A_1512 : i32 to index
      %swap3A_1514 = arith.index_cast %scan3A_1182 : i32 to index
      %swap3A_1515 = arith.constant 48 : index
      %swap3A_1516 = tpu.vector_load %arg4[%swap3A_1513, %swap3A_1514, %swap3A_1515] {strides = array<i32>} : memref<2x32x1000xf32, #tpu.memory_space<vmem>>, vector<16xf32>,
      tpu.vector_store %arg4[%swap3A_1513, %swap3A_1514, %swap3A_1515], %broadcast_in_dim3A_3 {strides = array<i32>} : memref<2x32x1000xf32, #tpu.memory_space<vmem>>, vector<16xf32>,
      %swap3A_1517 = arith.constant 1 : i32
      %swap3A_1518 = arith.index_cast %swap3A_1517 : i32 to index
      %swap3A_1519 = arith.index_cast %scan3A_1182 : i32 to index
      %swap3A_1520 = arith.constant 64 : index
      %swap3A_1521 = tpu.vector_load %arg4[%swap3A_1518, %swap3A_1519, %swap3A_1520] {strides = array<i32>} : memref<2x32x1000xf32, #tpu.memory_space<vmem>>, vector<16xf32>,
      tpu.vector_store %arg4[%swap3A_1518, %swap3A_1519, %swap3A_1520], %broadcast_in_dim3A_3 {strides = array<i32>} : memref<2x32x1000xf32, #tpu.memory_space<vmem>>, vector<16xf32>,
      %swap3A_1522 = arith.constant 1 : i32
      %swap3A_1523 = arith.index_cast %swap3A_1522 : i32 to index
      %swap3A_1524 = arith.index_cast %scan3A_1182 : i32 to index
      %swap3A_1525 = arith.constant 80 : index
      %swap3A_1526 = tpu.vector_load %arg4[%swap3A_1523, %swap3A_1524, %swap3A_1525] {strides = array<i32>} : memref<2x32x1000xf32, #tpu.memory_space<vmem>>, vector<16xf32>,
      tpu.vector_store %arg4[%swap3A_1523, %swap3A_1524, %swap3A_1525], %broadcast_in_dim3A_3 {strides = array<i32>} : memref<2x32x1000xf32, #tpu.memory_space<vmem>>, vector<16xf32>,
      %swap3A_1527 = arith.constant 1 : i32
      %swap3A_1528 = arith.index_cast %swap3A_1527 : i32 to index
      %swap3A_1529 = arith.index_cast %scan3A_1182 : i32 to index
      %swap3A_1530 = arith.constant 96 : index
      %swap3A_1531 = tpu.vector_load %arg4[%swap3A_1528, %swap3A_1529, %swap3A_1530] {strides = array<i32>} : memref<2x32x1000xf32, #tpu.memory_space<vmem>>, vector<16xf32>,
      tpu.vector_store %arg4[%swap3A_1528, %swap3A_1529, %swap3A_1530], %broadcast_in_dim3A_3 {strides = array<i32>} : memref<2x32x1000xf32, #tpu.memory_space<vmem>>, vector<16xf32>,
      %swap3A_1532 = arith.constant 1 : i32
      %swap3A_1533 = arith.index_cast %swap3A_1532 : i32 to index
      %swap3A_1534 = arith.index_cast %scan3A_1182 : i32 to index
      %swap3A_1535 = arith.constant 112 : index
      %swap3A_1536 = tpu.vector_load %arg4[%swap3A_1533, %swap3A_1534, %swap3A_1535] {strides = array<i32>} : memref<2x32x1000xf32, #tpu.memory_space<vmem>>, vector<16xf32>,
      tpu.vector_store %arg4[%swap3A_1533, %swap3A_1534, %swap3A_1535], %broadcast_in_dim3A_3 {strides = array<i32>} : memref<2x32x1000xf32, #tpu.memory_space<vmem>>, vector<16xf32>,
      %swap3A_1537 = arith.constant 1 : i32
      %swap3A_1538 = arith.index_cast %swap3A_1537 : i32 to index
      %swap3A_1539 = arith.index_cast %scan3A_1182 : i32 to index
      %swap3A_1540 = arith.constant 128 : index
      %swap3A_1541 = tpu.vector_load %arg4[%swap3A_1538, %swap3A_1539, %swap3A_1540] {strides = array<i32>} : memref<2x32x1000xf32, #tpu.memory_space<vmem>>, vector<16xf32>,
      tpu.vector_store %arg4[%swap3A_1538, %swap3A_1539, %swap3A_1540], %broadcast_in_dim3A_3 {strides = array<i32>} : memref<2x32x1000xf32, #tpu.memory_space<vmem>>, vector<16xf32>,
      %swap3A_1542 = arith.constant 1 : i32
      %swap3A_1543 = arith.index_cast %swap3A_1542 : i32 to index
      %swap3A_1544 = arith.index_cast %scan3A_1182 : i32 to index
      %swap3A_1545 = arith.constant 144 : index
      %swap3A_1546 = tpu.vector_load %arg4[%swap3A_1543, %swap3A_1544, %swap3A_1545] {strides = array<i32>} : memref<2x32x1000xf32, #tpu.memory_space<vmem>>, vector<16xf32>,
      tpu.vector_store %arg4[%swap3A_1543, %swap3A_1544, %swap3A_1545], %broadcast_in_dim3A_3 {strides = array<i32>} : memref<2x32x1000xf32, #tpu.memory_space<vmem>>, vector<16xf32>,
      %swap3A_1547 = arith.constant 1 : i32
      %swap3A_1548 = arith.index_cast %swap3A_1547 : i32 to index
      %swap3A_1549 = arith.index_cast %scan3A_1182 : i32 to index
      %swap3A_1550 = arith.constant 160 : index
      %swap3A_1551 = tpu.vector_load %arg4[%swap3A_1548, %swap3A_1549, %swap3A_1550] {strides = array<i32>} : memref<2x32x1000xf32, #tpu.memory_space<vmem>>, vector<16xf32>,
      tpu.vector_store %arg4[%swap3A_1548, %swap3A_1549, %swap3A_1550], %broadcast_in_dim3A_3 {strides = array<i32>} : memref<2x32x1000xf32, #tpu.memory_space<vmem>>, vector<16xf32>,
      %swap3A_1552 = arith.constant 1 : i32
      %swap3A_1553 = arith.index_cast %swap3A_1552 : i32 to index
      %swap3A_1554 = arith.index_cast %scan3A_1182 : i32 to index
      %swap3A_1555 = arith.constant 176 : index
      %swap3A_1556 = tpu.vector_load %arg4[%swap3A_1553, %swap3A_1554, %swap3A_1555] {strides = array<i32>} : memref<2x32x1000xf32, #tpu.memory_space<vmem>>, vector<16xf32>,
      tpu.vector_store %arg4[%swap3A_1553, %swap3A_1554, %swap3A_1555], %broadcast_in_dim3A_3 {strides = array<i32>} : memref<2x32x1000xf32, #tpu.memory_space<vmem>>, vector<16xf32>,
      %swap3A_1557 = arith.constant 1 : i32
      %swap3A_1558 = arith.index_cast %swap3A_1557 : i32 to index
      %swap3A_1559 = arith.index_cast %scan3A_1182 : i32 to index
      %swap3A_1560 = arith.constant 192 : index
      %swap3A_1561 = tpu.vector_load %arg4[%swap3A_1558, %swap3A_1559, %swap3A_1560] {strides = array<i32>} : memref<2x32x1000xf32, #tpu.memory_space<vmem>>, vector<16xf32>,
      tpu.vector_store %arg4[%swap3A_1558, %swap3A_1559, %swap3A_1560], %broadcast_in_dim3A_3 {strides = array<i32>} : memref<2x32x1000xf32, #tpu.memory_space<vmem>>, vector<16xf32>,
      %swap3A_1562 = arith.constant 1 : i32
      %swap3A_1563 = arith.index_cast %swap3A_1562 : i32 to index
      %swap3A_1564 = arith.index_cast %scan3A_1182 : i32 to index
      %swap3A_1565 = arith.constant 208 : index
      %swap3A_1566 = tpu.vector_load %arg4[%swap3A_1563, %swap3A_1564, %swap3A_1565] {strides = array<i32>} : memref<2x32x1000xf32, #tpu.memory_space<vmem>>, vector<16xf32>,
      tpu.vector_store %arg4[%swap3A_1563, %swap3A_1564, %swap3A_1565], %broadcast_in_dim3A_3 {strides = array<i32>} : memref<2x32x1000xf32, #tpu.memory_space<vmem>>, vector<16xf32>,
      %swap3A_1567 = arith.constant 1 : i32
      %swap3A_1568 = arith.index_cast %swap3A_1567 : i32 to index
      %swap3A_1569 = arith.index_cast %scan3A_1182 : i32 to index
      %swap3A_1570 = arith.constant 224 : index
      %swap3A_1571 = tpu.vector_load %arg4[%swap3A_1568, %swap3A_1569, %swap3A_1570] {strides = array<i32>} : memref<2x32x1000xf32, #tpu.memory_space<vmem>>, vector<16xf32>,
      tpu.vector_store %arg4[%swap3A_1568, %swap3A_1569, %swap3A_1570], %broadcast_in_dim3A_3 {strides = array<i32>} : memref<2x32x1000xf32, #tpu.memory_space<vmem>>, vector<16xf32>,
      %swap3A_1572 = arith.constant 1 : i32
      %swap3A_1573 = arith.index_cast %swap3A_1572 : i32 to index
      %swap3A_1574 = arith.index_cast %scan3A_1182 : i32 to index
      %swap3A_1575 = arith.constant 240 : index
      %swap3A_1576 = tpu.vector_load %arg4[%swap3A_1573, %swap3A_1574, %swap3A_1575] {strides = array<i32>} : memref<2x32x1000xf32, #tpu.memory_space<vmem>>, vector<16xf32>,
      tpu.vector_store %arg4[%swap3A_1573, %swap3A_1574, %swap3A_1575], %broadcast_in_dim3A_3 {strides = array<i32>} : memref<2x32x1000xf32, #tpu.memory_space<vmem>>, vector<16xf32>,
      %swap3A_1577 = arith.constant 1 : i32
      %swap3A_1578 = arith.index_cast %swap3A_1577 : i32 to index
      %swap3A_1579 = arith.index_cast %scan3A_1182 : i32 to index
      %swap3A_1580 = arith.constant 256 : index
      %swap3A_1581 = tpu.vector_load %arg4[%swap3A_1578, %swap3A_1579, %swap3A_1580] {strides = array<i32>} : memref<2x32x1000xf32, #tpu.memory_space<vmem>>, vector<16xf32>,
      tpu.vector_store %arg4[%swap3A_1578, %swap3A_1579, %swap3A_1580], %broadcast_in_dim3A_3 {strides = array<i32>} : memref<2x32x1000xf32, #tpu.memory_space<vmem>>, vector<16xf32>,
      %swap3A_1582 = arith.constant 1 : i32
      %swap3A_1583 = arith.index_cast %swap3A_1582 : i32 to index
      %swap3A_1584 = arith.index_cast %scan3A_1182 : i32 to index
      %swap3A_1585 = arith.constant 272 : index
      %swap3A_1586 = tpu.vector_load %arg4[%swap3A_1583, %swap3A_1584, %swap3A_1585] {strides = array<i32>} : memref<2x32x1000xf32, #tpu.memory_space<vmem>>, vector<16xf32>,
      tpu.vector_store %arg4[%swap3A_1583, %swap3A_1584, %swap3A_1585], %broadcast_in_dim3A_3 {strides = array<i32>} : memref<2x32x1000xf32, #tpu.memory_space<vmem>>, vector<16xf32>,
      %swap3A_1587 = arith.constant 1 : i32
      %swap3A_1588 = arith.index_cast %swap3A_1587 : i32 to index
      %swap3A_1589 = arith.index_cast %scan3A_1182 : i32 to index
      %swap3A_1590 = arith.constant 288 : index
      %swap3A_1591 = tpu.vector_load %arg4[%swap3A_1588, %swap3A_1589, %swap3A_1590] {strides = array<i32>} : memref<2x32x1000xf32, #tpu.memory_space<vmem>>, vector<16xf32>,
      tpu.vector_store %arg4[%swap3A_1588, %swap3A_1589, %swap3A_1590], %broadcast_in_dim3A_3 {strides = array<i32>} : memref<2x32x1000xf32, #tpu.memory_space<vmem>>, vector<16xf32>,
      %swap3A_1592 = arith.constant 1 : i32
      %swap3A_1593 = arith.index_cast %swap3A_1592 : i32 to index
      %swap3A_1594 = arith.index_cast %scan3A_1182 : i32 to index
      %swap3A_1595 = arith.constant 304 : index
      %swap3A_1596 = tpu.vector_load %arg4[%swap3A_1593, %swap3A_1594, %swap3A_1595] {strides = array<i32>} : memref<2x32x1000xf32, #tpu.memory_space<vmem>>, vector<16xf32>,
      tpu.vector_store %arg4[%swap3A_1593, %swap3A_1594, %swap3A_1595], %broadcast_in_dim3A_3 {strides = array<i32>} : memref<2x32x1000xf32, #tpu.memory_space<vmem>>, vector<16xf32>,
      %swap3A_1597 = arith.constant 1 : i32
      %swap3A_1598 = arith.index_cast %swap3A_1597 : i32 to index
      %swap3A_1599 = arith.index_cast %scan3A_1182 : i32 to index
      %swap3A_1600 = arith.constant 320 : index
      %swap3A_1601 = tpu.vector_load %arg4[%swap3A_1598, %swap3A_1599, %swap3A_1600] {strides = array<i32>} : memref<2x32x1000xf32, #tpu.memory_space<vmem>>, vector<16xf32>,
      tpu.vector_store %arg4[%swap3A_1598, %swap3A_1599, %swap3A_1600], %broadcast_in_dim3A_3 {strides = array<i32>} : memref<2x32x1000xf32, #tpu.memory_space<vmem>>, vector<16xf32>,
      %swap3A_1602 = arith.constant 1 : i32
      %swap3A_1603 = arith.index_cast %swap3A_1602 : i32 to index
      %swap3A_1604 = arith.index_cast %scan3A_1182 : i32 to index
      %swap3A_1605 = arith.constant 336 : index
      %swap3A_1606 = tpu.vector_load %arg4[%swap3A_1603, %swap3A_1604, %swap3A_1605] {strides = array<i32>} : memref<2x32x1000xf32, #tpu.memory_space<vmem>>, vector<16xf32>,
      tpu.vector_store %arg4[%swap3A_1603, %swap3A_1604, %swap3A_1605], %broadcast_in_dim3A_3 {strides = array<i32>} : memref<2x32x1000xf32, #tpu.memory_space<vmem>>, vector<16xf32>,
      %swap3A_1607 = arith.constant 1 : i32
      %swap3A_1608 = arith.index_cast %swap3A_1607 : i32 to index
      %swap3A_1609 = arith.index_cast %scan3A_1182 : i32 to index
      %swap3A_1610 = arith.constant 352 : index
      %swap3A_1611 = tpu.vector_load %arg4[%swap3A_1608, %swap3A_1609, %swap3A_1610] {strides = array<i32>} : memref<2x32x1000xf32, #tpu.memory_space<vmem>>, vector<16xf32>,
      tpu.vector_store %arg4[%swap3A_1608, %swap3A_1609, %swap3A_1610], %broadcast_in_dim3A_3 {strides = array<i32>} : memref<2x32x1000xf32, #tpu.memory_space<vmem>>, vector<16xf32>,
      %swap3A_1612 = arith.constant 1 : i32
      %swap3A_1613 = arith.index_cast %swap3A_1612 : i32 to index
      %swap3A_1614 = arith.index_cast %scan3A_1182 : i32 to index
      %swap3A_1615 = arith.constant 368 : index
      %swap3A_1616 = tpu.vector_load %arg4[%swap3A_1613, %swap3A_1614, %swap3A_1615] {strides = array<i32>} : memref<2x32x1000xf32, #tpu.memory_space<vmem>>, vector<16xf32>,
      tpu.vector_store %arg4[%swap3A_1613, %swap3A_1614, %swap3A_1615], %broadcast_in_dim3A_3 {strides = array<i32>} : memref<2x32x1000xf32, #tpu.memory_space<vmem>>, vector<16xf32>,
      %swap3A_1617 = arith.constant 1 : i32
      %swap3A_1618 = arith.index_cast %swap3A_1617 : i32 to index
      %swap3A_1619 = arith.index_cast %scan3A_1182 : i32 to index
      %swap3A_1620 = arith.constant 384 : index
      %swap3A_1621 = tpu.vector_load %arg4[%swap3A_1618, %swap3A_1619, %swap3A_1620] {strides = array<i32>} : memref<2x32x1000xf32, #tpu.memory_space<vmem>>, vector<16xf32>,
      tpu.vector_store %arg4[%swap3A_1618, %swap3A_1619, %swap3A_1620], %broadcast_in_dim3A_3 {strides = array<i32>} : memref<2x32x1000xf32, #tpu.memory_space<vmem>>, vector<16xf32>,
      %swap3A_1622 = arith.constant 1 : i32
      %swap3A_1623 = arith.index_cast %swap3A_1622 : i32 to index
      %swap3A_1624 = arith.index_cast %scan3A_1182 : i32 to index
      %swap3A_1625 = arith.constant 400 : index
      %swap3A_1626 = tpu.vector_load %arg4[%swap3A_1623, %swap3A_1624, %swap3A_1625] {strides = array<i32>} : memref<2x32x1000xf32, #tpu.memory_space<vmem>>, vector<16xf32>,
      tpu.vector_store %arg4[%swap3A_1623, %swap3A_1624, %swap3A_1625], %broadcast_in_dim3A_3 {strides = array<i32>} : memref<2x32x1000xf32, #tpu.memory_space<vmem>>, vector<16xf32>,
      %swap3A_1627 = arith.constant 1 : i32
      %swap3A_1628 = arith.index_cast %swap3A_1627 : i32 to index
      %swap3A_1629 = arith.index_cast %scan3A_1182 : i32 to index
      %swap3A_1630 = arith.constant 416 : index
      %swap3A_1631 = tpu.vector_load %arg4[%swap3A_1628, %swap3A_1629, %swap3A_1630] {strides = array<i32>} : memref<2x32x1000xf32, #tpu.memory_space<vmem>>, vector<16xf32>,
      tpu.vector_store %arg4[%swap3A_1628, %swap3A_1629, %swap3A_1630], %broadcast_in_dim3A_3 {strides = array<i32>} : memref<2x32x1000xf32, #tpu.memory_space<vmem>>, vector<16xf32>,
      %swap3A_1632 = arith.constant 1 : i32
      %swap3A_1633 = arith.index_cast %swap3A_1632 : i32 to index
      %swap3A_1634 = arith.index_cast %scan3A_1182 : i32 to index
      %swap3A_1635 = arith.constant 432 : index
      %swap3A_1636 = tpu.vector_load %arg4[%swap3A_1633, %swap3A_1634, %swap3A_1635] {strides = array<i32>} : memref<2x32x1000xf32, #tpu.memory_space<vmem>>, vector<16xf32>,
      tpu.vector_store %arg4[%swap3A_1633, %swap3A_1634, %swap3A_1635], %broadcast_in_dim3A_3 {strides = array<i32>} : memref<2x32x1000xf32, #tpu.memory_space<vmem>>, vector<16xf32>,
      %swap3A_1637 = arith.constant 1 : i32
      %swap3A_1638 = arith.index_cast %swap3A_1637 : i32 to index
      %swap3A_1639 = arith.index_cast %scan3A_1182 : i32 to index
      %swap3A_1640 = arith.constant 448 : index
      %swap3A_1641 = tpu.vector_load %arg4[%swap3A_1638, %swap3A_1639, %swap3A_1640] {strides = array<i32>} : memref<2x32x1000xf32, #tpu.memory_space<vmem>>, vector<16xf32>,
      tpu.vector_store %arg4[%swap3A_1638, %swap3A_1639, %swap3A_1640], %broadcast_in_dim3A_3 {strides = array<i32>} : memref<2x32x1000xf32, #tpu.memory_space<vmem>>, vector<16xf32>,
      %swap3A_1642 = arith.constant 1 : i32
      %swap3A_1643 = arith.index_cast %swap3A_1642 : i32 to index
      %swap3A_1644 = arith.index_cast %scan3A_1182 : i32 to index
      %swap3A_1645 = arith.constant 464 : index
      %swap3A_1646 = tpu.vector_load %arg4[%swap3A_1643, %swap3A_1644, %swap3A_1645] {strides = array<i32>} : memref<2x32x1000xf32, #tpu.memory_space<vmem>>, vector<16xf32>,
      tpu.vector_store %arg4[%swap3A_1643, %swap3A_1644, %swap3A_1645], %broadcast_in_dim3A_3 {strides = array<i32>} : memref<2x32x1000xf32, #tpu.memory_space<vmem>>, vector<16xf32>,
      %swap3A_1647 = arith.constant 1 : i32
      %swap3A_1648 = arith.index_cast %swap3A_1647 : i32 to index
      %swap3A_1649 = arith.index_cast %scan3A_1182 : i32 to index
      %swap3A_1650 = arith.constant 480 : index
      %swap3A_1651 = tpu.vector_load %arg4[%swap3A_1648, %swap3A_1649, %swap3A_1650] {strides = array<i32>} : memref<2x32x1000xf32, #tpu.memory_space<vmem>>, vector<16xf32>,
      tpu.vector_store %arg4[%swap3A_1648, %swap3A_1649, %swap3A_1650], %broadcast_in_dim3A_3 {strides = array<i32>} : memref<2x32x1000xf32, #tpu.memory_space<vmem>>, vector<16xf32>,
      %swap3A_1652 = arith.constant 1 : i32
      %swap3A_1653 = arith.index_cast %swap3A_1652 : i32 to index
      %swap3A_1654 = arith.index_cast %scan3A_1182 : i32 to index
      %swap3A_1655 = arith.constant 496 : index
      %swap3A_1656 = tpu.vector_load %arg4[%swap3A_1653, %swap3A_1654, %swap3A_1655] {strides = array<i32>} : memref<2x32x1000xf32, #tpu.memory_space<vmem>>, vector<16xf32>,
      tpu.vector_store %arg4[%swap3A_1653, %swap3A_1654, %swap3A_1655], %broadcast_in_dim3A_3 {strides = array<i32>} : memref<2x32x1000xf32, #tpu.memory_space<vmem>>, vector<16xf32>,
      %swap3A_1657 = arith.constant 1 : i32
      %swap3A_1658 = arith.index_cast %swap3A_1657 : i32 to index
      %swap3A_1659 = arith.index_cast %scan3A_1182 : i32 to index
      %swap3A_1660 = arith.constant 512 : index
      %swap3A_1661 = tpu.vector_load %arg4[%swap3A_1658, %swap3A_1659, %swap3A_1660] {strides = array<i32>} : memref<2x32x1000xf32, #tpu.memory_space<vmem>>, vector<16xf32>,
      tpu.vector_store %arg4[%swap3A_1658, %swap3A_1659, %swap3A_1660], %broadcast_in_dim3A_3 {strides = array<i32>} : memref<2x32x1000xf32, #tpu.memory_space<vmem>>, vector<16xf32>,
      %swap3A_1662 = arith.constant 1 : i32
      %swap3A_1663 = arith.index_cast %swap3A_1662 : i32 to index
      %swap3A_1664 = arith.index_cast %scan3A_1182 : i32 to index
      %swap3A_1665 = arith.constant 528 : index
      %swap3A_1666 = tpu.vector_load %arg4[%swap3A_1663, %swap3A_1664, %swap3A_1665] {strides = array<i32>} : memref<2x32x1000xf32, #tpu.memory_space<vmem>>, vector<16xf32>,
      tpu.vector_store %arg4[%swap3A_1663, %swap3A_1664, %swap3A_1665], %broadcast_in_dim3A_3 {strides = array<i32>} : memref<2x32x1000xf32, #tpu.memory_space<vmem>>, vector<16xf32>,
      %swap3A_1667 = arith.constant 1 : i32
      %swap3A_1668 = arith.index_cast %swap3A_1667 : i32 to index
      %swap3A_1669 = arith.index_cast %scan3A_1182 : i32 to index
      %swap3A_1670 = arith.constant 544 : index
      %swap3A_1671 = tpu.vector_load %arg4[%swap3A_1668, %swap3A_1669, %swap3A_1670] {strides = array<i32>} : memref<2x32x1000xf32, #tpu.memory_space<vmem>>, vector<16xf32>,
      tpu.vector_store %arg4[%swap3A_1668, %swap3A_1669, %swap3A_1670], %broadcast_in_dim3A_3 {strides = array<i32>} : memref<2x32x1000xf32, #tpu.memory_space<vmem>>, vector<16xf32>,
      %swap3A_1672 = arith.constant 1 : i32
      %swap3A_1673 = arith.index_cast %swap3A_1672 : i32 to index
      %swap3A_1674 = arith.index_cast %scan3A_1182 : i32 to index
      %swap3A_1675 = arith.constant 560 : index
      %swap3A_1676 = tpu.vector_load %arg4[%swap3A_1673, %swap3A_1674, %swap3A_1675] {strides = array<i32>} : memref<2x32x1000xf32, #tpu.memory_space<vmem>>, vector<16xf32>,
      tpu.vector_store %arg4[%swap3A_1673, %swap3A_1674, %swap3A_1675], %broadcast_in_dim3A_3 {strides = array<i32>} : memref<2x32x1000xf32, #tpu.memory_space<vmem>>, vector<16xf32>,
      %swap3A_1677 = arith.constant 1 : i32
      %swap3A_1678 = arith.index_cast %swap3A_1677 : i32 to index
      %swap3A_1679 = arith.index_cast %scan3A_1182 : i32 to index
      %swap3A_1680 = arith.constant 576 : index
      %swap3A_1681 = tpu.vector_load %arg4[%swap3A_1678, %swap3A_1679, %swap3A_1680] {strides = array<i32>} : memref<2x32x1000xf32, #tpu.memory_space<vmem>>, vector<16xf32>,
      tpu.vector_store %arg4[%swap3A_1678, %swap3A_1679, %swap3A_1680], %broadcast_in_dim3A_3 {strides = array<i32>} : memref<2x32x1000xf32, #tpu.memory_space<vmem>>, vector<16xf32>,
      %swap3A_1682 = arith.constant 1 : i32
      %swap3A_1683 = arith.index_cast %swap3A_1682 : i32 to index
      %swap3A_1684 = arith.index_cast %scan3A_1182 : i32 to index
      %swap3A_1685 = arith.constant 592 : index
      %swap3A_1686 = tpu.vector_load %arg4[%swap3A_1683, %swap3A_1684, %swap3A_1685] {strides = array<i32>} : memref<2x32x1000xf32, #tpu.memory_space<vmem>>, vector<16xf32>,
      tpu.vector_store %arg4[%swap3A_1683, %swap3A_1684, %swap3A_1685], %broadcast_in_dim3A_3 {strides = array<i32>} : memref<2x32x1000xf32, #tpu.memory_space<vmem>>, vector<16xf32>,
      %swap3A_1687 = arith.constant 1 : i32
      %swap3A_1688 = arith.index_cast %swap3A_1687 : i32 to index
      %swap3A_1689 = arith.index_cast %scan3A_1182 : i32 to index
      %swap3A_1690 = arith.constant 608 : index
      %swap3A_1691 = tpu.vector_load %arg4[%swap3A_1688, %swap3A_1689, %swap3A_1690] {strides = array<i32>} : memref<2x32x1000xf32, #tpu.memory_space<vmem>>, vector<16xf32>,
      tpu.vector_store %arg4[%swap3A_1688, %swap3A_1689, %swap3A_1690], %broadcast_in_dim3A_3 {strides = array<i32>} : memref<2x32x1000xf32, #tpu.memory_space<vmem>>, vector<16xf32>,
      %swap3A_1692 = arith.constant 1 : i32
      %swap3A_1693 = arith.index_cast %swap3A_1692 : i32 to index
      %swap3A_1694 = arith.index_cast %scan3A_1182 : i32 to index
      %swap3A_1695 = arith.constant 624 : index
      %swap3A_1696 = tpu.vector_load %arg4[%swap3A_1693, %swap3A_1694, %swap3A_1695] {strides = array<i32>} : memref<2x32x1000xf32, #tpu.memory_space<vmem>>, vector<16xf32>,
      tpu.vector_store %arg4[%swap3A_1693, %swap3A_1694, %swap3A_1695], %broadcast_in_dim3A_3 {strides = array<i32>} : memref<2x32x1000xf32, #tpu.memory_space<vmem>>, vector<16xf32>,
      %swap3A_1697 = arith.constant 1 : i32
      %swap3A_1698 = arith.index_cast %swap3A_1697 : i32 to index
      %swap3A_1699 = arith.index_cast %scan3A_1182 : i32 to index
      %swap3A_1700 = arith.constant 640 : index
      %swap3A_1701 = tpu.vector_load %arg4[%swap3A_1698, %swap3A_1699, %swap3A_1700] {strides = array<i32>} : memref<2x32x1000xf32, #tpu.memory_space<vmem>>, vector<16xf32>,
      tpu.vector_store %arg4[%swap3A_1698, %swap3A_1699, %swap3A_1700], %broadcast_in_dim3A_3 {strides = array<i32>} : memref<2x32x1000xf32, #tpu.memory_space<vmem>>, vector<16xf32>,
      %swap3A_1702 = arith.constant 1 : i32
      %swap3A_1703 = arith.index_cast %swap3A_1702 : i32 to index
      %swap3A_1704 = arith.index_cast %scan3A_1182 : i32 to index
      %swap3A_1705 = arith.constant 656 : index
      %swap3A_1706 = tpu.vector_load %arg4[%swap3A_1703, %swap3A_1704, %swap3A_1705] {strides = array<i32>} : memref<2x32x1000xf32, #tpu.memory_space<vmem>>, vector<16xf32>,
      tpu.vector_store %arg4[%swap3A_1703, %swap3A_1704, %swap3A_1705], %broadcast_in_dim3A_3 {strides = array<i32>} : memref<2x32x1000xf32, #tpu.memory_space<vmem>>, vector<16xf32>,
      %swap3A_1707 = arith.constant 1 : i32
      %swap3A_1708 = arith.index_cast %swap3A_1707 : i32 to index
      %swap3A_1709 = arith.index_cast %scan3A_1182 : i32 to index
      %swap3A_1710 = arith.constant 672 : index
      %swap3A_1711 = tpu.vector_load %arg4[%swap3A_1708, %swap3A_1709, %swap3A_1710] {strides = array<i32>} : memref<2x32x1000xf32, #tpu.memory_space<vmem>>, vector<16xf32>,
      tpu.vector_store %arg4[%swap3A_1708, %swap3A_1709, %swap3A_1710], %broadcast_in_dim3A_3 {strides = array<i32>} : memref<2x32x1000xf32, #tpu.memory_space<vmem>>, vector<16xf32>,
      %swap3A_1712 = arith.constant 1 : i32
      %swap3A_1713 = arith.index_cast %swap3A_1712 : i32 to index
      %swap3A_1714 = arith.index_cast %scan3A_1182 : i32 to index
      %swap3A_1715 = arith.constant 688 : index
      %swap3A_1716 = tpu.vector_load %arg4[%swap3A_1713, %swap3A_1714, %swap3A_1715] {strides = array<i32>} : memref<2x32x1000xf32, #tpu.memory_space<vmem>>, vector<16xf32>,
      tpu.vector_store %arg4[%swap3A_1713, %swap3A_1714, %swap3A_1715], %broadcast_in_dim3A_3 {strides = array<i32>} : memref<2x32x1000xf32, #tpu.memory_space<vmem>>, vector<16xf32>,
      %swap3A_1717 = arith.constant 1 : i32
      %swap3A_1718 = arith.index_cast %swap3A_1717 : i32 to index
      %swap3A_1719 = arith.index_cast %scan3A_1182 : i32 to index
      %swap3A_1720 = arith.constant 704 : index
      %swap3A_1721 = tpu.vector_load %arg4[%swap3A_1718, %swap3A_1719, %swap3A_1720] {strides = array<i32>} : memref<2x32x1000xf32, #tpu.memory_space<vmem>>, vector<16xf32>,
      tpu.vector_store %arg4[%swap3A_1718, %swap3A_1719, %swap3A_1720], %broadcast_in_dim3A_3 {strides = array<i32>} : memref<2x32x1000xf32, #tpu.memory_space<vmem>>, vector<16xf32>,
      %swap3A_1722 = arith.constant 1 : i32
      %swap3A_1723 = arith.index_cast %swap3A_1722 : i32 to index
      %swap3A_1724 = arith.index_cast %scan3A_1182 : i32 to index
      %swap3A_1725 = arith.constant 720 : index
      %swap3A_1726 = tpu.vector_load %arg4[%swap3A_1723, %swap3A_1724, %swap3A_1725] {strides = array<i32>} : memref<2x32x1000xf32, #tpu.memory_space<vmem>>, vector<16xf32>,
      tpu.vector_store %arg4[%swap3A_1723, %swap3A_1724, %swap3A_1725], %broadcast_in_dim3A_3 {strides = array<i32>} : memref<2x32x1000xf32, #tpu.memory_space<vmem>>, vector<16xf32>,
      %swap3A_1727 = arith.constant 1 : i32
      %swap3A_1728 = arith.index_cast %swap3A_1727 : i32 to index
      %swap3A_1729 = arith.index_cast %scan3A_1182 : i32 to index
      %swap3A_1730 = arith.constant 736 : index
      %swap3A_1731 = tpu.vector_load %arg4[%swap3A_1728, %swap3A_1729, %swap3A_1730] {strides = array<i32>} : memref<2x32x1000xf32, #tpu.memory_space<vmem>>, vector<16xf32>,
      tpu.vector_store %arg4[%swap3A_1728, %swap3A_1729, %swap3A_1730], %broadcast_in_dim3A_3 {strides = array<i32>} : memref<2x32x1000xf32, #tpu.memory_space<vmem>>, vector<16xf32>,
      %swap3A_1732 = arith.constant 1 : i32
      %swap3A_1733 = arith.index_cast %swap3A_1732 : i32 to index
      %swap3A_1734 = arith.index_cast %scan3A_1182 : i32 to index
      %swap3A_1735 = arith.constant 752 : index
      %swap3A_1736 = tpu.vector_load %arg4[%swap3A_1733, %swap3A_1734, %swap3A_1735] {strides = array<i32>} : memref<2x32x1000xf32, #tpu.memory_space<vmem>>, vector<16xf32>,
      tpu.vector_store %arg4[%swap3A_1733, %swap3A_1734, %swap3A_1735], %broadcast_in_dim3A_3 {strides = array<i32>} : memref<2x32x1000xf32, #tpu.memory_space<vmem>>, vector<16xf32>,
      %swap3A_1737 = arith.constant 1 : i32
      %swap3A_1738 = arith.index_cast %swap3A_1737 : i32 to index
      %swap3A_1739 = arith.index_cast %scan3A_1182 : i32 to index
      %swap3A_1740 = arith.constant 768 : index
      %swap3A_1741 = tpu.vector_load %arg4[%swap3A_1738, %swap3A_1739, %swap3A_1740] {strides = array<i32>} : memref<2x32x1000xf32, #tpu.memory_space<vmem>>, vector<16xf32>,
      tpu.vector_store %arg4[%swap3A_1738, %swap3A_1739, %swap3A_1740], %broadcast_in_dim3A_3 {strides = array<i32>} : memref<2x32x1000xf32, #tpu.memory_space<vmem>>, vector<16xf32>,
      %swap3A_1742 = arith.constant 1 : i32
      %swap3A_1743 = arith.index_cast %swap3A_1742 : i32 to index
      %swap3A_1744 = arith.index_cast %scan3A_1182 : i32 to index
      %swap3A_1745 = arith.constant 784 : index
      %swap3A_1746 = tpu.vector_load %arg4[%swap3A_1743, %swap3A_1744, %swap3A_1745] {strides = array<i32>} : memref<2x32x1000xf32, #tpu.memory_space<vmem>>, vector<16xf32>,
      tpu.vector_store %arg4[%swap3A_1743, %swap3A_1744, %swap3A_1745], %broadcast_in_dim3A_3 {strides = array<i32>} : memref<2x32x1000xf32, #tpu.memory_space<vmem>>, vector<16xf32>,
      %swap3A_1747 = arith.constant 1 : i32
      %swap3A_1748 = arith.index_cast %swap3A_1747 : i32 to index
      %swap3A_1749 = arith.index_cast %scan3A_1182 : i32 to index
      %swap3A_1750 = arith.constant 800 : index
      %swap3A_1751 = tpu.vector_load %arg4[%swap3A_1748, %swap3A_1749, %swap3A_1750] {strides = array<i32>} : memref<2x32x1000xf32, #tpu.memory_space<vmem>>, vector<16xf32>,
      tpu.vector_store %arg4[%swap3A_1748, %swap3A_1749, %swap3A_1750], %broadcast_in_dim3A_3 {strides = array<i32>} : memref<2x32x1000xf32, #tpu.memory_space<vmem>>, vector<16xf32>,
      %swap3A_1752 = arith.constant 1 : i32
      %swap3A_1753 = arith.index_cast %swap3A_1752 : i32 to index
      %swap3A_1754 = arith.index_cast %scan3A_1182 : i32 to index
      %swap3A_1755 = arith.constant 816 : index
      %swap3A_1756 = tpu.vector_load %arg4[%swap3A_1753, %swap3A_1754, %swap3A_1755] {strides = array<i32>} : memref<2x32x1000xf32, #tpu.memory_space<vmem>>, vector<16xf32>,
      tpu.vector_store %arg4[%swap3A_1753, %swap3A_1754, %swap3A_1755], %broadcast_in_dim3A_3 {strides = array<i32>} : memref<2x32x1000xf32, #tpu.memory_space<vmem>>, vector<16xf32>,
      %swap3A_1757 = arith.constant 1 : i32
      %swap3A_1758 = arith.index_cast %swap3A_1757 : i32 to index
      %swap3A_1759 = arith.index_cast %scan3A_1182 : i32 to index
      %swap3A_1760 = arith.constant 832 : index
      %swap3A_1761 = tpu.vector_load %arg4[%swap3A_1758, %swap3A_1759, %swap3A_1760] {strides = array<i32>} : memref<2x32x1000xf32, #tpu.memory_space<vmem>>, vector<16xf32>,
      tpu.vector_store %arg4[%swap3A_1758, %swap3A_1759, %swap3A_1760], %broadcast_in_dim3A_3 {strides = array<i32>} : memref<2x32x1000xf32, #tpu.memory_space<vmem>>, vector<16xf32>,
      %swap3A_1762 = arith.constant 1 : i32
      %swap3A_1763 = arith.index_cast %swap3A_1762 : i32 to index
      %swap3A_1764 = arith.index_cast %scan3A_1182 : i32 to index
      %swap3A_1765 = arith.constant 848 : index
      %swap3A_1766 = tpu.vector_load %arg4[%swap3A_1763, %swap3A_1764, %swap3A_1765] {strides = array<i32>} : memref<2x32x1000xf32, #tpu.memory_space<vmem>>, vector<16xf32>,
      tpu.vector_store %arg4[%swap3A_1763, %swap3A_1764, %swap3A_1765], %broadcast_in_dim3A_3 {strides = array<i32>} : memref<2x32x1000xf32, #tpu.memory_space<vmem>>, vector<16xf32>,
      %swap3A_1767 = arith.constant 1 : i32
      %swap3A_1768 = arith.index_cast %swap3A_1767 : i32 to index
      %swap3A_1769 = arith.index_cast %scan3A_1182 : i32 to index
      %swap3A_1770 = arith.constant 864 : index
      %swap3A_1771 = tpu.vector_load %arg4[%swap3A_1768, %swap3A_1769, %swap3A_1770] {strides = array<i32>} : memref<2x32x1000xf32, #tpu.memory_space<vmem>>, vector<16xf32>,
      tpu.vector_store %arg4[%swap3A_1768, %swap3A_1769, %swap3A_1770], %broadcast_in_dim3A_3 {strides = array<i32>} : memref<2x32x1000xf32, #tpu.memory_space<vmem>>, vector<16xf32>,
      %swap3A_1772 = arith.constant 1 : i32
      %swap3A_1773 = arith.index_cast %swap3A_1772 : i32 to index
      %swap3A_1774 = arith.index_cast %scan3A_1182 : i32 to index
      %swap3A_1775 = arith.constant 880 : index
      %swap3A_1776 = tpu.vector_load %arg4[%swap3A_1773, %swap3A_1774, %swap3A_1775] {strides = array<i32>} : memref<2x32x1000xf32, #tpu.memory_space<vmem>>, vector<16xf32>,
      tpu.vector_store %arg4[%swap3A_1773, %swap3A_1774, %swap3A_1775], %broadcast_in_dim3A_3 {strides = array<i32>} : memref<2x32x1000xf32, #tpu.memory_space<vmem>>, vector<16xf32>,
      %swap3A_1777 = arith.constant 1 : i32
      %swap3A_1778 = arith.index_cast %swap3A_1777 : i32 to index
      %swap3A_1779 = arith.index_cast %scan3A_1182 : i32 to index
      %swap3A_1780 = arith.constant 896 : index
      %swap3A_1781 = tpu.vector_load %arg4[%swap3A_1778, %swap3A_1779, %swap3A_1780] {strides = array<i32>} : memref<2x32x1000xf32, #tpu.memory_space<vmem>>, vector<16xf32>,
      tpu.vector_store %arg4[%swap3A_1778, %swap3A_1779, %swap3A_1780], %broadcast_in_dim3A_3 {strides = array<i32>} : memref<2x32x1000xf32, #tpu.memory_space<vmem>>, vector<16xf32>,
      %swap3A_1782 = arith.constant 1 : i32
      %swap3A_1783 = arith.index_cast %swap3A_1782 : i32 to index
      %swap3A_1784 = arith.index_cast %scan3A_1182 : i32 to index
      %swap3A_1785 = arith.constant 912 : index
      %swap3A_1786 = tpu.vector_load %arg4[%swap3A_1783, %swap3A_1784, %swap3A_1785] {strides = array<i32>} : memref<2x32x1000xf32, #tpu.memory_space<vmem>>, vector<16xf32>,
      tpu.vector_store %arg4[%swap3A_1783, %swap3A_1784, %swap3A_1785], %broadcast_in_dim3A_3 {strides = array<i32>} : memref<2x32x1000xf32, #tpu.memory_space<vmem>>, vector<16xf32>,
      %swap3A_1787 = arith.constant 1 : i32
      %swap3A_1788 = arith.index_cast %swap3A_1787 : i32 to index
      %swap3A_1789 = arith.index_cast %scan3A_1182 : i32 to index
      %swap3A_1790 = arith.constant 928 : index
      %swap3A_1791 = tpu.vector_load %arg4[%swap3A_1788, %swap3A_1789, %swap3A_1790] {strides = array<i32>} : memref<2x32x1000xf32, #tpu.memory_space<vmem>>, vector<16xf32>,
      tpu.vector_store %arg4[%swap3A_1788, %swap3A_1789, %swap3A_1790], %broadcast_in_dim3A_3 {strides = array<i32>} : memref<2x32x1000xf32, #tpu.memory_space<vmem>>, vector<16xf32>,
      %swap3A_1792 = arith.constant 1 : i32
      %swap3A_1793 = arith.index_cast %swap3A_1792 : i32 to index
      %swap3A_1794 = arith.index_cast %scan3A_1182 : i32 to index
      %swap3A_1795 = arith.constant 944 : index
      %swap3A_1796 = tpu.vector_load %arg4[%swap3A_1793, %swap3A_1794, %swap3A_1795] {strides = array<i32>} : memref<2x32x1000xf32, #tpu.memory_space<vmem>>, vector<16xf32>,
      tpu.vector_store %arg4[%swap3A_1793, %swap3A_1794, %swap3A_1795], %broadcast_in_dim3A_3 {strides = array<i32>} : memref<2x32x1000xf32, #tpu.memory_space<vmem>>, vector<16xf32>,
      %swap3A_1797 = arith.constant 1 : i32
      %swap3A_1798 = arith.index_cast %swap3A_1797 : i32 to index
      %swap3A_1799 = arith.index_cast %scan3A_1182 : i32 to index
      %swap3A_1800 = arith.constant 960 : index
      %swap3A_1801 = tpu.vector_load %arg4[%swap3A_1798, %swap3A_1799, %swap3A_1800] {strides = array<i32>} : memref<2x32x1000xf32, #tpu.memory_space<vmem>>, vector<16xf32>,
      tpu.vector_store %arg4[%swap3A_1798, %swap3A_1799, %swap3A_1800], %broadcast_in_dim3A_3 {strides = array<i32>} : memref<2x32x1000xf32, #tpu.memory_space<vmem>>, vector<16xf32>,
      %swap3A_1802 = arith.constant 1 : i32
      %swap3A_1803 = arith.index_cast %swap3A_1802 : i32 to index
      %swap3A_1804 = arith.index_cast %scan3A_1182 : i32 to index
      %swap3A_1805 = arith.constant 976 : index
      %swap3A_1806 = tpu.vector_load %arg4[%swap3A_1803, %swap3A_1804, %swap3A_1805] {strides = array<i32>} : memref<2x32x1000xf32, #tpu.memory_space<vmem>>, vector<16xf32>,
      tpu.vector_store %arg4[%swap3A_1803, %swap3A_1804, %swap3A_1805], %broadcast_in_dim3A_3 {strides = array<i32>} : memref<2x32x1000xf32, #tpu.memory_space<vmem>>, vector<16xf32>,
      %swap3A_1807 = arith.constant 1 : i32
      %swap3A_1808 = arith.index_cast %swap3A_1807 : i32 to index
      %swap3A_1809 = arith.index_cast %scan3A_1182 : i32 to index
      %swap3A_1810 = arith.constant 984 : index
      %swap3A_1811 = tpu.vector_load %arg4[%swap3A_1808, %swap3A_1809, %swap3A_1810] {strides = array<i32>} : memref<2x32x1000xf32, #tpu.memory_space<vmem>>, vector<16xf32>,
      tpu.vector_store %arg4[%swap3A_1808, %swap3A_1809, %swap3A_1810], %broadcast_in_dim3A_3 {strides = array<i32>} : memref<2x32x1000xf32, #tpu.memory_space<vmem>>, vector<16xf32>,
    }
    %scan3A_7 = arith.constant 32 : i32
    "tpu.region"() ({
      %run_scoped3A = tpu.sem_alloc : memref<!tpu.dma_semaphore, #tpu.memory_space<semaphore_mem>>
      %dma_start3A_1182 = tpu.memref_slice %arg2[%mul3A_2] : memref<16384xi32, #tpu.memory_space<hbm>> -> memref<512xi32, #tpu.memory_space<hbm>>
      %dma_start3A_1183 = tpu.memref_slice %arg2[%mul3A_2] : memref<16384xi32, #tpu.memory_space<hbm>> -> memref<512xi32, #tpu.memory_space<hbm>>
      tpu.enqueue_dma source(%dma_start3A_1183 : memref<512xi32, #tpu.memory_space<hbm>>) target(%arg5 : memref<512xi32, #tpu.memory_space<vmem>>) target_semaphore(%run_scoped3A : memref<!tpu.dma_semaphore, #tpu.memory_space<semaphore_mem>>)
      %dma_wait3A_1184 = tpu.memref_slice %arg2[%mul3A_2] : memref<16384xi32, #tpu.memory_space<hbm>> -> memref<512xi32, #tpu.memory_space<hbm>>
      %dma_wait3A_1185 = tpu.memref_slice %arg2[%mul3A_2] : memref<16384xi32, #tpu.memory_space<hbm>> -> memref<512xi32, #tpu.memory_space<hbm>>
      tpu.wait_dma2 semaphore(%run_scoped3A : memref<!tpu.dma_semaphore, #tpu.memory_space<semaphore_mem>>) src(%dma_wait3A_1185 : memref<512xi32, #tpu.memory_space<hbm>>) dst(%arg5 : memref<512xi32, #tpu.memory_space<vmem>>)
      tpu.yield
    }) : () -> ()
    %broadcast_in_dim3A_8 = arith.constant 1.000000e+00 : f32
    %broadcast_in_dim3A_9 = vector.broadcast %broadcast_in_dim3A_8 : f32 to vector<16xf32>
    %iota3A = tpu.iota {dimensions = array<i32: 0>} : vector<16xi32>
    %add3A_10 = arith.constant 0 : i32
    %add3A_11 = vector.broadcast %add3A_10 : i32 to vector<16xi32>
    %add3A_12 = arith.addi %add3A_11, %iota3A : vector<16xi32>
    %get3A = arith.constant 0 : index
    %get3A_13 = tpu.vector_load %arg5[%get3A] {strides = array<i32>} : memref<512xi32, #tpu.memory_space<vmem>>, vector<16xi32>,
    %scatter3A = arith.constant 0 : i32
    %scatter3A_14 = arith.constant 0 : i32
    %scatter3A_15 = arith.constant 0 : i32
    %scatter3A_16 = tpu.memref_slice %arg4[%scatter3A, %scatter3A_14, %scatter3A_15] : memref<2x32x1000xf32, #tpu.memory_space<vmem>> -> memref<1x32x1000xf32, #tpu.memory_space<vmem>>
    %scatter3A_17 = tpu.memref_squeeze %scatter3A_16 : memref<1x32x1000xf32, #tpu.memory_space<vmem>> -> memref<32x1000xf32, #tpu.memory_space<vmem>>
    tpu.vector_store_idx %scatter3A_17[%add3A_12, %get3A_13], %broadcast_in_dim3A_9 : memref<32x1000xf32, #tpu.memory_space<vmem>>[vector<16xi32>, vector<16xi32>], vector<16xf32>,
    %add3A_18 = arith.constant 16 : i32
    %add3A_19 = vector.broadcast %add3A_18 : i32 to vector<16xi32>
    %add3A_20 = arith.addi %add3A_19, %iota3A : vector<16xi32>
    %get3A_21 = arith.constant 16 : index
    %get3A_22 = tpu.vector_load %arg5[%get3A_21] {strides = array<i32>} : memref<512xi32, #tpu.memory_space<vmem>>, vector<16xi32>,
    %scatter3A_23 = arith.constant 0 : i32
    %scatter3A_24 = arith.constant 0 : i32
    %scatter3A_25 = arith.constant 0 : i32
    %scatter3A_26 = tpu.memref_slice %arg4[%scatter3A_23, %scatter3A_24, %scatter3A_25] : memref<2x32x1000xf32, #tpu.memory_space<vmem>> -> memref<1x32x1000xf32, #tpu.memory_space<vmem>>
    %scatter3A_27 = tpu.memref_squeeze %scatter3A_26 : memref<1x32x1000xf32, #tpu.memory_space<vmem>> -> memref<32x1000xf32, #tpu.memory_space<vmem>>
    tpu.vector_store_idx %scatter3A_27[%add3A_20, %get3A_22], %broadcast_in_dim3A_9 : memref<32x1000xf32, #tpu.memory_space<vmem>>[vector<16xi32>, vector<16xi32>], vector<16xf32>,
    %add3A_28 = arith.constant 0 : i32
    %add3A_29 = arith.addi %mul3A_2, %add3A_28 : i32
    %dma_start3A = arith.constant 0 : i32
    %dma_start3A_30 = arith.constant 0 : i32
    %dma_start3A_31 = arith.constant 0 : i32
    %dma_start3A_32 = arith.constant 0 : i32
    %dma_start3A_33 = tpu.memref_slice %arg4[%dma_start3A, %dma_start3A_31, %dma_start3A_32] : memref<2x32x1000xf32, #tpu.memory_space<vmem>> -> memref<1x32x1000xf32, #tpu.memory_space<vmem>>
    %dma_start3A_34 = tpu.memref_squeeze %dma_start3A_33 : memref<1x32x1000xf32, #tpu.memory_space<vmem>> -> memref<32x1000xf32, #tpu.memory_space<vmem>>
    %dma_start3A_35 = arith.constant 0 : i32
    %dma_start3A_36 = tpu.memref_slice %arg3[%add3A_29, %dma_start3A_35] : memref<16384x1000xf32, #tpu.memory_space<hbm>> -> memref<32x1000xf32, #tpu.memory_space<hbm>>
    %dma_start3A_37 = tpu.memref_slice %arg6[%dma_start3A_30] : memref<2x!tpu.dma_semaphore, #tpu.memory_space<semaphore_mem>> -> memref<1x!tpu.dma_semaphore, #tpu.memory_space<semaphore_mem>>
    %dma_start3A_38 = tpu.memref_squeeze %dma_start3A_37 : memref<1x!tpu.dma_semaphore, #tpu.memory_space<semaphore_mem>> -> memref<!tpu.dma_semaphore, #tpu.memory_space<semaphore_mem>>
    %dma_start3A_39 = arith.constant 0 : i32
    %dma_start3A_40 = tpu.memref_slice %arg3[%add3A_29, %dma_start3A_39] : memref<16384x1000xf32, #tpu.memory_space<hbm>> -> memref<32x1000xf32, #tpu.memory_space<hbm>>
    %dma_start3A_41 = arith.constant 0 : i32
    %dma_start3A_42 = arith.constant 0 : i32
    %dma_start3A_43 = tpu.memref_slice %arg4[%dma_start3A, %dma_start3A_41, %dma_start3A_42] : memref<2x32x1000xf32, #tpu.memory_space<vmem>> -> memref<1x32x1000xf32, #tpu.memory_space<vmem>>
    %dma_start3A_44 = tpu.memref_squeeze %dma_start3A_43 : memref<1x32x1000xf32, #tpu.memory_space<vmem>> -> memref<32x1000xf32, #tpu.memory_space<vmem>>
    tpu.enqueue_dma source(%dma_start3A_44 : memref<32x1000xf32, #tpu.memory_space<vmem>>) target(%dma_start3A_40 : memref<32x1000xf32, #tpu.memory_space<hbm>>) target_semaphore(%dma_start3A_38 : memref<!tpu.dma_semaphore, #tpu.memory_space<semaphore_mem>>)
    %add3A_45 = arith.constant 0 : i32
    %add3A_46 = vector.broadcast %add3A_45 : i32 to vector<16xi32>
    %add3A_47 = arith.addi %add3A_46, %iota3A : vector<16xi32>
    %get3A_48 = arith.constant 32 : index
    %get3A_49 = tpu.vector_load %arg5[%get3A_48] {strides = array<i32>} : memref<512xi32, #tpu.memory_space<vmem>>, vector<16xi32>,
    %scatter3A_50 = arith.constant 1 : i32
    %scatter3A_51 = arith.constant 0 : i32
    %scatter3A_52 = arith.constant 0 : i32
    %scatter3A_53 = tpu.memref_slice %arg4[%scatter3A_50, %scatter3A_51, %scatter3A_52] : memref<2x32x1000xf32, #tpu.memory_space<vmem>> -> memref<1x32x1000xf32, #tpu.memory_space<vmem>>
    %scatter3A_54 = tpu.memref_squeeze %scatter3A_53 : memref<1x32x1000xf32, #tpu.memory_space<vmem>> -> memref<32x1000xf32, #tpu.memory_space<vmem>>
    tpu.vector_store_idx %scatter3A_54[%add3A_47, %get3A_49], %broadcast_in_dim3A_9 : memref<32x1000xf32, #tpu.memory_space<vmem>>[vector<16xi32>, vector<16xi32>], vector<16xf32>,
    %add3A_55 = arith.constant 16 : i32
    %add3A_56 = vector.broadcast %add3A_55 : i32 to vector<16xi32>
    %add3A_57 = arith.addi %add3A_56, %iota3A : vector<16xi32>
    %get3A_58 = arith.constant 48 : index
    %get3A_59 = tpu.vector_load %arg5[%get3A_58] {strides = array<i32>} : memref<512xi32, #tpu.memory_space<vmem>>, vector<16xi32>,
    %scatter3A_60 = arith.constant 1 : i32
    %scatter3A_61 = arith.constant 0 : i32
    %scatter3A_62 = arith.constant 0 : i32
    %scatter3A_63 = tpu.memref_slice %arg4[%scatter3A_60, %scatter3A_61, %scatter3A_62] : memref<2x32x1000xf32, #tpu.memory_space<vmem>> -> memref<1x32x1000xf32, #tpu.memory_space<vmem>>
    %scatter3A_64 = tpu.memref_squeeze %scatter3A_63 : memref<1x32x1000xf32, #tpu.memory_space<vmem>> -> memref<32x1000xf32, #tpu.memory_space<vmem>>
    tpu.vector_store_idx %scatter3A_64[%add3A_57, %get3A_59], %broadcast_in_dim3A_9 : memref<32x1000xf32, #tpu.memory_space<vmem>>[vector<16xi32>, vector<16xi32>], vector<16xf32>,
    %add3A_65 = arith.constant 32 : i32
    %add3A_66 = arith.addi %mul3A_2, %add3A_65 : i32
    %dma_start3A_67 = arith.constant 1 : i32
    %dma_start3A_68 = arith.constant 1 : i32
    %dma_start3A_69 = arith.constant 0 : i32
    %dma_start3A_70 = arith.constant 0 : i32
    %dma_start3A_71 = tpu.memref_slice %arg4[%dma_start3A_67, %dma_start3A_69, %dma_start3A_70] : memref<2x32x1000xf32, #tpu.memory_space<vmem>> -> memref<1x32x1000xf32, #tpu.memory_space<vmem>>
    %dma_start3A_72 = tpu.memref_squeeze %dma_start3A_71 : memref<1x32x1000xf32, #tpu.memory_space<vmem>> -> memref<32x1000xf32, #tpu.memory_space<vmem>>
    %dma_start3A_73 = arith.constant 0 : i32
    %dma_start3A_74 = tpu.memref_slice %arg3[%add3A_66, %dma_start3A_73] : memref<16384x1000xf32, #tpu.memory_space<hbm>> -> memref<32x1000xf32, #tpu.memory_space<hbm>>
    %dma_start3A_75 = tpu.memref_slice %arg6[%dma_start3A_68] : memref<2x!tpu.dma_semaphore, #tpu.memory_space<semaphore_mem>> -> memref<1x!tpu.dma_semaphore, #tpu.memory_space<semaphore_mem>>
    %dma_start3A_76 = tpu.memref_squeeze %dma_start3A_75 : memref<1x!tpu.dma_semaphore, #tpu.memory_space<semaphore_mem>> -> memref<!tpu.dma_semaphore, #tpu.memory_space<semaphore_mem>>
    %dma_start3A_77 = arith.constant 0 : i32
    %dma_start3A_78 = tpu.memref_slice %arg3[%add3A_66, %dma_start3A_77] : memref<16384x1000xf32, #tpu.memory_space<hbm>> -> memref<32x1000xf32, #tpu.memory_space<hbm>>
    %dma_start3A_79 = arith.constant 0 : i32
    %dma_start3A_80 = arith.constant 0 : i32
    %dma_start3A_81 = tpu.memref_slice %arg4[%dma_start3A_67, %dma_start3A_79, %dma_start3A_80] : memref<2x32x1000xf32, #tpu.memory_space<vmem>> -> memref<1x32x1000xf32, #tpu.memory_space<vmem>>
    %dma_start3A_82 = tpu.memref_squeeze %dma_start3A_81 : memref<1x32x1000xf32, #tpu.memory_space<vmem>> -> memref<32x1000xf32, #tpu.memory_space<vmem>>
    tpu.enqueue_dma source(%dma_start3A_82 : memref<32x1000xf32, #tpu.memory_space<vmem>>) target(%dma_start3A_78 : memref<32x1000xf32, #tpu.memory_space<hbm>>) target_semaphore(%dma_start3A_76 : memref<!tpu.dma_semaphore, #tpu.memory_space<semaphore_mem>>)
    %add3A_83 = arith.constant 0 : i32
    %add3A_84 = arith.addi %mul3A_2, %add3A_83 : i32
    %dma_wait3A = arith.constant 0 : i32
    %dma_wait3A_85 = arith.constant 0 : i32
    %dma_wait3A_86 = arith.constant 0 : i32
    %dma_wait3A_87 = arith.constant 0 : i32
    %dma_wait3A_88 = tpu.memref_slice %arg4[%dma_wait3A, %dma_wait3A_86, %dma_wait3A_87] : memref<2x32x1000xf32, #tpu.memory_space<vmem>> -> memref<1x32x1000xf32, #tpu.memory_space<vmem>>
    %dma_wait3A_89 = tpu.memref_squeeze %dma_wait3A_88 : memref<1x32x1000xf32, #tpu.memory_space<vmem>> -> memref<32x1000xf32, #tpu.memory_space<vmem>>
    %dma_wait3A_90 = arith.constant 0 : i32
    %dma_wait3A_91 = tpu.memref_slice %arg3[%add3A_84, %dma_wait3A_90] : memref<16384x1000xf32, #tpu.memory_space<hbm>> -> memref<32x1000xf32, #tpu.memory_space<hbm>>
    %dma_wait3A_92 = tpu.memref_slice %arg6[%dma_wait3A_85] : memref<2x!tpu.dma_semaphore, #tpu.memory_space<semaphore_mem>> -> memref<1x!tpu.dma_semaphore, #tpu.memory_space<semaphore_mem>>
    %dma_wait3A_93 = tpu.memref_squeeze %dma_wait3A_92 : memref<1x!tpu.dma_semaphore, #tpu.memory_space<semaphore_mem>> -> memref<!tpu.dma_semaphore, #tpu.memory_space<semaphore_mem>>
    %dma_wait3A_94 = arith.constant 0 : i32
    %dma_wait3A_95 = tpu.memref_slice %arg3[%add3A_84, %dma_wait3A_94] : memref<16384x1000xf32, #tpu.memory_space<hbm>> -> memref<32x1000xf32, #tpu.memory_space<hbm>>
    %dma_wait3A_96 = arith.constant 0 : i32
    %dma_wait3A_97 = arith.constant 0 : i32
    %dma_wait3A_98 = tpu.memref_slice %arg4[%dma_wait3A, %dma_wait3A_96, %dma_wait3A_97] : memref<2x32x1000xf32, #tpu.memory_space<vmem>> -> memref<1x32x1000xf32, #tpu.memory_space<vmem>>
    %dma_wait3A_99 = tpu.memref_squeeze %dma_wait3A_98 : memref<1x32x1000xf32, #tpu.memory_space<vmem>> -> memref<32x1000xf32, #tpu.memory_space<vmem>>
    tpu.wait_dma2 semaphore(%dma_wait3A_93 : memref<!tpu.dma_semaphore, #tpu.memory_space<semaphore_mem>>) src(%dma_wait3A_99 : memref<32x1000xf32, #tpu.memory_space<vmem>>) dst(%dma_wait3A_95 : memref<32x1000xf32, #tpu.memory_space<hbm>>)
    %add3A_100 = arith.constant 0 : i32
    %add3A_101 = vector.broadcast %add3A_100 : i32 to vector<16xi32>
    %add3A_102 = arith.addi %add3A_101, %iota3A : vector<16xi32>
    %get3A_103 = arith.constant 0 : index
    %get3A_104 = tpu.vector_load %arg5[%get3A_103] {strides = array<i32>} : memref<512xi32, #tpu.memory_space<vmem>>, vector<16xi32>,
    %scatter3A_105 = arith.constant 0 : i32
    %scatter3A_106 = arith.constant 0 : i32
    %scatter3A_107 = arith.constant 0 : i32
    %scatter3A_108 = tpu.memref_slice %arg4[%scatter3A_105, %scatter3A_106, %scatter3A_107] : memref<2x32x1000xf32, #tpu.memory_space<vmem>> -> memref<1x32x1000xf32, #tpu.memory_space<vmem>>
    %scatter3A_109 = tpu.memref_squeeze %scatter3A_108 : memref<1x32x1000xf32, #tpu.memory_space<vmem>> -> memref<32x1000xf32, #tpu.memory_space<vmem>>
    tpu.vector_store_idx %scatter3A_109[%add3A_102, %get3A_104], %broadcast_in_dim3A_3 : memref<32x1000xf32, #tpu.memory_space<vmem>>[vector<16xi32>, vector<16xi32>], vector<16xf32>,
    %add3A_110 = arith.constant 16 : i32
    %add3A_111 = vector.broadcast %add3A_110 : i32 to vector<16xi32>
    %add3A_112 = arith.addi %add3A_111, %iota3A : vector<16xi32>
    %get3A_113 = arith.constant 16 : index
    %get3A_114 = tpu.vector_load %arg5[%get3A_113] {strides = array<i32>} : memref<512xi32, #tpu.memory_space<vmem>>, vector<16xi32>,
    %scatter3A_115 = arith.constant 0 : i32
    %scatter3A_116 = arith.constant 0 : i32
    %scatter3A_117 = arith.constant 0 : i32
    %scatter3A_118 = tpu.memref_slice %arg4[%scatter3A_115, %scatter3A_116, %scatter3A_117] : memref<2x32x1000xf32, #tpu.memory_space<vmem>> -> memref<1x32x1000xf32, #tpu.memory_space<vmem>>
    %scatter3A_119 = tpu.memref_squeeze %scatter3A_118 : memref<1x32x1000xf32, #tpu.memory_space<vmem>> -> memref<32x1000xf32, #tpu.memory_space<vmem>>
    tpu.vector_store_idx %scatter3A_119[%add3A_112, %get3A_114], %broadcast_in_dim3A_3 : memref<32x1000xf32, #tpu.memory_space<vmem>>[vector<16xi32>, vector<16xi32>], vector<16xf32>,
    %add3A_120 = arith.constant 0 : i32
    %add3A_121 = vector.broadcast %add3A_120 : i32 to vector<16xi32>
    %add3A_122 = arith.addi %add3A_121, %iota3A : vector<16xi32>
    %get3A_123 = arith.constant 64 : index
    %get3A_124 = tpu.vector_load %arg5[%get3A_123] {strides = array<i32>} : memref<512xi32, #tpu.memory_space<vmem>>, vector<16xi32>,
    %scatter3A_125 = arith.constant 0 : i32
    %scatter3A_126 = arith.constant 0 : i32
    %scatter3A_127 = arith.constant 0 : i32
    %scatter3A_128 = tpu.memref_slice %arg4[%scatter3A_125, %scatter3A_126, %scatter3A_127] : memref<2x32x1000xf32, #tpu.memory_space<vmem>> -> memref<1x32x1000xf32, #tpu.memory_space<vmem>>
    %scatter3A_129 = tpu.memref_squeeze %scatter3A_128 : memref<1x32x1000xf32, #tpu.memory_space<vmem>> -> memref<32x1000xf32, #tpu.memory_space<vmem>>
    tpu.vector_store_idx %scatter3A_129[%add3A_122, %get3A_124], %broadcast_in_dim3A_9 : memref<32x1000xf32, #tpu.memory_space<vmem>>[vector<16xi32>, vector<16xi32>], vector<16xf32>,
    %add3A_130 = arith.constant 16 : i32
    %add3A_131 = vector.broadcast %add3A_130 : i32 to vector<16xi32>
    %add3A_132 = arith.addi %add3A_131, %iota3A : vector<16xi32>
    %get3A_133 = arith.constant 80 : index
    %get3A_134 = tpu.vector_load %arg5[%get3A_133] {strides = array<i32>} : memref<512xi32, #tpu.memory_space<vmem>>, vector<16xi32>,
    %scatter3A_135 = arith.constant 0 : i32
    %scatter3A_136 = arith.constant 0 : i32
    %scatter3A_137 = arith.constant 0 : i32
    %scatter3A_138 = tpu.memref_slice %arg4[%scatter3A_135, %scatter3A_136, %scatter3A_137] : memref<2x32x1000xf32, #tpu.memory_space<vmem>> -> memref<1x32x1000xf32, #tpu.memory_space<vmem>>
    %scatter3A_139 = tpu.memref_squeeze %scatter3A_138 : memref<1x32x1000xf32, #tpu.memory_space<vmem>> -> memref<32x1000xf32, #tpu.memory_space<vmem>>
    tpu.vector_store_idx %scatter3A_139[%add3A_132, %get3A_134], %broadcast_in_dim3A_9 : memref<32x1000xf32, #tpu.memory_space<vmem>>[vector<16xi32>, vector<16xi32>], vector<16xf32>,
    %add3A_140 = arith.constant 64 : i32
    %add3A_141 = arith.addi %mul3A_2, %add3A_140 : i32
    %dma_start3A_142 = arith.constant 0 : i32
    %dma_start3A_143 = arith.constant 0 : i32
    %dma_start3A_144 = arith.constant 0 : i32
    %dma_start3A_145 = arith.constant 0 : i32
    %dma_start3A_146 = tpu.memref_slice %arg4[%dma_start3A_142, %dma_start3A_144, %dma_start3A_145] : memref<2x32x1000xf32, #tpu.memory_space<vmem>> -> memref<1x32x1000xf32, #tpu.memory_space<vmem>>
    %dma_start3A_147 = tpu.memref_squeeze %dma_start3A_146 : memref<1x32x1000xf32, #tpu.memory_space<vmem>> -> memref<32x1000xf32, #tpu.memory_space<vmem>>
    %dma_start3A_148 = arith.constant 0 : i32
    %dma_start3A_149 = tpu.memref_slice %arg3[%add3A_141, %dma_start3A_148] : memref<16384x1000xf32, #tpu.memory_space<hbm>> -> memref<32x1000xf32, #tpu.memory_space<hbm>>
    %dma_start3A_150 = tpu.memref_slice %arg6[%dma_start3A_143] : memref<2x!tpu.dma_semaphore, #tpu.memory_space<semaphore_mem>> -> memref<1x!tpu.dma_semaphore, #tpu.memory_space<semaphore_mem>>
    %dma_start3A_151 = tpu.memref_squeeze %dma_start3A_150 : memref<1x!tpu.dma_semaphore, #tpu.memory_space<semaphore_mem>> -> memref<!tpu.dma_semaphore, #tpu.memory_space<semaphore_mem>>
    %dma_start3A_152 = arith.constant 0 : i32
    %dma_start3A_153 = tpu.memref_slice %arg3[%add3A_141, %dma_start3A_152] : memref<16384x1000xf32, #tpu.memory_space<hbm>> -> memref<32x1000xf32, #tpu.memory_space<hbm>>
    %dma_start3A_154 = arith.constant 0 : i32
    %dma_start3A_155 = arith.constant 0 : i32
    %dma_start3A_156 = tpu.memref_slice %arg4[%dma_start3A_142, %dma_start3A_154, %dma_start3A_155] : memref<2x32x1000xf32, #tpu.memory_space<vmem>> -> memref<1x32x1000xf32, #tpu.memory_space<vmem>>
    %dma_start3A_157 = tpu.memref_squeeze %dma_start3A_156 : memref<1x32x1000xf32, #tpu.memory_space<vmem>> -> memref<32x1000xf32, #tpu.memory_space<vmem>>
    tpu.enqueue_dma source(%dma_start3A_157 : memref<32x1000xf32, #tpu.memory_space<vmem>>) target(%dma_start3A_153 : memref<32x1000xf32, #tpu.memory_space<hbm>>) target_semaphore(%dma_start3A_151 : memref<!tpu.dma_semaphore, #tpu.memory_space<semaphore_mem>>)
    %add3A_158 = arith.constant 32 : i32
    %add3A_159 = arith.addi %mul3A_2, %add3A_158 : i32
    %dma_wait3A_160 = arith.constant 1 : i32
    %dma_wait3A_161 = arith.constant 1 : i32
    %dma_wait3A_162 = arith.constant 0 : i32
    %dma_wait3A_163 = arith.constant 0 : i32
    %dma_wait3A_164 = tpu.memref_slice %arg4[%dma_wait3A_160, %dma_wait3A_162, %dma_wait3A_163] : memref<2x32x1000xf32, #tpu.memory_space<vmem>> -> memref<1x32x1000xf32, #tpu.memory_space<vmem>>
    %dma_wait3A_165 = tpu.memref_squeeze %dma_wait3A_164 : memref<1x32x1000xf32, #tpu.memory_space<vmem>> -> memref<32x1000xf32, #tpu.memory_space<vmem>>
    %dma_wait3A_166 = arith.constant 0 : i32
    %dma_wait3A_167 = tpu.memref_slice %arg3[%add3A_159, %dma_wait3A_166] : memref<16384x1000xf32, #tpu.memory_space<hbm>> -> memref<32x1000xf32, #tpu.memory_space<hbm>>
    %dma_wait3A_168 = tpu.memref_slice %arg6[%dma_wait3A_161] : memref<2x!tpu.dma_semaphore, #tpu.memory_space<semaphore_mem>> -> memref<1x!tpu.dma_semaphore, #tpu.memory_space<semaphore_mem>>
    %dma_wait3A_169 = tpu.memref_squeeze %dma_wait3A_168 : memref<1x!tpu.dma_semaphore, #tpu.memory_space<semaphore_mem>> -> memref<!tpu.dma_semaphore, #tpu.memory_space<semaphore_mem>>
    %dma_wait3A_170 = arith.constant 0 : i32
    %dma_wait3A_171 = tpu.memref_slice %arg3[%add3A_159, %dma_wait3A_170] : memref<16384x1000xf32, #tpu.memory_space<hbm>> -> memref<32x1000xf32, #tpu.memory_space<hbm>>
    %dma_wait3A_172 = arith.constant 0 : i32
    %dma_wait3A_173 = arith.constant 0 : i32
    %dma_wait3A_174 = tpu.memref_slice %arg4[%dma_wait3A_160, %dma_wait3A_172, %dma_wait3A_173] : memref<2x32x1000xf32, #tpu.memory_space<vmem>> -> memref<1x32x1000xf32, #tpu.memory_space<vmem>>
    %dma_wait3A_175 = tpu.memref_squeeze %dma_wait3A_174 : memref<1x32x1000xf32, #tpu.memory_space<vmem>> -> memref<32x1000xf32, #tpu.memory_space<vmem>>
    tpu.wait_dma2 semaphore(%dma_wait3A_169 : memref<!tpu.dma_semaphore, #tpu.memory_space<semaphore_mem>>) src(%dma_wait3A_175 : memref<32x1000xf32, #tpu.memory_space<vmem>>) dst(%dma_wait3A_171 : memref<32x1000xf32, #tpu.memory_space<hbm>>)
    %add3A_176 = arith.constant 0 : i32
    %add3A_177 = vector.broadcast %add3A_176 : i32 to vector<16xi32>
    %add3A_178 = arith.addi %add3A_177, %iota3A : vector<16xi32>
    %get3A_179 = arith.constant 32 : index
    %get3A_180 = tpu.vector_load %arg5[%get3A_179] {strides = array<i32>} : memref<512xi32, #tpu.memory_space<vmem>>, vector<16xi32>,
    %scatter3A_181 = arith.constant 1 : i32
    %scatter3A_182 = arith.constant 0 : i32
    %scatter3A_183 = arith.constant 0 : i32
    %scatter3A_184 = tpu.memref_slice %arg4[%scatter3A_181, %scatter3A_182, %scatter3A_183] : memref<2x32x1000xf32, #tpu.memory_space<vmem>> -> memref<1x32x1000xf32, #tpu.memory_space<vmem>>
    %scatter3A_185 = tpu.memref_squeeze %scatter3A_184 : memref<1x32x1000xf32, #tpu.memory_space<vmem>> -> memref<32x1000xf32, #tpu.memory_space<vmem>>
    tpu.vector_store_idx %scatter3A_185[%add3A_178, %get3A_180], %broadcast_in_dim3A_3 : memref<32x1000xf32, #tpu.memory_space<vmem>>[vector<16xi32>, vector<16xi32>], vector<16xf32>,
    %add3A_186 = arith.constant 16 : i32
    %add3A_187 = vector.broadcast %add3A_186 : i32 to vector<16xi32>
    %add3A_188 = arith.addi %add3A_187, %iota3A : vector<16xi32>
    %get3A_189 = arith.constant 48 : index
    %get3A_190 = tpu.vector_load %arg5[%get3A_189] {strides = array<i32>} : memref<512xi32, #tpu.memory_space<vmem>>, vector<16xi32>,
    %scatter3A_191 = arith.constant 1 : i32
    %scatter3A_192 = arith.constant 0 : i32
    %scatter3A_193 = arith.constant 0 : i32
    %scatter3A_194 = tpu.memref_slice %arg4[%scatter3A_191, %scatter3A_192, %scatter3A_193] : memref<2x32x1000xf32, #tpu.memory_space<vmem>> -> memref<1x32x1000xf32, #tpu.memory_space<vmem>>
    %scatter3A_195 = tpu.memref_squeeze %scatter3A_194 : memref<1x32x1000xf32, #tpu.memory_space<vmem>> -> memref<32x1000xf32, #tpu.memory_space<vmem>>
    tpu.vector_store_idx %scatter3A_195[%add3A_188, %get3A_190], %broadcast_in_dim3A_3 : memref<32x1000xf32, #tpu.memory_space<vmem>>[vector<16xi32>, vector<16xi32>], vector<16xf32>,
    %add3A_196 = arith.constant 0 : i32
    %add3A_197 = vector.broadcast %add3A_196 : i32 to vector<16xi32>
    %add3A_198 = arith.addi %add3A_197, %iota3A : vector<16xi32>
    %get3A_199 = arith.constant 96 : index
    %get3A_200 = tpu.vector_load %arg5[%get3A_199] {strides = array<i32>} : memref<512xi32, #tpu.memory_space<vmem>>, vector<16xi32>,
    %scatter3A_201 = arith.constant 1 : i32
    %scatter3A_202 = arith.constant 0 : i32
    %scatter3A_203 = arith.constant 0 : i32
    %scatter3A_204 = tpu.memref_slice %arg4[%scatter3A_201, %scatter3A_202, %scatter3A_203] : memref<2x32x1000xf32, #tpu.memory_space<vmem>> -> memref<1x32x1000xf32, #tpu.memory_space<vmem>>
    %scatter3A_205 = tpu.memref_squeeze %scatter3A_204 : memref<1x32x1000xf32, #tpu.memory_space<vmem>> -> memref<32x1000xf32, #tpu.memory_space<vmem>>
    tpu.vector_store_idx %scatter3A_205[%add3A_198, %get3A_200], %broadcast_in_dim3A_9 : memref<32x1000xf32, #tpu.memory_space<vmem>>[vector<16xi32>, vector<16xi32>], vector<16xf32>,
    %add3A_206 = arith.constant 16 : i32
    %add3A_207 = vector.broadcast %add3A_206 : i32 to vector<16xi32>
    %add3A_208 = arith.addi %add3A_207, %iota3A : vector<16xi32>
    %get3A_209 = arith.constant 112 : index
    %get3A_210 = tpu.vector_load %arg5[%get3A_209] {strides = array<i32>} : memref<512xi32, #tpu.memory_space<vmem>>, vector<16xi32>,
    %scatter3A_211 = arith.constant 1 : i32
    %scatter3A_212 = arith.constant 0 : i32
    %scatter3A_213 = arith.constant 0 : i32
    %scatter3A_214 = tpu.memref_slice %arg4[%scatter3A_211, %scatter3A_212, %scatter3A_213] : memref<2x32x1000xf32, #tpu.memory_space<vmem>> -> memref<1x32x1000xf32, #tpu.memory_space<vmem>>
    %scatter3A_215 = tpu.memref_squeeze %scatter3A_214 : memref<1x32x1000xf32, #tpu.memory_space<vmem>> -> memref<32x1000xf32, #tpu.memory_space<vmem>>
    tpu.vector_store_idx %scatter3A_215[%add3A_208, %get3A_210], %broadcast_in_dim3A_9 : memref<32x1000xf32, #tpu.memory_space<vmem>>[vector<16xi32>, vector<16xi32>], vector<16xf32>,
    %add3A_216 = arith.constant 96 : i32
    %add3A_217 = arith.addi %mul3A_2, %add3A_216 : i32
    %dma_start3A_218 = arith.constant 1 : i32
    %dma_start3A_219 = arith.constant 1 : i32
    %dma_start3A_220 = arith.constant 0 : i32
    %dma_start3A_221 = arith.constant 0 : i32
    %dma_start3A_222 = tpu.memref_slice %arg4[%dma_start3A_218, %dma_start3A_220, %dma_start3A_221] : memref<2x32x1000xf32, #tpu.memory_space<vmem>> -> memref<1x32x1000xf32, #tpu.memory_space<vmem>>
    %dma_start3A_223 = tpu.memref_squeeze %dma_start3A_222 : memref<1x32x1000xf32, #tpu.memory_space<vmem>> -> memref<32x1000xf32, #tpu.memory_space<vmem>>
    %dma_start3A_224 = arith.constant 0 : i32
    %dma_start3A_225 = tpu.memref_slice %arg3[%add3A_217, %dma_start3A_224] : memref<16384x1000xf32, #tpu.memory_space<hbm>> -> memref<32x1000xf32, #tpu.memory_space<hbm>>
    %dma_start3A_226 = tpu.memref_slice %arg6[%dma_start3A_219] : memref<2x!tpu.dma_semaphore, #tpu.memory_space<semaphore_mem>> -> memref<1x!tpu.dma_semaphore, #tpu.memory_space<semaphore_mem>>
    %dma_start3A_227 = tpu.memref_squeeze %dma_start3A_226 : memref<1x!tpu.dma_semaphore, #tpu.memory_space<semaphore_mem>> -> memref<!tpu.dma_semaphore, #tpu.memory_space<semaphore_mem>>
    %dma_start3A_228 = arith.constant 0 : i32
    %dma_start3A_229 = tpu.memref_slice %arg3[%add3A_217, %dma_start3A_228] : memref<16384x1000xf32, #tpu.memory_space<hbm>> -> memref<32x1000xf32, #tpu.memory_space<hbm>>
    %dma_start3A_230 = arith.constant 0 : i32
    %dma_start3A_231 = arith.constant 0 : i32
    %dma_start3A_232 = tpu.memref_slice %arg4[%dma_start3A_218, %dma_start3A_230, %dma_start3A_231] : memref<2x32x1000xf32, #tpu.memory_space<vmem>> -> memref<1x32x1000xf32, #tpu.memory_space<vmem>>
    %dma_start3A_233 = tpu.memref_squeeze %dma_start3A_232 : memref<1x32x1000xf32, #tpu.memory_space<vmem>> -> memref<32x1000xf32, #tpu.memory_space<vmem>>
    tpu.enqueue_dma source(%dma_start3A_233 : memref<32x1000xf32, #tpu.memory_space<vmem>>) target(%dma_start3A_229 : memref<32x1000xf32, #tpu.memory_space<hbm>>) target_semaphore(%dma_start3A_227 : memref<!tpu.dma_semaphore, #tpu.memory_space<semaphore_mem>>)
    %add3A_234 = arith.constant 64 : i32
    %add3A_235 = arith.addi %mul3A_2, %add3A_234 : i32
    %dma_wait3A_236 = arith.constant 0 : i32
    %dma_wait3A_237 = arith.constant 0 : i32
    %dma_wait3A_238 = arith.constant 0 : i32
    %dma_wait3A_239 = arith.constant 0 : i32
    %dma_wait3A_240 = tpu.memref_slice %arg4[%dma_wait3A_236, %dma_wait3A_238, %dma_wait3A_239] : memref<2x32x1000xf32, #tpu.memory_space<vmem>> -> memref<1x32x1000xf32, #tpu.memory_space<vmem>>
    %dma_wait3A_241 = tpu.memref_squeeze %dma_wait3A_240 : memref<1x32x1000xf32, #tpu.memory_space<vmem>> -> memref<32x1000xf32, #tpu.memory_space<vmem>>
    %dma_wait3A_242 = arith.constant 0 : i32
    %dma_wait3A_243 = tpu.memref_slice %arg3[%add3A_235, %dma_wait3A_242] : memref<16384x1000xf32, #tpu.memory_space<hbm>> -> memref<32x1000xf32, #tpu.memory_space<hbm>>
    %dma_wait3A_244 = tpu.memref_slice %arg6[%dma_wait3A_237] : memref<2x!tpu.dma_semaphore, #tpu.memory_space<semaphore_mem>> -> memref<1x!tpu.dma_semaphore, #tpu.memory_space<semaphore_mem>>
    %dma_wait3A_245 = tpu.memref_squeeze %dma_wait3A_244 : memref<1x!tpu.dma_semaphore, #tpu.memory_space<semaphore_mem>> -> memref<!tpu.dma_semaphore, #tpu.memory_space<semaphore_mem>>
    %dma_wait3A_246 = arith.constant 0 : i32
    %dma_wait3A_247 = tpu.memref_slice %arg3[%add3A_235, %dma_wait3A_246] : memref<16384x1000xf32, #tpu.memory_space<hbm>> -> memref<32x1000xf32, #tpu.memory_space<hbm>>
    %dma_wait3A_248 = arith.constant 0 : i32
    %dma_wait3A_249 = arith.constant 0 : i32
    %dma_wait3A_250 = tpu.memref_slice %arg4[%dma_wait3A_236, %dma_wait3A_248, %dma_wait3A_249] : memref<2x32x1000xf32, #tpu.memory_space<vmem>> -> memref<1x32x1000xf32, #tpu.memory_space<vmem>>
    %dma_wait3A_251 = tpu.memref_squeeze %dma_wait3A_250 : memref<1x32x1000xf32, #tpu.memory_space<vmem>> -> memref<32x1000xf32, #tpu.memory_space<vmem>>
    tpu.wait_dma2 semaphore(%dma_wait3A_245 : memref<!tpu.dma_semaphore, #tpu.memory_space<semaphore_mem>>) src(%dma_wait3A_251 : memref<32x1000xf32, #tpu.memory_space<vmem>>) dst(%dma_wait3A_247 : memref<32x1000xf32, #tpu.memory_space<hbm>>)
    %add3A_252 = arith.constant 0 : i32
    %add3A_253 = vector.broadcast %add3A_252 : i32 to vector<16xi32>
    %add3A_254 = arith.addi %add3A_253, %iota3A : vector<16xi32>
    %get3A_255 = arith.constant 64 : index
    %get3A_256 = tpu.vector_load %arg5[%get3A_255] {strides = array<i32>} : memref<512xi32, #tpu.memory_space<vmem>>, vector<16xi32>,
    %scatter3A_257 = arith.constant 0 : i32
    %scatter3A_258 = arith.constant 0 : i32
    %scatter3A_259 = arith.constant 0 : i32
    %scatter3A_260 = tpu.memref_slice %arg4[%scatter3A_257, %scatter3A_258, %scatter3A_259] : memref<2x32x1000xf32, #tpu.memory_space<vmem>> -> memref<1x32x1000xf32, #tpu.memory_space<vmem>>
    %scatter3A_261 = tpu.memref_squeeze %scatter3A_260 : memref<1x32x1000xf32, #tpu.memory_space<vmem>> -> memref<32x1000xf32, #tpu.memory_space<vmem>>
    tpu.vector_store_idx %scatter3A_261[%add3A_254, %get3A_256], %broadcast_in_dim3A_3 : memref<32x1000xf32, #tpu.memory_space<vmem>>[vector<16xi32>, vector<16xi32>], vector<16xf32>,
    %add3A_262 = arith.constant 16 : i32
    %add3A_263 = vector.broadcast %add3A_262 : i32 to vector<16xi32>
    %add3A_264 = arith.addi %add3A_263, %iota3A : vector<16xi32>
    %get3A_265 = arith.constant 80 : index
    %get3A_266 = tpu.vector_load %arg5[%get3A_265] {strides = array<i32>} : memref<512xi32, #tpu.memory_space<vmem>>, vector<16xi32>,
    %scatter3A_267 = arith.constant 0 : i32
    %scatter3A_268 = arith.constant 0 : i32
    %scatter3A_269 = arith.constant 0 : i32
    %scatter3A_270 = tpu.memref_slice %arg4[%scatter3A_267, %scatter3A_268, %scatter3A_269] : memref<2x32x1000xf32, #tpu.memory_space<vmem>> -> memref<1x32x1000xf32, #tpu.memory_space<vmem>>
    %scatter3A_271 = tpu.memref_squeeze %scatter3A_270 : memref<1x32x1000xf32, #tpu.memory_space<vmem>> -> memref<32x1000xf32, #tpu.memory_space<vmem>>
    tpu.vector_store_idx %scatter3A_271[%add3A_264, %get3A_266], %broadcast_in_dim3A_3 : memref<32x1000xf32, #tpu.memory_space<vmem>>[vector<16xi32>, vector<16xi32>], vector<16xf32>,
    %add3A_272 = arith.constant 0 : i32
    %add3A_273 = vector.broadcast %add3A_272 : i32 to vector<16xi32>
    %add3A_274 = arith.addi %add3A_273, %iota3A : vector<16xi32>
    %get3A_275 = arith.constant 128 : index
    %get3A_276 = tpu.vector_load %arg5[%get3A_275] {strides = array<i32>} : memref<512xi32, #tpu.memory_space<vmem>>, vector<16xi32>,
    %scatter3A_277 = arith.constant 0 : i32
    %scatter3A_278 = arith.constant 0 : i32
    %scatter3A_279 = arith.constant 0 : i32
    %scatter3A_280 = tpu.memref_slice %arg4[%scatter3A_277, %scatter3A_278, %scatter3A_279] : memref<2x32x1000xf32, #tpu.memory_space<vmem>> -> memref<1x32x1000xf32, #tpu.memory_space<vmem>>
    %scatter3A_281 = tpu.memref_squeeze %scatter3A_280 : memref<1x32x1000xf32, #tpu.memory_space<vmem>> -> memref<32x1000xf32, #tpu.memory_space<vmem>>
    tpu.vector_store_idx %scatter3A_281[%add3A_274, %get3A_276], %broadcast_in_dim3A_9 : memref<32x1000xf32, #tpu.memory_space<vmem>>[vector<16xi32>, vector<16xi32>], vector<16xf32>,
    %add3A_282 = arith.constant 16 : i32
    %add3A_283 = vector.broadcast %add3A_282 : i32 to vector<16xi32>
    %add3A_284 = arith.addi %add3A_283, %iota3A : vector<16xi32>
    %get3A_285 = arith.constant 144 : index
    %get3A_286 = tpu.vector_load %arg5[%get3A_285] {strides = array<i32>} : memref<512xi32, #tpu.memory_space<vmem>>, vector<16xi32>,
    %scatter3A_287 = arith.constant 0 : i32
    %scatter3A_288 = arith.constant 0 : i32
    %scatter3A_289 = arith.constant 0 : i32
    %scatter3A_290 = tpu.memref_slice %arg4[%scatter3A_287, %scatter3A_288, %scatter3A_289] : memref<2x32x1000xf32, #tpu.memory_space<vmem>> -> memref<1x32x1000xf32, #tpu.memory_space<vmem>>
    %scatter3A_291 = tpu.memref_squeeze %scatter3A_290 : memref<1x32x1000xf32, #tpu.memory_space<vmem>> -> memref<32x1000xf32, #tpu.memory_space<vmem>>
    tpu.vector_store_idx %scatter3A_291[%add3A_284, %get3A_286], %broadcast_in_dim3A_9 : memref<32x1000xf32, #tpu.memory_space<vmem>>[vector<16xi32>, vector<16xi32>], vector<16xf32>,
    %add3A_292 = arith.constant 128 : i32
    %add3A_293 = arith.addi %mul3A_2, %add3A_292 : i32
    %dma_start3A_294 = arith.constant 0 : i32
    %dma_start3A_295 = arith.constant 0 : i32
    %dma_start3A_296 = arith.constant 0 : i32
    %dma_start3A_297 = arith.constant 0 : i32
    %dma_start3A_298 = tpu.memref_slice %arg4[%dma_start3A_294, %dma_start3A_296, %dma_start3A_297] : memref<2x32x1000xf32, #tpu.memory_space<vmem>> -> memref<1x32x1000xf32, #tpu.memory_space<vmem>>
    %dma_start3A_299 = tpu.memref_squeeze %dma_start3A_298 : memref<1x32x1000xf32, #tpu.memory_space<vmem>> -> memref<32x1000xf32, #tpu.memory_space<vmem>>
    %dma_start3A_300 = arith.constant 0 : i32
    %dma_start3A_301 = tpu.memref_slice %arg3[%add3A_293, %dma_start3A_300] : memref<16384x1000xf32, #tpu.memory_space<hbm>> -> memref<32x1000xf32, #tpu.memory_space<hbm>>
    %dma_start3A_302 = tpu.memref_slice %arg6[%dma_start3A_295] : memref<2x!tpu.dma_semaphore, #tpu.memory_space<semaphore_mem>> -> memref<1x!tpu.dma_semaphore, #tpu.memory_space<semaphore_mem>>
    %dma_start3A_303 = tpu.memref_squeeze %dma_start3A_302 : memref<1x!tpu.dma_semaphore, #tpu.memory_space<semaphore_mem>> -> memref<!tpu.dma_semaphore, #tpu.memory_space<semaphore_mem>>
    %dma_start3A_304 = arith.constant 0 : i32
    %dma_start3A_305 = tpu.memref_slice %arg3[%add3A_293, %dma_start3A_304] : memref<16384x1000xf32, #tpu.memory_space<hbm>> -> memref<32x1000xf32, #tpu.memory_space<hbm>>
    %dma_start3A_306 = arith.constant 0 : i32
    %dma_start3A_307 = arith.constant 0 : i32
    %dma_start3A_308 = tpu.memref_slice %arg4[%dma_start3A_294, %dma_start3A_306, %dma_start3A_307] : memref<2x32x1000xf32, #tpu.memory_space<vmem>> -> memref<1x32x1000xf32, #tpu.memory_space<vmem>>
    %dma_start3A_309 = tpu.memref_squeeze %dma_start3A_308 : memref<1x32x1000xf32, #tpu.memory_space<vmem>> -> memref<32x1000xf32, #tpu.memory_space<vmem>>
    tpu.enqueue_dma source(%dma_start3A_309 : memref<32x1000xf32, #tpu.memory_space<vmem>>) target(%dma_start3A_305 : memref<32x1000xf32, #tpu.memory_space<hbm>>) target_semaphore(%dma_start3A_303 : memref<!tpu.dma_semaphore, #tpu.memory_space<semaphore_mem>>)
    %add3A_310 = arith.constant 96 : i32
    %add3A_311 = arith.addi %mul3A_2, %add3A_310 : i32
    %dma_wait3A_312 = arith.constant 1 : i32
    %dma_wait3A_313 = arith.constant 1 : i32
    %dma_wait3A_314 = arith.constant 0 : i32
    %dma_wait3A_315 = arith.constant 0 : i32
    %dma_wait3A_316 = tpu.memref_slice %arg4[%dma_wait3A_312, %dma_wait3A_314, %dma_wait3A_315] : memref<2x32x1000xf32, #tpu.memory_space<vmem>> -> memref<1x32x1000xf32, #tpu.memory_space<vmem>>
    %dma_wait3A_317 = tpu.memref_squeeze %dma_wait3A_316 : memref<1x32x1000xf32, #tpu.memory_space<vmem>> -> memref<32x1000xf32, #tpu.memory_space<vmem>>
    %dma_wait3A_318 = arith.constant 0 : i32
    %dma_wait3A_319 = tpu.memref_slice %arg3[%add3A_311, %dma_wait3A_318] : memref<16384x1000xf32, #tpu.memory_space<hbm>> -> memref<32x1000xf32, #tpu.memory_space<hbm>>
    %dma_wait3A_320 = tpu.memref_slice %arg6[%dma_wait3A_313] : memref<2x!tpu.dma_semaphore, #tpu.memory_space<semaphore_mem>> -> memref<1x!tpu.dma_semaphore, #tpu.memory_space<semaphore_mem>>
    %dma_wait3A_321 = tpu.memref_squeeze %dma_wait3A_320 : memref<1x!tpu.dma_semaphore, #tpu.memory_space<semaphore_mem>> -> memref<!tpu.dma_semaphore, #tpu.memory_space<semaphore_mem>>
    %dma_wait3A_322 = arith.constant 0 : i32
    %dma_wait3A_323 = tpu.memref_slice %arg3[%add3A_311, %dma_wait3A_322] : memref<16384x1000xf32, #tpu.memory_space<hbm>> -> memref<32x1000xf32, #tpu.memory_space<hbm>>
    %dma_wait3A_324 = arith.constant 0 : i32
    %dma_wait3A_325 = arith.constant 0 : i32
    %dma_wait3A_326 = tpu.memref_slice %arg4[%dma_wait3A_312, %dma_wait3A_324, %dma_wait3A_325] : memref<2x32x1000xf32, #tpu.memory_space<vmem>> -> memref<1x32x1000xf32, #tpu.memory_space<vmem>>
    %dma_wait3A_327 = tpu.memref_squeeze %dma_wait3A_326 : memref<1x32x1000xf32, #tpu.memory_space<vmem>> -> memref<32x1000xf32, #tpu.memory_space<vmem>>
    tpu.wait_dma2 semaphore(%dma_wait3A_321 : memref<!tpu.dma_semaphore, #tpu.memory_space<semaphore_mem>>) src(%dma_wait3A_327 : memref<32x1000xf32, #tpu.memory_space<vmem>>) dst(%dma_wait3A_323 : memref<32x1000xf32, #tpu.memory_space<hbm>>)
    %add3A_328 = arith.constant 0 : i32
    %add3A_329 = vector.broadcast %add3A_328 : i32 to vector<16xi32>
    %add3A_330 = arith.addi %add3A_329, %iota3A : vector<16xi32>
    %get3A_331 = arith.constant 96 : index
    %get3A_332 = tpu.vector_load %arg5[%get3A_331] {strides = array<i32>} : memref<512xi32, #tpu.memory_space<vmem>>, vector<16xi32>,
    %scatter3A_333 = arith.constant 1 : i32
    %scatter3A_334 = arith.constant 0 : i32
    %scatter3A_335 = arith.constant 0 : i32
    %scatter3A_336 = tpu.memref_slice %arg4[%scatter3A_333, %scatter3A_334, %scatter3A_335] : memref<2x32x1000xf32, #tpu.memory_space<vmem>> -> memref<1x32x1000xf32, #tpu.memory_space<vmem>>
    %scatter3A_337 = tpu.memref_squeeze %scatter3A_336 : memref<1x32x1000xf32, #tpu.memory_space<vmem>> -> memref<32x1000xf32, #tpu.memory_space<vmem>>
    tpu.vector_store_idx %scatter3A_337[%add3A_330, %get3A_332], %broadcast_in_dim3A_3 : memref<32x1000xf32, #tpu.memory_space<vmem>>[vector<16xi32>, vector<16xi32>], vector<16xf32>,
    %add3A_338 = arith.constant 16 : i32
    %add3A_339 = vector.broadcast %add3A_338 : i32 to vector<16xi32>
    %add3A_340 = arith.addi %add3A_339, %iota3A : vector<16xi32>
    %get3A_341 = arith.constant 112 : index
    %get3A_342 = tpu.vector_load %arg5[%get3A_341] {strides = array<i32>} : memref<512xi32, #tpu.memory_space<vmem>>, vector<16xi32>,
    %scatter3A_343 = arith.constant 1 : i32
    %scatter3A_344 = arith.constant 0 : i32
    %scatter3A_345 = arith.constant 0 : i32
    %scatter3A_346 = tpu.memref_slice %arg4[%scatter3A_343, %scatter3A_344, %scatter3A_345] : memref<2x32x1000xf32, #tpu.memory_space<vmem>> -> memref<1x32x1000xf32, #tpu.memory_space<vmem>>
    %scatter3A_347 = tpu.memref_squeeze %scatter3A_346 : memref<1x32x1000xf32, #tpu.memory_space<vmem>> -> memref<32x1000xf32, #tpu.memory_space<vmem>>
    tpu.vector_store_idx %scatter3A_347[%add3A_340, %get3A_342], %broadcast_in_dim3A_3 : memref<32x1000xf32, #tpu.memory_space<vmem>>[vector<16xi32>, vector<16xi32>], vector<16xf32>,
    %add3A_348 = arith.constant 0 : i32
    %add3A_349 = vector.broadcast %add3A_348 : i32 to vector<16xi32>
    %add3A_350 = arith.addi %add3A_349, %iota3A : vector<16xi32>
    %get3A_351 = arith.constant 160 : index
    %get3A_352 = tpu.vector_load %arg5[%get3A_351] {strides = array<i32>} : memref<512xi32, #tpu.memory_space<vmem>>, vector<16xi32>,
    %scatter3A_353 = arith.constant 1 : i32
    %scatter3A_354 = arith.constant 0 : i32
    %scatter3A_355 = arith.constant 0 : i32
    %scatter3A_356 = tpu.memref_slice %arg4[%scatter3A_353, %scatter3A_354, %scatter3A_355] : memref<2x32x1000xf32, #tpu.memory_space<vmem>> -> memref<1x32x1000xf32, #tpu.memory_space<vmem>>
    %scatter3A_357 = tpu.memref_squeeze %scatter3A_356 : memref<1x32x1000xf32, #tpu.memory_space<vmem>> -> memref<32x1000xf32, #tpu.memory_space<vmem>>
    tpu.vector_store_idx %scatter3A_357[%add3A_350, %get3A_352], %broadcast_in_dim3A_9 : memref<32x1000xf32, #tpu.memory_space<vmem>>[vector<16xi32>, vector<16xi32>], vector<16xf32>,
    %add3A_358 = arith.constant 16 : i32
    %add3A_359 = vector.broadcast %add3A_358 : i32 to vector<16xi32>
    %add3A_360 = arith.addi %add3A_359, %iota3A : vector<16xi32>
    %get3A_361 = arith.constant 176 : index
    %get3A_362 = tpu.vector_load %arg5[%get3A_361] {strides = array<i32>} : memref<512xi32, #tpu.memory_space<vmem>>, vector<16xi32>,
    %scatter3A_363 = arith.constant 1 : i32
    %scatter3A_364 = arith.constant 0 : i32
    %scatter3A_365 = arith.constant 0 : i32
    %scatter3A_366 = tpu.memref_slice %arg4[%scatter3A_363, %scatter3A_364, %scatter3A_365] : memref<2x32x1000xf32, #tpu.memory_space<vmem>> -> memref<1x32x1000xf32, #tpu.memory_space<vmem>>
    %scatter3A_367 = tpu.memref_squeeze %scatter3A_366 : memref<1x32x1000xf32, #tpu.memory_space<vmem>> -> memref<32x1000xf32, #tpu.memory_space<vmem>>
    tpu.vector_store_idx %scatter3A_367[%add3A_360, %get3A_362], %broadcast_in_dim3A_9 : memref<32x1000xf32, #tpu.memory_space<vmem>>[vector<16xi32>, vector<16xi32>], vector<16xf32>,
    %add3A_368 = arith.constant 160 : i32
    %add3A_369 = arith.addi %mul3A_2, %add3A_368 : i32
    %dma_start3A_370 = arith.constant 1 : i32
    %dma_start3A_371 = arith.constant 1 : i32
    %dma_start3A_372 = arith.constant 0 : i32
    %dma_start3A_373 = arith.constant 0 : i32
    %dma_start3A_374 = tpu.memref_slice %arg4[%dma_start3A_370, %dma_start3A_372, %dma_start3A_373] : memref<2x32x1000xf32, #tpu.memory_space<vmem>> -> memref<1x32x1000xf32, #tpu.memory_space<vmem>>
    %dma_start3A_375 = tpu.memref_squeeze %dma_start3A_374 : memref<1x32x1000xf32, #tpu.memory_space<vmem>> -> memref<32x1000xf32, #tpu.memory_space<vmem>>
    %dma_start3A_376 = arith.constant 0 : i32
    %dma_start3A_377 = tpu.memref_slice %arg3[%add3A_369, %dma_start3A_376] : memref<16384x1000xf32, #tpu.memory_space<hbm>> -> memref<32x1000xf32, #tpu.memory_space<hbm>>
    %dma_start3A_378 = tpu.memref_slice %arg6[%dma_start3A_371] : memref<2x!tpu.dma_semaphore, #tpu.memory_space<semaphore_mem>> -> memref<1x!tpu.dma_semaphore, #tpu.memory_space<semaphore_mem>>
    %dma_start3A_379 = tpu.memref_squeeze %dma_start3A_378 : memref<1x!tpu.dma_semaphore, #tpu.memory_space<semaphore_mem>> -> memref<!tpu.dma_semaphore, #tpu.memory_space<semaphore_mem>>
    %dma_start3A_380 = arith.constant 0 : i32
    %dma_start3A_381 = tpu.memref_slice %arg3[%add3A_369, %dma_start3A_380] : memref<16384x1000xf32, #tpu.memory_space<hbm>> -> memref<32x1000xf32, #tpu.memory_space<hbm>>
    %dma_start3A_382 = arith.constant 0 : i32
    %dma_start3A_383 = arith.constant 0 : i32
    %dma_start3A_384 = tpu.memref_slice %arg4[%dma_start3A_370, %dma_start3A_382, %dma_start3A_383] : memref<2x32x1000xf32, #tpu.memory_space<vmem>> -> memref<1x32x1000xf32, #tpu.memory_space<vmem>>
    %dma_start3A_385 = tpu.memref_squeeze %dma_start3A_384 : memref<1x32x1000xf32, #tpu.memory_space<vmem>> -> memref<32x1000xf32, #tpu.memory_space<vmem>>
    tpu.enqueue_dma source(%dma_start3A_385 : memref<32x1000xf32, #tpu.memory_space<vmem>>) target(%dma_start3A_381 : memref<32x1000xf32, #tpu.memory_space<hbm>>) target_semaphore(%dma_start3A_379 : memref<!tpu.dma_semaphore, #tpu.memory_space<semaphore_mem>>)
    %add3A_386 = arith.constant 128 : i32
    %add3A_387 = arith.addi %mul3A_2, %add3A_386 : i32
    %dma_wait3A_388 = arith.constant 0 : i32
    %dma_wait3A_389 = arith.constant 0 : i32
    %dma_wait3A_390 = arith.constant 0 : i32
    %dma_wait3A_391 = arith.constant 0 : i32
    %dma_wait3A_392 = tpu.memref_slice %arg4[%dma_wait3A_388, %dma_wait3A_390, %dma_wait3A_391] : memref<2x32x1000xf32, #tpu.memory_space<vmem>> -> memref<1x32x1000xf32, #tpu.memory_space<vmem>>
    %dma_wait3A_393 = tpu.memref_squeeze %dma_wait3A_392 : memref<1x32x1000xf32, #tpu.memory_space<vmem>> -> memref<32x1000xf32, #tpu.memory_space<vmem>>
    %dma_wait3A_394 = arith.constant 0 : i32
    %dma_wait3A_395 = tpu.memref_slice %arg3[%add3A_387, %dma_wait3A_394] : memref<16384x1000xf32, #tpu.memory_space<hbm>> -> memref<32x1000xf32, #tpu.memory_space<hbm>>
    %dma_wait3A_396 = tpu.memref_slice %arg6[%dma_wait3A_389] : memref<2x!tpu.dma_semaphore, #tpu.memory_space<semaphore_mem>> -> memref<1x!tpu.dma_semaphore, #tpu.memory_space<semaphore_mem>>
    %dma_wait3A_397 = tpu.memref_squeeze %dma_wait3A_396 : memref<1x!tpu.dma_semaphore, #tpu.memory_space<semaphore_mem>> -> memref<!tpu.dma_semaphore, #tpu.memory_space<semaphore_mem>>
    %dma_wait3A_398 = arith.constant 0 : i32
    %dma_wait3A_399 = tpu.memref_slice %arg3[%add3A_387, %dma_wait3A_398] : memref<16384x1000xf32, #tpu.memory_space<hbm>> -> memref<32x1000xf32, #tpu.memory_space<hbm>>
    %dma_wait3A_400 = arith.constant 0 : i32
    %dma_wait3A_401 = arith.constant 0 : i32
    %dma_wait3A_402 = tpu.memref_slice %arg4[%dma_wait3A_388, %dma_wait3A_400, %dma_wait3A_401] : memref<2x32x1000xf32, #tpu.memory_space<vmem>> -> memref<1x32x1000xf32, #tpu.memory_space<vmem>>
    %dma_wait3A_403 = tpu.memref_squeeze %dma_wait3A_402 : memref<1x32x1000xf32, #tpu.memory_space<vmem>> -> memref<32x1000xf32, #tpu.memory_space<vmem>>
    tpu.wait_dma2 semaphore(%dma_wait3A_397 : memref<!tpu.dma_semaphore, #tpu.memory_space<semaphore_mem>>) src(%dma_wait3A_403 : memref<32x1000xf32, #tpu.memory_space<vmem>>) dst(%dma_wait3A_399 : memref<32x1000xf32, #tpu.memory_space<hbm>>)
    %add3A_404 = arith.constant 0 : i32
    %add3A_405 = vector.broadcast %add3A_404 : i32 to vector<16xi32>
    %add3A_406 = arith.addi %add3A_405, %iota3A : vector<16xi32>
    %get3A_407 = arith.constant 128 : index
    %get3A_408 = tpu.vector_load %arg5[%get3A_407] {strides = array<i32>} : memref<512xi32, #tpu.memory_space<vmem>>, vector<16xi32>,
    %scatter3A_409 = arith.constant 0 : i32
    %scatter3A_410 = arith.constant 0 : i32
    %scatter3A_411 = arith.constant 0 : i32
    %scatter3A_412 = tpu.memref_slice %arg4[%scatter3A_409, %scatter3A_410, %scatter3A_411] : memref<2x32x1000xf32, #tpu.memory_space<vmem>> -> memref<1x32x1000xf32, #tpu.memory_space<vmem>>
    %scatter3A_413 = tpu.memref_squeeze %scatter3A_412 : memref<1x32x1000xf32, #tpu.memory_space<vmem>> -> memref<32x1000xf32, #tpu.memory_space<vmem>>
    tpu.vector_store_idx %scatter3A_413[%add3A_406, %get3A_408], %broadcast_in_dim3A_3 : memref<32x1000xf32, #tpu.memory_space<vmem>>[vector<16xi32>, vector<16xi32>], vector<16xf32>,
    %add3A_414 = arith.constant 16 : i32
    %add3A_415 = vector.broadcast %add3A_414 : i32 to vector<16xi32>
    %add3A_416 = arith.addi %add3A_415, %iota3A : vector<16xi32>
    %get3A_417 = arith.constant 144 : index
    %get3A_418 = tpu.vector_load %arg5[%get3A_417] {strides = array<i32>} : memref<512xi32, #tpu.memory_space<vmem>>, vector<16xi32>,
    %scatter3A_419 = arith.constant 0 : i32
    %scatter3A_420 = arith.constant 0 : i32
    %scatter3A_421 = arith.constant 0 : i32
    %scatter3A_422 = tpu.memref_slice %arg4[%scatter3A_419, %scatter3A_420, %scatter3A_421] : memref<2x32x1000xf32, #tpu.memory_space<vmem>> -> memref<1x32x1000xf32, #tpu.memory_space<vmem>>
    %scatter3A_423 = tpu.memref_squeeze %scatter3A_422 : memref<1x32x1000xf32, #tpu.memory_space<vmem>> -> memref<32x1000xf32, #tpu.memory_space<vmem>>
    tpu.vector_store_idx %scatter3A_423[%add3A_416, %get3A_418], %broadcast_in_dim3A_3 : memref<32x1000xf32, #tpu.memory_space<vmem>>[vector<16xi32>, vector<16xi32>], vector<16xf32>,
    %add3A_424 = arith.constant 0 : i32
    %add3A_425 = vector.broadcast %add3A_424 : i32 to vector<16xi32>
    %add3A_426 = arith.addi %add3A_425, %iota3A : vector<16xi32>
    %get3A_427 = arith.constant 192 : index
    %get3A_428 = tpu.vector_load %arg5[%get3A_427] {strides = array<i32>} : memref<512xi32, #tpu.memory_space<vmem>>, vector<16xi32>,
    %scatter3A_429 = arith.constant 0 : i32
    %scatter3A_430 = arith.constant 0 : i32
    %scatter3A_431 = arith.constant 0 : i32
    %scatter3A_432 = tpu.memref_slice %arg4[%scatter3A_429, %scatter3A_430, %scatter3A_431] : memref<2x32x1000xf32, #tpu.memory_space<vmem>> -> memref<1x32x1000xf32, #tpu.memory_space<vmem>>
    %scatter3A_433 = tpu.memref_squeeze %scatter3A_432 : memref<1x32x1000xf32, #tpu.memory_space<vmem>> -> memref<32x1000xf32, #tpu.memory_space<vmem>>
    tpu.vector_store_idx %scatter3A_433[%add3A_426, %get3A_428], %broadcast_in_dim3A_9 : memref<32x1000xf32, #tpu.memory_space<vmem>>[vector<16xi32>, vector<16xi32>], vector<16xf32>,
    %add3A_434 = arith.constant 16 : i32
    %add3A_435 = vector.broadcast %add3A_434 : i32 to vector<16xi32>
    %add3A_436 = arith.addi %add3A_435, %iota3A : vector<16xi32>
    %get3A_437 = arith.constant 208 : index
    %get3A_438 = tpu.vector_load %arg5[%get3A_437] {strides = array<i32>} : memref<512xi32, #tpu.memory_space<vmem>>, vector<16xi32>,
    %scatter3A_439 = arith.constant 0 : i32
    %scatter3A_440 = arith.constant 0 : i32
    %scatter3A_441 = arith.constant 0 : i32
    %scatter3A_442 = tpu.memref_slice %arg4[%scatter3A_439, %scatter3A_440, %scatter3A_441] : memref<2x32x1000xf32, #tpu.memory_space<vmem>> -> memref<1x32x1000xf32, #tpu.memory_space<vmem>>
    %scatter3A_443 = tpu.memref_squeeze %scatter3A_442 : memref<1x32x1000xf32, #tpu.memory_space<vmem>> -> memref<32x1000xf32, #tpu.memory_space<vmem>>
    tpu.vector_store_idx %scatter3A_443[%add3A_436, %get3A_438], %broadcast_in_dim3A_9 : memref<32x1000xf32, #tpu.memory_space<vmem>>[vector<16xi32>, vector<16xi32>], vector<16xf32>,
    %add3A_444 = arith.constant 192 : i32
    %add3A_445 = arith.addi %mul3A_2, %add3A_444 : i32
    %dma_start3A_446 = arith.constant 0 : i32
    %dma_start3A_447 = arith.constant 0 : i32
    %dma_start3A_448 = arith.constant 0 : i32
    %dma_start3A_449 = arith.constant 0 : i32
    %dma_start3A_450 = tpu.memref_slice %arg4[%dma_start3A_446, %dma_start3A_448, %dma_start3A_449] : memref<2x32x1000xf32, #tpu.memory_space<vmem>> -> memref<1x32x1000xf32, #tpu.memory_space<vmem>>
    %dma_start3A_451 = tpu.memref_squeeze %dma_start3A_450 : memref<1x32x1000xf32, #tpu.memory_space<vmem>> -> memref<32x1000xf32, #tpu.memory_space<vmem>>
    %dma_start3A_452 = arith.constant 0 : i32
    %dma_start3A_453 = tpu.memref_slice %arg3[%add3A_445, %dma_start3A_452] : memref<16384x1000xf32, #tpu.memory_space<hbm>> -> memref<32x1000xf32, #tpu.memory_space<hbm>>
    %dma_start3A_454 = tpu.memref_slice %arg6[%dma_start3A_447] : memref<2x!tpu.dma_semaphore, #tpu.memory_space<semaphore_mem>> -> memref<1x!tpu.dma_semaphore, #tpu.memory_space<semaphore_mem>>
    %dma_start3A_455 = tpu.memref_squeeze %dma_start3A_454 : memref<1x!tpu.dma_semaphore, #tpu.memory_space<semaphore_mem>> -> memref<!tpu.dma_semaphore, #tpu.memory_space<semaphore_mem>>
    %dma_start3A_456 = arith.constant 0 : i32
    %dma_start3A_457 = tpu.memref_slice %arg3[%add3A_445, %dma_start3A_456] : memref<16384x1000xf32, #tpu.memory_space<hbm>> -> memref<32x1000xf32, #tpu.memory_space<hbm>>
    %dma_start3A_458 = arith.constant 0 : i32
    %dma_start3A_459 = arith.constant 0 : i32
    %dma_start3A_460 = tpu.memref_slice %arg4[%dma_start3A_446, %dma_start3A_458, %dma_start3A_459] : memref<2x32x1000xf32, #tpu.memory_space<vmem>> -> memref<1x32x1000xf32, #tpu.memory_space<vmem>>
    %dma_start3A_461 = tpu.memref_squeeze %dma_start3A_460 : memref<1x32x1000xf32, #tpu.memory_space<vmem>> -> memref<32x1000xf32, #tpu.memory_space<vmem>>
    tpu.enqueue_dma source(%dma_start3A_461 : memref<32x1000xf32, #tpu.memory_space<vmem>>) target(%dma_start3A_457 : memref<32x1000xf32, #tpu.memory_space<hbm>>) target_semaphore(%dma_start3A_455 : memref<!tpu.dma_semaphore, #tpu.memory_space<semaphore_mem>>)
    %add3A_462 = arith.constant 160 : i32
    %add3A_463 = arith.addi %mul3A_2, %add3A_462 : i32
    %dma_wait3A_464 = arith.constant 1 : i32
    %dma_wait3A_465 = arith.constant 1 : i32
    %dma_wait3A_466 = arith.constant 0 : i32
    %dma_wait3A_467 = arith.constant 0 : i32
    %dma_wait3A_468 = tpu.memref_slice %arg4[%dma_wait3A_464, %dma_wait3A_466, %dma_wait3A_467] : memref<2x32x1000xf32, #tpu.memory_space<vmem>> -> memref<1x32x1000xf32, #tpu.memory_space<vmem>>
    %dma_wait3A_469 = tpu.memref_squeeze %dma_wait3A_468 : memref<1x32x1000xf32, #tpu.memory_space<vmem>> -> memref<32x1000xf32, #tpu.memory_space<vmem>>
    %dma_wait3A_470 = arith.constant 0 : i32
    %dma_wait3A_471 = tpu.memref_slice %arg3[%add3A_463, %dma_wait3A_470] : memref<16384x1000xf32, #tpu.memory_space<hbm>> -> memref<32x1000xf32, #tpu.memory_space<hbm>>
    %dma_wait3A_472 = tpu.memref_slice %arg6[%dma_wait3A_465] : memref<2x!tpu.dma_semaphore, #tpu.memory_space<semaphore_mem>> -> memref<1x!tpu.dma_semaphore, #tpu.memory_space<semaphore_mem>>
    %dma_wait3A_473 = tpu.memref_squeeze %dma_wait3A_472 : memref<1x!tpu.dma_semaphore, #tpu.memory_space<semaphore_mem>> -> memref<!tpu.dma_semaphore, #tpu.memory_space<semaphore_mem>>
    %dma_wait3A_474 = arith.constant 0 : i32
    %dma_wait3A_475 = tpu.memref_slice %arg3[%add3A_463, %dma_wait3A_474] : memref<16384x1000xf32, #tpu.memory_space<hbm>> -> memref<32x1000xf32, #tpu.memory_space<hbm>>
    %dma_wait3A_476 = arith.constant 0 : i32
    %dma_wait3A_477 = arith.constant 0 : i32
    %dma_wait3A_478 = tpu.memref_slice %arg4[%dma_wait3A_464, %dma_wait3A_476, %dma_wait3A_477] : memref<2x32x1000xf32, #tpu.memory_space<vmem>> -> memref<1x32x1000xf32, #tpu.memory_space<vmem>>
    %dma_wait3A_479 = tpu.memref_squeeze %dma_wait3A_478 : memref<1x32x1000xf32, #tpu.memory_space<vmem>> -> memref<32x1000xf32, #tpu.memory_space<vmem>>
    tpu.wait_dma2 semaphore(%dma_wait3A_473 : memref<!tpu.dma_semaphore, #tpu.memory_space<semaphore_mem>>) src(%dma_wait3A_479 : memref<32x1000xf32, #tpu.memory_space<vmem>>) dst(%dma_wait3A_475 : memref<32x1000xf32, #tpu.memory_space<hbm>>)
    %add3A_480 = arith.constant 0 : i32
    %add3A_481 = vector.broadcast %add3A_480 : i32 to vector<16xi32>
    %add3A_482 = arith.addi %add3A_481, %iota3A : vector<16xi32>
    %get3A_483 = arith.constant 160 : index
    %get3A_484 = tpu.vector_load %arg5[%get3A_483] {strides = array<i32>} : memref<512xi32, #tpu.memory_space<vmem>>, vector<16xi32>,
    %scatter3A_485 = arith.constant 1 : i32
    %scatter3A_486 = arith.constant 0 : i32
    %scatter3A_487 = arith.constant 0 : i32
    %scatter3A_488 = tpu.memref_slice %arg4[%scatter3A_485, %scatter3A_486, %scatter3A_487] : memref<2x32x1000xf32, #tpu.memory_space<vmem>> -> memref<1x32x1000xf32, #tpu.memory_space<vmem>>
    %scatter3A_489 = tpu.memref_squeeze %scatter3A_488 : memref<1x32x1000xf32, #tpu.memory_space<vmem>> -> memref<32x1000xf32, #tpu.memory_space<vmem>>
    tpu.vector_store_idx %scatter3A_489[%add3A_482, %get3A_484], %broadcast_in_dim3A_3 : memref<32x1000xf32, #tpu.memory_space<vmem>>[vector<16xi32>, vector<16xi32>], vector<16xf32>,
    %add3A_490 = arith.constant 16 : i32
    %add3A_491 = vector.broadcast %add3A_490 : i32 to vector<16xi32>
    %add3A_492 = arith.addi %add3A_491, %iota3A : vector<16xi32>
    %get3A_493 = arith.constant 176 : index
    %get3A_494 = tpu.vector_load %arg5[%get3A_493] {strides = array<i32>} : memref<512xi32, #tpu.memory_space<vmem>>, vector<16xi32>,
    %scatter3A_495 = arith.constant 1 : i32
    %scatter3A_496 = arith.constant 0 : i32
    %scatter3A_497 = arith.constant 0 : i32
    %scatter3A_498 = tpu.memref_slice %arg4[%scatter3A_495, %scatter3A_496, %scatter3A_497] : memref<2x32x1000xf32, #tpu.memory_space<vmem>> -> memref<1x32x1000xf32, #tpu.memory_space<vmem>>
    %scatter3A_499 = tpu.memref_squeeze %scatter3A_498 : memref<1x32x1000xf32, #tpu.memory_space<vmem>> -> memref<32x1000xf32, #tpu.memory_space<vmem>>
    tpu.vector_store_idx %scatter3A_499[%add3A_492, %get3A_494], %broadcast_in_dim3A_3 : memref<32x1000xf32, #tpu.memory_space<vmem>>[vector<16xi32>, vector<16xi32>], vector<16xf32>,
    %add3A_500 = arith.constant 0 : i32
    %add3A_501 = vector.broadcast %add3A_500 : i32 to vector<16xi32>
    %add3A_502 = arith.addi %add3A_501, %iota3A : vector<16xi32>
    %get3A_503 = arith.constant 224 : index
    %get3A_504 = tpu.vector_load %arg5[%get3A_503] {strides = array<i32>} : memref<512xi32, #tpu.memory_space<vmem>>, vector<16xi32>,
    %scatter3A_505 = arith.constant 1 : i32
    %scatter3A_506 = arith.constant 0 : i32
    %scatter3A_507 = arith.constant 0 : i32
    %scatter3A_508 = tpu.memref_slice %arg4[%scatter3A_505, %scatter3A_506, %scatter3A_507] : memref<2x32x1000xf32, #tpu.memory_space<vmem>> -> memref<1x32x1000xf32, #tpu.memory_space<vmem>>
    %scatter3A_509 = tpu.memref_squeeze %scatter3A_508 : memref<1x32x1000xf32, #tpu.memory_space<vmem>> -> memref<32x1000xf32, #tpu.memory_space<vmem>>
    tpu.vector_store_idx %scatter3A_509[%add3A_502, %get3A_504], %broadcast_in_dim3A_9 : memref<32x1000xf32, #tpu.memory_space<vmem>>[vector<16xi32>, vector<16xi32>], vector<16xf32>,
    %add3A_510 = arith.constant 16 : i32
    %add3A_511 = vector.broadcast %add3A_510 : i32 to vector<16xi32>
    %add3A_512 = arith.addi %add3A_511, %iota3A : vector<16xi32>
    %get3A_513 = arith.constant 240 : index
    %get3A_514 = tpu.vector_load %arg5[%get3A_513] {strides = array<i32>} : memref<512xi32, #tpu.memory_space<vmem>>, vector<16xi32>,
    %scatter3A_515 = arith.constant 1 : i32
    %scatter3A_516 = arith.constant 0 : i32
    %scatter3A_517 = arith.constant 0 : i32
    %scatter3A_518 = tpu.memref_slice %arg4[%scatter3A_515, %scatter3A_516, %scatter3A_517] : memref<2x32x1000xf32, #tpu.memory_space<vmem>> -> memref<1x32x1000xf32, #tpu.memory_space<vmem>>
    %scatter3A_519 = tpu.memref_squeeze %scatter3A_518 : memref<1x32x1000xf32, #tpu.memory_space<vmem>> -> memref<32x1000xf32, #tpu.memory_space<vmem>>
    tpu.vector_store_idx %scatter3A_519[%add3A_512, %get3A_514], %broadcast_in_dim3A_9 : memref<32x1000xf32, #tpu.memory_space<vmem>>[vector<16xi32>, vector<16xi32>], vector<16xf32>,
    %add3A_520 = arith.constant 224 : i32
    %add3A_521 = arith.addi %mul3A_2, %add3A_520 : i32
    %dma_start3A_522 = arith.constant 1 : i32
    %dma_start3A_523 = arith.constant 1 : i32
    %dma_start3A_524 = arith.constant 0 : i32
    %dma_start3A_525 = arith.constant 0 : i32
    %dma_start3A_526 = tpu.memref_slice %arg4[%dma_start3A_522, %dma_start3A_524, %dma_start3A_525] : memref<2x32x1000xf32, #tpu.memory_space<vmem>> -> memref<1x32x1000xf32, #tpu.memory_space<vmem>>
    %dma_start3A_527 = tpu.memref_squeeze %dma_start3A_526 : memref<1x32x1000xf32, #tpu.memory_space<vmem>> -> memref<32x1000xf32, #tpu.memory_space<vmem>>
    %dma_start3A_528 = arith.constant 0 : i32
    %dma_start3A_529 = tpu.memref_slice %arg3[%add3A_521, %dma_start3A_528] : memref<16384x1000xf32, #tpu.memory_space<hbm>> -> memref<32x1000xf32, #tpu.memory_space<hbm>>
    %dma_start3A_530 = tpu.memref_slice %arg6[%dma_start3A_523] : memref<2x!tpu.dma_semaphore, #tpu.memory_space<semaphore_mem>> -> memref<1x!tpu.dma_semaphore, #tpu.memory_space<semaphore_mem>>
    %dma_start3A_531 = tpu.memref_squeeze %dma_start3A_530 : memref<1x!tpu.dma_semaphore, #tpu.memory_space<semaphore_mem>> -> memref<!tpu.dma_semaphore, #tpu.memory_space<semaphore_mem>>
    %dma_start3A_532 = arith.constant 0 : i32
    %dma_start3A_533 = tpu.memref_slice %arg3[%add3A_521, %dma_start3A_532] : memref<16384x1000xf32, #tpu.memory_space<hbm>> -> memref<32x1000xf32, #tpu.memory_space<hbm>>
    %dma_start3A_534 = arith.constant 0 : i32
    %dma_start3A_535 = arith.constant 0 : i32
    %dma_start3A_536 = tpu.memref_slice %arg4[%dma_start3A_522, %dma_start3A_534, %dma_start3A_535] : memref<2x32x1000xf32, #tpu.memory_space<vmem>> -> memref<1x32x1000xf32, #tpu.memory_space<vmem>>
    %dma_start3A_537 = tpu.memref_squeeze %dma_start3A_536 : memref<1x32x1000xf32, #tpu.memory_space<vmem>> -> memref<32x1000xf32, #tpu.memory_space<vmem>>
    tpu.enqueue_dma source(%dma_start3A_537 : memref<32x1000xf32, #tpu.memory_space<vmem>>) target(%dma_start3A_533 : memref<32x1000xf32, #tpu.memory_space<hbm>>) target_semaphore(%dma_start3A_531 : memref<!tpu.dma_semaphore, #tpu.memory_space<semaphore_mem>>)
    %add3A_538 = arith.constant 192 : i32
    %add3A_539 = arith.addi %mul3A_2, %add3A_538 : i32
    %dma_wait3A_540 = arith.constant 0 : i32
    %dma_wait3A_541 = arith.constant 0 : i32
    %dma_wait3A_542 = arith.constant 0 : i32
    %dma_wait3A_543 = arith.constant 0 : i32
    %dma_wait3A_544 = tpu.memref_slice %arg4[%dma_wait3A_540, %dma_wait3A_542, %dma_wait3A_543] : memref<2x32x1000xf32, #tpu.memory_space<vmem>> -> memref<1x32x1000xf32, #tpu.memory_space<vmem>>
    %dma_wait3A_545 = tpu.memref_squeeze %dma_wait3A_544 : memref<1x32x1000xf32, #tpu.memory_space<vmem>> -> memref<32x1000xf32, #tpu.memory_space<vmem>>
    %dma_wait3A_546 = arith.constant 0 : i32
    %dma_wait3A_547 = tpu.memref_slice %arg3[%add3A_539, %dma_wait3A_546] : memref<16384x1000xf32, #tpu.memory_space<hbm>> -> memref<32x1000xf32, #tpu.memory_space<hbm>>
    %dma_wait3A_548 = tpu.memref_slice %arg6[%dma_wait3A_541] : memref<2x!tpu.dma_semaphore, #tpu.memory_space<semaphore_mem>> -> memref<1x!tpu.dma_semaphore, #tpu.memory_space<semaphore_mem>>
    %dma_wait3A_549 = tpu.memref_squeeze %dma_wait3A_548 : memref<1x!tpu.dma_semaphore, #tpu.memory_space<semaphore_mem>> -> memref<!tpu.dma_semaphore, #tpu.memory_space<semaphore_mem>>
    %dma_wait3A_550 = arith.constant 0 : i32
    %dma_wait3A_551 = tpu.memref_slice %arg3[%add3A_539, %dma_wait3A_550] : memref<16384x1000xf32, #tpu.memory_space<hbm>> -> memref<32x1000xf32, #tpu.memory_space<hbm>>
    %dma_wait3A_552 = arith.constant 0 : i32
    %dma_wait3A_553 = arith.constant 0 : i32
    %dma_wait3A_554 = tpu.memref_slice %arg4[%dma_wait3A_540, %dma_wait3A_552, %dma_wait3A_553] : memref<2x32x1000xf32, #tpu.memory_space<vmem>> -> memref<1x32x1000xf32, #tpu.memory_space<vmem>>
    %dma_wait3A_555 = tpu.memref_squeeze %dma_wait3A_554 : memref<1x32x1000xf32, #tpu.memory_space<vmem>> -> memref<32x1000xf32, #tpu.memory_space<vmem>>
    tpu.wait_dma2 semaphore(%dma_wait3A_549 : memref<!tpu.dma_semaphore, #tpu.memory_space<semaphore_mem>>) src(%dma_wait3A_555 : memref<32x1000xf32, #tpu.memory_space<vmem>>) dst(%dma_wait3A_551 : memref<32x1000xf32, #tpu.memory_space<hbm>>)
    %add3A_556 = arith.constant 0 : i32
    %add3A_557 = vector.broadcast %add3A_556 : i32 to vector<16xi32>
    %add3A_558 = arith.addi %add3A_557, %iota3A : vector<16xi32>
    %get3A_559 = arith.constant 192 : index
    %get3A_560 = tpu.vector_load %arg5[%get3A_559] {strides = array<i32>} : memref<512xi32, #tpu.memory_space<vmem>>, vector<16xi32>,
    %scatter3A_561 = arith.constant 0 : i32
    %scatter3A_562 = arith.constant 0 : i32
    %scatter3A_563 = arith.constant 0 : i32
    %scatter3A_564 = tpu.memref_slice %arg4[%scatter3A_561, %scatter3A_562, %scatter3A_563] : memref<2x32x1000xf32, #tpu.memory_space<vmem>> -> memref<1x32x1000xf32, #tpu.memory_space<vmem>>
    %scatter3A_565 = tpu.memref_squeeze %scatter3A_564 : memref<1x32x1000xf32, #tpu.memory_space<vmem>> -> memref<32x1000xf32, #tpu.memory_space<vmem>>
    tpu.vector_store_idx %scatter3A_565[%add3A_558, %get3A_560], %broadcast_in_dim3A_3 : memref<32x1000xf32, #tpu.memory_space<vmem>>[vector<16xi32>, vector<16xi32>], vector<16xf32>,
    %add3A_566 = arith.constant 16 : i32
    %add3A_567 = vector.broadcast %add3A_566 : i32 to vector<16xi32>
    %add3A_568 = arith.addi %add3A_567, %iota3A : vector<16xi32>
    %get3A_569 = arith.constant 208 : index
    %get3A_570 = tpu.vector_load %arg5[%get3A_569] {strides = array<i32>} : memref<512xi32, #tpu.memory_space<vmem>>, vector<16xi32>,
    %scatter3A_571 = arith.constant 0 : i32
    %scatter3A_572 = arith.constant 0 : i32
    %scatter3A_573 = arith.constant 0 : i32
    %scatter3A_574 = tpu.memref_slice %arg4[%scatter3A_571, %scatter3A_572, %scatter3A_573] : memref<2x32x1000xf32, #tpu.memory_space<vmem>> -> memref<1x32x1000xf32, #tpu.memory_space<vmem>>
    %scatter3A_575 = tpu.memref_squeeze %scatter3A_574 : memref<1x32x1000xf32, #tpu.memory_space<vmem>> -> memref<32x1000xf32, #tpu.memory_space<vmem>>
    tpu.vector_store_idx %scatter3A_575[%add3A_568, %get3A_570], %broadcast_in_dim3A_3 : memref<32x1000xf32, #tpu.memory_space<vmem>>[vector<16xi32>, vector<16xi32>], vector<16xf32>,
    %add3A_576 = arith.constant 0 : i32
    %add3A_577 = vector.broadcast %add3A_576 : i32 to vector<16xi32>
    %add3A_578 = arith.addi %add3A_577, %iota3A : vector<16xi32>
    %get3A_579 = arith.constant 256 : index
    %get3A_580 = tpu.vector_load %arg5[%get3A_579] {strides = array<i32>} : memref<512xi32, #tpu.memory_space<vmem>>, vector<16xi32>,
    %scatter3A_581 = arith.constant 0 : i32
    %scatter3A_582 = arith.constant 0 : i32
    %scatter3A_583 = arith.constant 0 : i32
    %scatter3A_584 = tpu.memref_slice %arg4[%scatter3A_581, %scatter3A_582, %scatter3A_583] : memref<2x32x1000xf32, #tpu.memory_space<vmem>> -> memref<1x32x1000xf32, #tpu.memory_space<vmem>>
    %scatter3A_585 = tpu.memref_squeeze %scatter3A_584 : memref<1x32x1000xf32, #tpu.memory_space<vmem>> -> memref<32x1000xf32, #tpu.memory_space<vmem>>
    tpu.vector_store_idx %scatter3A_585[%add3A_578, %get3A_580], %broadcast_in_dim3A_9 : memref<32x1000xf32, #tpu.memory_space<vmem>>[vector<16xi32>, vector<16xi32>], vector<16xf32>,
    %add3A_586 = arith.constant 16 : i32
    %add3A_587 = vector.broadcast %add3A_586 : i32 to vector<16xi32>
    %add3A_588 = arith.addi %add3A_587, %iota3A : vector<16xi32>
    %get3A_589 = arith.constant 272 : index
    %get3A_590 = tpu.vector_load %arg5[%get3A_589] {strides = array<i32>} : memref<512xi32, #tpu.memory_space<vmem>>, vector<16xi32>,
    %scatter3A_591 = arith.constant 0 : i32
    %scatter3A_592 = arith.constant 0 : i32
    %scatter3A_593 = arith.constant 0 : i32
    %scatter3A_594 = tpu.memref_slice %arg4[%scatter3A_591, %scatter3A_592, %scatter3A_593] : memref<2x32x1000xf32, #tpu.memory_space<vmem>> -> memref<1x32x1000xf32, #tpu.memory_space<vmem>>
    %scatter3A_595 = tpu.memref_squeeze %scatter3A_594 : memref<1x32x1000xf32, #tpu.memory_space<vmem>> -> memref<32x1000xf32, #tpu.memory_space<vmem>>
    tpu.vector_store_idx %scatter3A_595[%add3A_588, %get3A_590], %broadcast_in_dim3A_9 : memref<32x1000xf32, #tpu.memory_space<vmem>>[vector<16xi32>, vector<16xi32>], vector<16xf32>,
    %add3A_596 = arith.constant 256 : i32
    %add3A_597 = arith.addi %mul3A_2, %add3A_596 : i32
    %dma_start3A_598 = arith.constant 0 : i32
    %dma_start3A_599 = arith.constant 0 : i32
    %dma_start3A_600 = arith.constant 0 : i32
    %dma_start3A_601 = arith.constant 0 : i32
    %dma_start3A_602 = tpu.memref_slice %arg4[%dma_start3A_598, %dma_start3A_600, %dma_start3A_601] : memref<2x32x1000xf32, #tpu.memory_space<vmem>> -> memref<1x32x1000xf32, #tpu.memory_space<vmem>>
    %dma_start3A_603 = tpu.memref_squeeze %dma_start3A_602 : memref<1x32x1000xf32, #tpu.memory_space<vmem>> -> memref<32x1000xf32, #tpu.memory_space<vmem>>
    %dma_start3A_604 = arith.constant 0 : i32
    %dma_start3A_605 = tpu.memref_slice %arg3[%add3A_597, %dma_start3A_604] : memref<16384x1000xf32, #tpu.memory_space<hbm>> -> memref<32x1000xf32, #tpu.memory_space<hbm>>
    %dma_start3A_606 = tpu.memref_slice %arg6[%dma_start3A_599] : memref<2x!tpu.dma_semaphore, #tpu.memory_space<semaphore_mem>> -> memref<1x!tpu.dma_semaphore, #tpu.memory_space<semaphore_mem>>
    %dma_start3A_607 = tpu.memref_squeeze %dma_start3A_606 : memref<1x!tpu.dma_semaphore, #tpu.memory_space<semaphore_mem>> -> memref<!tpu.dma_semaphore, #tpu.memory_space<semaphore_mem>>
    %dma_start3A_608 = arith.constant 0 : i32
    %dma_start3A_609 = tpu.memref_slice %arg3[%add3A_597, %dma_start3A_608] : memref<16384x1000xf32, #tpu.memory_space<hbm>> -> memref<32x1000xf32, #tpu.memory_space<hbm>>
    %dma_start3A_610 = arith.constant 0 : i32
    %dma_start3A_611 = arith.constant 0 : i32
    %dma_start3A_612 = tpu.memref_slice %arg4[%dma_start3A_598, %dma_start3A_610, %dma_start3A_611] : memref<2x32x1000xf32, #tpu.memory_space<vmem>> -> memref<1x32x1000xf32, #tpu.memory_space<vmem>>
    %dma_start3A_613 = tpu.memref_squeeze %dma_start3A_612 : memref<1x32x1000xf32, #tpu.memory_space<vmem>> -> memref<32x1000xf32, #tpu.memory_space<vmem>>
    tpu.enqueue_dma source(%dma_start3A_613 : memref<32x1000xf32, #tpu.memory_space<vmem>>) target(%dma_start3A_609 : memref<32x1000xf32, #tpu.memory_space<hbm>>) target_semaphore(%dma_start3A_607 : memref<!tpu.dma_semaphore, #tpu.memory_space<semaphore_mem>>)
    %add3A_614 = arith.constant 224 : i32
    %add3A_615 = arith.addi %mul3A_2, %add3A_614 : i32
    %dma_wait3A_616 = arith.constant 1 : i32
    %dma_wait3A_617 = arith.constant 1 : i32
    %dma_wait3A_618 = arith.constant 0 : i32
    %dma_wait3A_619 = arith.constant 0 : i32
    %dma_wait3A_620 = tpu.memref_slice %arg4[%dma_wait3A_616, %dma_wait3A_618, %dma_wait3A_619] : memref<2x32x1000xf32, #tpu.memory_space<vmem>> -> memref<1x32x1000xf32, #tpu.memory_space<vmem>>
    %dma_wait3A_621 = tpu.memref_squeeze %dma_wait3A_620 : memref<1x32x1000xf32, #tpu.memory_space<vmem>> -> memref<32x1000xf32, #tpu.memory_space<vmem>>
    %dma_wait3A_622 = arith.constant 0 : i32
    %dma_wait3A_623 = tpu.memref_slice %arg3[%add3A_615, %dma_wait3A_622] : memref<16384x1000xf32, #tpu.memory_space<hbm>> -> memref<32x1000xf32, #tpu.memory_space<hbm>>
    %dma_wait3A_624 = tpu.memref_slice %arg6[%dma_wait3A_617] : memref<2x!tpu.dma_semaphore, #tpu.memory_space<semaphore_mem>> -> memref<1x!tpu.dma_semaphore, #tpu.memory_space<semaphore_mem>>
    %dma_wait3A_625 = tpu.memref_squeeze %dma_wait3A_624 : memref<1x!tpu.dma_semaphore, #tpu.memory_space<semaphore_mem>> -> memref<!tpu.dma_semaphore, #tpu.memory_space<semaphore_mem>>
    %dma_wait3A_626 = arith.constant 0 : i32
    %dma_wait3A_627 = tpu.memref_slice %arg3[%add3A_615, %dma_wait3A_626] : memref<16384x1000xf32, #tpu.memory_space<hbm>> -> memref<32x1000xf32, #tpu.memory_space<hbm>>
    %dma_wait3A_628 = arith.constant 0 : i32
    %dma_wait3A_629 = arith.constant 0 : i32
    %dma_wait3A_630 = tpu.memref_slice %arg4[%dma_wait3A_616, %dma_wait3A_628, %dma_wait3A_629] : memref<2x32x1000xf32, #tpu.memory_space<vmem>> -> memref<1x32x1000xf32, #tpu.memory_space<vmem>>
    %dma_wait3A_631 = tpu.memref_squeeze %dma_wait3A_630 : memref<1x32x1000xf32, #tpu.memory_space<vmem>> -> memref<32x1000xf32, #tpu.memory_space<vmem>>
    tpu.wait_dma2 semaphore(%dma_wait3A_625 : memref<!tpu.dma_semaphore, #tpu.memory_space<semaphore_mem>>) src(%dma_wait3A_631 : memref<32x1000xf32, #tpu.memory_space<vmem>>) dst(%dma_wait3A_627 : memref<32x1000xf32, #tpu.memory_space<hbm>>)
    %add3A_632 = arith.constant 0 : i32
    %add3A_633 = vector.broadcast %add3A_632 : i32 to vector<16xi32>
    %add3A_634 = arith.addi %add3A_633, %iota3A : vector<16xi32>
    %get3A_635 = arith.constant 224 : index
    %get3A_636 = tpu.vector_load %arg5[%get3A_635] {strides = array<i32>} : memref<512xi32, #tpu.memory_space<vmem>>, vector<16xi32>,
    %scatter3A_637 = arith.constant 1 : i32
    %scatter3A_638 = arith.constant 0 : i32
    %scatter3A_639 = arith.constant 0 : i32
    %scatter3A_640 = tpu.memref_slice %arg4[%scatter3A_637, %scatter3A_638, %scatter3A_639] : memref<2x32x1000xf32, #tpu.memory_space<vmem>> -> memref<1x32x1000xf32, #tpu.memory_space<vmem>>
    %scatter3A_641 = tpu.memref_squeeze %scatter3A_640 : memref<1x32x1000xf32, #tpu.memory_space<vmem>> -> memref<32x1000xf32, #tpu.memory_space<vmem>>
    tpu.vector_store_idx %scatter3A_641[%add3A_634, %get3A_636], %broadcast_in_dim3A_3 : memref<32x1000xf32, #tpu.memory_space<vmem>>[vector<16xi32>, vector<16xi32>], vector<16xf32>,
    %add3A_642 = arith.constant 16 : i32
    %add3A_643 = vector.broadcast %add3A_642 : i32 to vector<16xi32>
    %add3A_644 = arith.addi %add3A_643, %iota3A : vector<16xi32>
    %get3A_645 = arith.constant 240 : index
    %get3A_646 = tpu.vector_load %arg5[%get3A_645] {strides = array<i32>} : memref<512xi32, #tpu.memory_space<vmem>>, vector<16xi32>,
    %scatter3A_647 = arith.constant 1 : i32
    %scatter3A_648 = arith.constant 0 : i32
    %scatter3A_649 = arith.constant 0 : i32
    %scatter3A_650 = tpu.memref_slice %arg4[%scatter3A_647, %scatter3A_648, %scatter3A_649] : memref<2x32x1000xf32, #tpu.memory_space<vmem>> -> memref<1x32x1000xf32, #tpu.memory_space<vmem>>
    %scatter3A_651 = tpu.memref_squeeze %scatter3A_650 : memref<1x32x1000xf32, #tpu.memory_space<vmem>> -> memref<32x1000xf32, #tpu.memory_space<vmem>>
    tpu.vector_store_idx %scatter3A_651[%add3A_644, %get3A_646], %broadcast_in_dim3A_3 : memref<32x1000xf32, #tpu.memory_space<vmem>>[vector<16xi32>, vector<16xi32>], vector<16xf32>,
    %add3A_652 = arith.constant 0 : i32
    %add3A_653 = vector.broadcast %add3A_652 : i32 to vector<16xi32>
    %add3A_654 = arith.addi %add3A_653, %iota3A : vector<16xi32>
    %get3A_655 = arith.constant 288 : index
    %get3A_656 = tpu.vector_load %arg5[%get3A_655] {strides = array<i32>} : memref<512xi32, #tpu.memory_space<vmem>>, vector<16xi32>,
    %scatter3A_657 = arith.constant 1 : i32
    %scatter3A_658 = arith.constant 0 : i32
    %scatter3A_659 = arith.constant 0 : i32
    %scatter3A_660 = tpu.memref_slice %arg4[%scatter3A_657, %scatter3A_658, %scatter3A_659] : memref<2x32x1000xf32, #tpu.memory_space<vmem>> -> memref<1x32x1000xf32, #tpu.memory_space<vmem>>
    %scatter3A_661 = tpu.memref_squeeze %scatter3A_660 : memref<1x32x1000xf32, #tpu.memory_space<vmem>> -> memref<32x1000xf32, #tpu.memory_space<vmem>>
    tpu.vector_store_idx %scatter3A_661[%add3A_654, %get3A_656], %broadcast_in_dim3A_9 : memref<32x1000xf32, #tpu.memory_space<vmem>>[vector<16xi32>, vector<16xi32>], vector<16xf32>,
    %add3A_662 = arith.constant 16 : i32
    %add3A_663 = vector.broadcast %add3A_662 : i32 to vector<16xi32>
    %add3A_664 = arith.addi %add3A_663, %iota3A : vector<16xi32>
    %get3A_665 = arith.constant 304 : index
    %get3A_666 = tpu.vector_load %arg5[%get3A_665] {strides = array<i32>} : memref<512xi32, #tpu.memory_space<vmem>>, vector<16xi32>,
    %scatter3A_667 = arith.constant 1 : i32
    %scatter3A_668 = arith.constant 0 : i32
    %scatter3A_669 = arith.constant 0 : i32
    %scatter3A_670 = tpu.memref_slice %arg4[%scatter3A_667, %scatter3A_668, %scatter3A_669] : memref<2x32x1000xf32, #tpu.memory_space<vmem>> -> memref<1x32x1000xf32, #tpu.memory_space<vmem>>
    %scatter3A_671 = tpu.memref_squeeze %scatter3A_670 : memref<1x32x1000xf32, #tpu.memory_space<vmem>> -> memref<32x1000xf32, #tpu.memory_space<vmem>>
    tpu.vector_store_idx %scatter3A_671[%add3A_664, %get3A_666], %broadcast_in_dim3A_9 : memref<32x1000xf32, #tpu.memory_space<vmem>>[vector<16xi32>, vector<16xi32>], vector<16xf32>,
    %add3A_672 = arith.constant 288 : i32
    %add3A_673 = arith.addi %mul3A_2, %add3A_672 : i32
    %dma_start3A_674 = arith.constant 1 : i32
    %dma_start3A_675 = arith.constant 1 : i32
    %dma_start3A_676 = arith.constant 0 : i32
    %dma_start3A_677 = arith.constant 0 : i32
    %dma_start3A_678 = tpu.memref_slice %arg4[%dma_start3A_674, %dma_start3A_676, %dma_start3A_677] : memref<2x32x1000xf32, #tpu.memory_space<vmem>> -> memref<1x32x1000xf32, #tpu.memory_space<vmem>>
    %dma_start3A_679 = tpu.memref_squeeze %dma_start3A_678 : memref<1x32x1000xf32, #tpu.memory_space<vmem>> -> memref<32x1000xf32, #tpu.memory_space<vmem>>
    %dma_start3A_680 = arith.constant 0 : i32
    %dma_start3A_681 = tpu.memref_slice %arg3[%add3A_673, %dma_start3A_680] : memref<16384x1000xf32, #tpu.memory_space<hbm>> -> memref<32x1000xf32, #tpu.memory_space<hbm>>
    %dma_start3A_682 = tpu.memref_slice %arg6[%dma_start3A_675] : memref<2x!tpu.dma_semaphore, #tpu.memory_space<semaphore_mem>> -> memref<1x!tpu.dma_semaphore, #tpu.memory_space<semaphore_mem>>
    %dma_start3A_683 = tpu.memref_squeeze %dma_start3A_682 : memref<1x!tpu.dma_semaphore, #tpu.memory_space<semaphore_mem>> -> memref<!tpu.dma_semaphore, #tpu.memory_space<semaphore_mem>>
    %dma_start3A_684 = arith.constant 0 : i32
    %dma_start3A_685 = tpu.memref_slice %arg3[%add3A_673, %dma_start3A_684] : memref<16384x1000xf32, #tpu.memory_space<hbm>> -> memref<32x1000xf32, #tpu.memory_space<hbm>>
    %dma_start3A_686 = arith.constant 0 : i32
    %dma_start3A_687 = arith.constant 0 : i32
    %dma_start3A_688 = tpu.memref_slice %arg4[%dma_start3A_674, %dma_start3A_686, %dma_start3A_687] : memref<2x32x1000xf32, #tpu.memory_space<vmem>> -> memref<1x32x1000xf32, #tpu.memory_space<vmem>>
    %dma_start3A_689 = tpu.memref_squeeze %dma_start3A_688 : memref<1x32x1000xf32, #tpu.memory_space<vmem>> -> memref<32x1000xf32, #tpu.memory_space<vmem>>
    tpu.enqueue_dma source(%dma_start3A_689 : memref<32x1000xf32, #tpu.memory_space<vmem>>) target(%dma_start3A_685 : memref<32x1000xf32, #tpu.memory_space<hbm>>) target_semaphore(%dma_start3A_683 : memref<!tpu.dma_semaphore, #tpu.memory_space<semaphore_mem>>)
    %add3A_690 = arith.constant 256 : i32
    %add3A_691 = arith.addi %mul3A_2, %add3A_690 : i32
    %dma_wait3A_692 = arith.constant 0 : i32
    %dma_wait3A_693 = arith.constant 0 : i32
    %dma_wait3A_694 = arith.constant 0 : i32
    %dma_wait3A_695 = arith.constant 0 : i32
    %dma_wait3A_696 = tpu.memref_slice %arg4[%dma_wait3A_692, %dma_wait3A_694, %dma_wait3A_695] : memref<2x32x1000xf32, #tpu.memory_space<vmem>> -> memref<1x32x1000xf32, #tpu.memory_space<vmem>>
    %dma_wait3A_697 = tpu.memref_squeeze %dma_wait3A_696 : memref<1x32x1000xf32, #tpu.memory_space<vmem>> -> memref<32x1000xf32, #tpu.memory_space<vmem>>
    %dma_wait3A_698 = arith.constant 0 : i32
    %dma_wait3A_699 = tpu.memref_slice %arg3[%add3A_691, %dma_wait3A_698] : memref<16384x1000xf32, #tpu.memory_space<hbm>> -> memref<32x1000xf32, #tpu.memory_space<hbm>>
    %dma_wait3A_700 = tpu.memref_slice %arg6[%dma_wait3A_693] : memref<2x!tpu.dma_semaphore, #tpu.memory_space<semaphore_mem>> -> memref<1x!tpu.dma_semaphore, #tpu.memory_space<semaphore_mem>>
    %dma_wait3A_701 = tpu.memref_squeeze %dma_wait3A_700 : memref<1x!tpu.dma_semaphore, #tpu.memory_space<semaphore_mem>> -> memref<!tpu.dma_semaphore, #tpu.memory_space<semaphore_mem>>
    %dma_wait3A_702 = arith.constant 0 : i32
    %dma_wait3A_703 = tpu.memref_slice %arg3[%add3A_691, %dma_wait3A_702] : memref<16384x1000xf32, #tpu.memory_space<hbm>> -> memref<32x1000xf32, #tpu.memory_space<hbm>>
    %dma_wait3A_704 = arith.constant 0 : i32
    %dma_wait3A_705 = arith.constant 0 : i32
    %dma_wait3A_706 = tpu.memref_slice %arg4[%dma_wait3A_692, %dma_wait3A_704, %dma_wait3A_705] : memref<2x32x1000xf32, #tpu.memory_space<vmem>> -> memref<1x32x1000xf32, #tpu.memory_space<vmem>>
    %dma_wait3A_707 = tpu.memref_squeeze %dma_wait3A_706 : memref<1x32x1000xf32, #tpu.memory_space<vmem>> -> memref<32x1000xf32, #tpu.memory_space<vmem>>
    tpu.wait_dma2 semaphore(%dma_wait3A_701 : memref<!tpu.dma_semaphore, #tpu.memory_space<semaphore_mem>>) src(%dma_wait3A_707 : memref<32x1000xf32, #tpu.memory_space<vmem>>) dst(%dma_wait3A_703 : memref<32x1000xf32, #tpu.memory_space<hbm>>)
    %add3A_708 = arith.constant 0 : i32
    %add3A_709 = vector.broadcast %add3A_708 : i32 to vector<16xi32>
    %add3A_710 = arith.addi %add3A_709, %iota3A : vector<16xi32>
    %get3A_711 = arith.constant 256 : index
    %get3A_712 = tpu.vector_load %arg5[%get3A_711] {strides = array<i32>} : memref<512xi32, #tpu.memory_space<vmem>>, vector<16xi32>,
    %scatter3A_713 = arith.constant 0 : i32
    %scatter3A_714 = arith.constant 0 : i32
    %scatter3A_715 = arith.constant 0 : i32
    %scatter3A_716 = tpu.memref_slice %arg4[%scatter3A_713, %scatter3A_714, %scatter3A_715] : memref<2x32x1000xf32, #tpu.memory_space<vmem>> -> memref<1x32x1000xf32, #tpu.memory_space<vmem>>
    %scatter3A_717 = tpu.memref_squeeze %scatter3A_716 : memref<1x32x1000xf32, #tpu.memory_space<vmem>> -> memref<32x1000xf32, #tpu.memory_space<vmem>>
    tpu.vector_store_idx %scatter3A_717[%add3A_710, %get3A_712], %broadcast_in_dim3A_3 : memref<32x1000xf32, #tpu.memory_space<vmem>>[vector<16xi32>, vector<16xi32>], vector<16xf32>,
    %add3A_718 = arith.constant 16 : i32
    %add3A_719 = vector.broadcast %add3A_718 : i32 to vector<16xi32>
    %add3A_720 = arith.addi %add3A_719, %iota3A : vector<16xi32>
    %get3A_721 = arith.constant 272 : index
    %get3A_722 = tpu.vector_load %arg5[%get3A_721] {strides = array<i32>} : memref<512xi32, #tpu.memory_space<vmem>>, vector<16xi32>,
    %scatter3A_723 = arith.constant 0 : i32
    %scatter3A_724 = arith.constant 0 : i32
    %scatter3A_725 = arith.constant 0 : i32
    %scatter3A_726 = tpu.memref_slice %arg4[%scatter3A_723, %scatter3A_724, %scatter3A_725] : memref<2x32x1000xf32, #tpu.memory_space<vmem>> -> memref<1x32x1000xf32, #tpu.memory_space<vmem>>
    %scatter3A_727 = tpu.memref_squeeze %scatter3A_726 : memref<1x32x1000xf32, #tpu.memory_space<vmem>> -> memref<32x1000xf32, #tpu.memory_space<vmem>>
    tpu.vector_store_idx %scatter3A_727[%add3A_720, %get3A_722], %broadcast_in_dim3A_3 : memref<32x1000xf32, #tpu.memory_space<vmem>>[vector<16xi32>, vector<16xi32>], vector<16xf32>,
    %add3A_728 = arith.constant 0 : i32
    %add3A_729 = vector.broadcast %add3A_728 : i32 to vector<16xi32>
    %add3A_730 = arith.addi %add3A_729, %iota3A : vector<16xi32>
    %get3A_731 = arith.constant 320 : index
    %get3A_732 = tpu.vector_load %arg5[%get3A_731] {strides = array<i32>} : memref<512xi32, #tpu.memory_space<vmem>>, vector<16xi32>,
    %scatter3A_733 = arith.constant 0 : i32
    %scatter3A_734 = arith.constant 0 : i32
    %scatter3A_735 = arith.constant 0 : i32
    %scatter3A_736 = tpu.memref_slice %arg4[%scatter3A_733, %scatter3A_734, %scatter3A_735] : memref<2x32x1000xf32, #tpu.memory_space<vmem>> -> memref<1x32x1000xf32, #tpu.memory_space<vmem>>
    %scatter3A_737 = tpu.memref_squeeze %scatter3A_736 : memref<1x32x1000xf32, #tpu.memory_space<vmem>> -> memref<32x1000xf32, #tpu.memory_space<vmem>>
    tpu.vector_store_idx %scatter3A_737[%add3A_730, %get3A_732], %broadcast_in_dim3A_9 : memref<32x1000xf32, #tpu.memory_space<vmem>>[vector<16xi32>, vector<16xi32>], vector<16xf32>,
    %add3A_738 = arith.constant 16 : i32
    %add3A_739 = vector.broadcast %add3A_738 : i32 to vector<16xi32>
    %add3A_740 = arith.addi %add3A_739, %iota3A : vector<16xi32>
    %get3A_741 = arith.constant 336 : index
    %get3A_742 = tpu.vector_load %arg5[%get3A_741] {strides = array<i32>} : memref<512xi32, #tpu.memory_space<vmem>>, vector<16xi32>,
    %scatter3A_743 = arith.constant 0 : i32
    %scatter3A_744 = arith.constant 0 : i32
    %scatter3A_745 = arith.constant 0 : i32
    %scatter3A_746 = tpu.memref_slice %arg4[%scatter3A_743, %scatter3A_744, %scatter3A_745] : memref<2x32x1000xf32, #tpu.memory_space<vmem>> -> memref<1x32x1000xf32, #tpu.memory_space<vmem>>
    %scatter3A_747 = tpu.memref_squeeze %scatter3A_746 : memref<1x32x1000xf32, #tpu.memory_space<vmem>> -> memref<32x1000xf32, #tpu.memory_space<vmem>>
    tpu.vector_store_idx %scatter3A_747[%add3A_740, %get3A_742], %broadcast_in_dim3A_9 : memref<32x1000xf32, #tpu.memory_space<vmem>>[vector<16xi32>, vector<16xi32>], vector<16xf32>,
    %add3A_748 = arith.constant 320 : i32
    %add3A_749 = arith.addi %mul3A_2, %add3A_748 : i32
    %dma_start3A_750 = arith.constant 0 : i32
    %dma_start3A_751 = arith.constant 0 : i32
    %dma_start3A_752 = arith.constant 0 : i32
    %dma_start3A_753 = arith.constant 0 : i32
    %dma_start3A_754 = tpu.memref_slice %arg4[%dma_start3A_750, %dma_start3A_752, %dma_start3A_753] : memref<2x32x1000xf32, #tpu.memory_space<vmem>> -> memref<1x32x1000xf32, #tpu.memory_space<vmem>>
    %dma_start3A_755 = tpu.memref_squeeze %dma_start3A_754 : memref<1x32x1000xf32, #tpu.memory_space<vmem>> -> memref<32x1000xf32, #tpu.memory_space<vmem>>
    %dma_start3A_756 = arith.constant 0 : i32
    %dma_start3A_757 = tpu.memref_slice %arg3[%add3A_749, %dma_start3A_756] : memref<16384x1000xf32, #tpu.memory_space<hbm>> -> memref<32x1000xf32, #tpu.memory_space<hbm>>
    %dma_start3A_758 = tpu.memref_slice %arg6[%dma_start3A_751] : memref<2x!tpu.dma_semaphore, #tpu.memory_space<semaphore_mem>> -> memref<1x!tpu.dma_semaphore, #tpu.memory_space<semaphore_mem>>
    %dma_start3A_759 = tpu.memref_squeeze %dma_start3A_758 : memref<1x!tpu.dma_semaphore, #tpu.memory_space<semaphore_mem>> -> memref<!tpu.dma_semaphore, #tpu.memory_space<semaphore_mem>>
    %dma_start3A_760 = arith.constant 0 : i32
    %dma_start3A_761 = tpu.memref_slice %arg3[%add3A_749, %dma_start3A_760] : memref<16384x1000xf32, #tpu.memory_space<hbm>> -> memref<32x1000xf32, #tpu.memory_space<hbm>>
    %dma_start3A_762 = arith.constant 0 : i32
    %dma_start3A_763 = arith.constant 0 : i32
    %dma_start3A_764 = tpu.memref_slice %arg4[%dma_start3A_750, %dma_start3A_762, %dma_start3A_763] : memref<2x32x1000xf32, #tpu.memory_space<vmem>> -> memref<1x32x1000xf32, #tpu.memory_space<vmem>>
    %dma_start3A_765 = tpu.memref_squeeze %dma_start3A_764 : memref<1x32x1000xf32, #tpu.memory_space<vmem>> -> memref<32x1000xf32, #tpu.memory_space<vmem>>
    tpu.enqueue_dma source(%dma_start3A_765 : memref<32x1000xf32, #tpu.memory_space<vmem>>) target(%dma_start3A_761 : memref<32x1000xf32, #tpu.memory_space<hbm>>) target_semaphore(%dma_start3A_759 : memref<!tpu.dma_semaphore, #tpu.memory_space<semaphore_mem>>)
    %add3A_766 = arith.constant 288 : i32
    %add3A_767 = arith.addi %mul3A_2, %add3A_766 : i32
    %dma_wait3A_768 = arith.constant 1 : i32
    %dma_wait3A_769 = arith.constant 1 : i32
    %dma_wait3A_770 = arith.constant 0 : i32
    %dma_wait3A_771 = arith.constant 0 : i32
    %dma_wait3A_772 = tpu.memref_slice %arg4[%dma_wait3A_768, %dma_wait3A_770, %dma_wait3A_771] : memref<2x32x1000xf32, #tpu.memory_space<vmem>> -> memref<1x32x1000xf32, #tpu.memory_space<vmem>>
    %dma_wait3A_773 = tpu.memref_squeeze %dma_wait3A_772 : memref<1x32x1000xf32, #tpu.memory_space<vmem>> -> memref<32x1000xf32, #tpu.memory_space<vmem>>
    %dma_wait3A_774 = arith.constant 0 : i32
    %dma_wait3A_775 = tpu.memref_slice %arg3[%add3A_767, %dma_wait3A_774] : memref<16384x1000xf32, #tpu.memory_space<hbm>> -> memref<32x1000xf32, #tpu.memory_space<hbm>>
    %dma_wait3A_776 = tpu.memref_slice %arg6[%dma_wait3A_769] : memref<2x!tpu.dma_semaphore, #tpu.memory_space<semaphore_mem>> -> memref<1x!tpu.dma_semaphore, #tpu.memory_space<semaphore_mem>>
    %dma_wait3A_777 = tpu.memref_squeeze %dma_wait3A_776 : memref<1x!tpu.dma_semaphore, #tpu.memory_space<semaphore_mem>> -> memref<!tpu.dma_semaphore, #tpu.memory_space<semaphore_mem>>
    %dma_wait3A_778 = arith.constant 0 : i32
    %dma_wait3A_779 = tpu.memref_slice %arg3[%add3A_767, %dma_wait3A_778] : memref<16384x1000xf32, #tpu.memory_space<hbm>> -> memref<32x1000xf32, #tpu.memory_space<hbm>>
    %dma_wait3A_780 = arith.constant 0 : i32
    %dma_wait3A_781 = arith.constant 0 : i32
    %dma_wait3A_782 = tpu.memref_slice %arg4[%dma_wait3A_768, %dma_wait3A_780, %dma_wait3A_781] : memref<2x32x1000xf32, #tpu.memory_space<vmem>> -> memref<1x32x1000xf32, #tpu.memory_space<vmem>>
    %dma_wait3A_783 = tpu.memref_squeeze %dma_wait3A_782 : memref<1x32x1000xf32, #tpu.memory_space<vmem>> -> memref<32x1000xf32, #tpu.memory_space<vmem>>
    tpu.wait_dma2 semaphore(%dma_wait3A_777 : memref<!tpu.dma_semaphore, #tpu.memory_space<semaphore_mem>>) src(%dma_wait3A_783 : memref<32x1000xf32, #tpu.memory_space<vmem>>) dst(%dma_wait3A_779 : memref<32x1000xf32, #tpu.memory_space<hbm>>)
    %add3A_784 = arith.constant 0 : i32
    %add3A_785 = vector.broadcast %add3A_784 : i32 to vector<16xi32>
    %add3A_786 = arith.addi %add3A_785, %iota3A : vector<16xi32>
    %get3A_787 = arith.constant 288 : index
    %get3A_788 = tpu.vector_load %arg5[%get3A_787] {strides = array<i32>} : memref<512xi32, #tpu.memory_space<vmem>>, vector<16xi32>,
    %scatter3A_789 = arith.constant 1 : i32
    %scatter3A_790 = arith.constant 0 : i32
    %scatter3A_791 = arith.constant 0 : i32
    %scatter3A_792 = tpu.memref_slice %arg4[%scatter3A_789, %scatter3A_790, %scatter3A_791] : memref<2x32x1000xf32, #tpu.memory_space<vmem>> -> memref<1x32x1000xf32, #tpu.memory_space<vmem>>
    %scatter3A_793 = tpu.memref_squeeze %scatter3A_792 : memref<1x32x1000xf32, #tpu.memory_space<vmem>> -> memref<32x1000xf32, #tpu.memory_space<vmem>>
    tpu.vector_store_idx %scatter3A_793[%add3A_786, %get3A_788], %broadcast_in_dim3A_3 : memref<32x1000xf32, #tpu.memory_space<vmem>>[vector<16xi32>, vector<16xi32>], vector<16xf32>,
    %add3A_794 = arith.constant 16 : i32
    %add3A_795 = vector.broadcast %add3A_794 : i32 to vector<16xi32>
    %add3A_796 = arith.addi %add3A_795, %iota3A : vector<16xi32>
    %get3A_797 = arith.constant 304 : index
    %get3A_798 = tpu.vector_load %arg5[%get3A_797] {strides = array<i32>} : memref<512xi32, #tpu.memory_space<vmem>>, vector<16xi32>,
    %scatter3A_799 = arith.constant 1 : i32
    %scatter3A_800 = arith.constant 0 : i32
    %scatter3A_801 = arith.constant 0 : i32
    %scatter3A_802 = tpu.memref_slice %arg4[%scatter3A_799, %scatter3A_800, %scatter3A_801] : memref<2x32x1000xf32, #tpu.memory_space<vmem>> -> memref<1x32x1000xf32, #tpu.memory_space<vmem>>
    %scatter3A_803 = tpu.memref_squeeze %scatter3A_802 : memref<1x32x1000xf32, #tpu.memory_space<vmem>> -> memref<32x1000xf32, #tpu.memory_space<vmem>>
    tpu.vector_store_idx %scatter3A_803[%add3A_796, %get3A_798], %broadcast_in_dim3A_3 : memref<32x1000xf32, #tpu.memory_space<vmem>>[vector<16xi32>, vector<16xi32>], vector<16xf32>,
    %add3A_804 = arith.constant 0 : i32
    %add3A_805 = vector.broadcast %add3A_804 : i32 to vector<16xi32>
    %add3A_806 = arith.addi %add3A_805, %iota3A : vector<16xi32>
    %get3A_807 = arith.constant 352 : index
    %get3A_808 = tpu.vector_load %arg5[%get3A_807] {strides = array<i32>} : memref<512xi32, #tpu.memory_space<vmem>>, vector<16xi32>,
    %scatter3A_809 = arith.constant 1 : i32
    %scatter3A_810 = arith.constant 0 : i32
    %scatter3A_811 = arith.constant 0 : i32
    %scatter3A_812 = tpu.memref_slice %arg4[%scatter3A_809, %scatter3A_810, %scatter3A_811] : memref<2x32x1000xf32, #tpu.memory_space<vmem>> -> memref<1x32x1000xf32, #tpu.memory_space<vmem>>
    %scatter3A_813 = tpu.memref_squeeze %scatter3A_812 : memref<1x32x1000xf32, #tpu.memory_space<vmem>> -> memref<32x1000xf32, #tpu.memory_space<vmem>>
    tpu.vector_store_idx %scatter3A_813[%add3A_806, %get3A_808], %broadcast_in_dim3A_9 : memref<32x1000xf32, #tpu.memory_space<vmem>>[vector<16xi32>, vector<16xi32>], vector<16xf32>,
    %add3A_814 = arith.constant 16 : i32
    %add3A_815 = vector.broadcast %add3A_814 : i32 to vector<16xi32>
    %add3A_816 = arith.addi %add3A_815, %iota3A : vector<16xi32>
    %get3A_817 = arith.constant 368 : index
    %get3A_818 = tpu.vector_load %arg5[%get3A_817] {strides = array<i32>} : memref<512xi32, #tpu.memory_space<vmem>>, vector<16xi32>,
    %scatter3A_819 = arith.constant 1 : i32
    %scatter3A_820 = arith.constant 0 : i32
    %scatter3A_821 = arith.constant 0 : i32
    %scatter3A_822 = tpu.memref_slice %arg4[%scatter3A_819, %scatter3A_820, %scatter3A_821] : memref<2x32x1000xf32, #tpu.memory_space<vmem>> -> memref<1x32x1000xf32, #tpu.memory_space<vmem>>
    %scatter3A_823 = tpu.memref_squeeze %scatter3A_822 : memref<1x32x1000xf32, #tpu.memory_space<vmem>> -> memref<32x1000xf32, #tpu.memory_space<vmem>>
    tpu.vector_store_idx %scatter3A_823[%add3A_816, %get3A_818], %broadcast_in_dim3A_9 : memref<32x1000xf32, #tpu.memory_space<vmem>>[vector<16xi32>, vector<16xi32>], vector<16xf32>,
    %add3A_824 = arith.constant 352 : i32
    %add3A_825 = arith.addi %mul3A_2, %add3A_824 : i32
    %dma_start3A_826 = arith.constant 1 : i32
    %dma_start3A_827 = arith.constant 1 : i32
    %dma_start3A_828 = arith.constant 0 : i32
    %dma_start3A_829 = arith.constant 0 : i32
    %dma_start3A_830 = tpu.memref_slice %arg4[%dma_start3A_826, %dma_start3A_828, %dma_start3A_829] : memref<2x32x1000xf32, #tpu.memory_space<vmem>> -> memref<1x32x1000xf32, #tpu.memory_space<vmem>>
    %dma_start3A_831 = tpu.memref_squeeze %dma_start3A_830 : memref<1x32x1000xf32, #tpu.memory_space<vmem>> -> memref<32x1000xf32, #tpu.memory_space<vmem>>
    %dma_start3A_832 = arith.constant 0 : i32
    %dma_start3A_833 = tpu.memref_slice %arg3[%add3A_825, %dma_start3A_832] : memref<16384x1000xf32, #tpu.memory_space<hbm>> -> memref<32x1000xf32, #tpu.memory_space<hbm>>
    %dma_start3A_834 = tpu.memref_slice %arg6[%dma_start3A_827] : memref<2x!tpu.dma_semaphore, #tpu.memory_space<semaphore_mem>> -> memref<1x!tpu.dma_semaphore, #tpu.memory_space<semaphore_mem>>
    %dma_start3A_835 = tpu.memref_squeeze %dma_start3A_834 : memref<1x!tpu.dma_semaphore, #tpu.memory_space<semaphore_mem>> -> memref<!tpu.dma_semaphore, #tpu.memory_space<semaphore_mem>>
    %dma_start3A_836 = arith.constant 0 : i32
    %dma_start3A_837 = tpu.memref_slice %arg3[%add3A_825, %dma_start3A_836] : memref<16384x1000xf32, #tpu.memory_space<hbm>> -> memref<32x1000xf32, #tpu.memory_space<hbm>>
    %dma_start3A_838 = arith.constant 0 : i32
    %dma_start3A_839 = arith.constant 0 : i32
    %dma_start3A_840 = tpu.memref_slice %arg4[%dma_start3A_826, %dma_start3A_838, %dma_start3A_839] : memref<2x32x1000xf32, #tpu.memory_space<vmem>> -> memref<1x32x1000xf32, #tpu.memory_space<vmem>>
    %dma_start3A_841 = tpu.memref_squeeze %dma_start3A_840 : memref<1x32x1000xf32, #tpu.memory_space<vmem>> -> memref<32x1000xf32, #tpu.memory_space<vmem>>
    tpu.enqueue_dma source(%dma_start3A_841 : memref<32x1000xf32, #tpu.memory_space<vmem>>) target(%dma_start3A_837 : memref<32x1000xf32, #tpu.memory_space<hbm>>) target_semaphore(%dma_start3A_835 : memref<!tpu.dma_semaphore, #tpu.memory_space<semaphore_mem>>)
    %add3A_842 = arith.constant 320 : i32
    %add3A_843 = arith.addi %mul3A_2, %add3A_842 : i32
    %dma_wait3A_844 = arith.constant 0 : i32
    %dma_wait3A_845 = arith.constant 0 : i32
    %dma_wait3A_846 = arith.constant 0 : i32
    %dma_wait3A_847 = arith.constant 0 : i32
    %dma_wait3A_848 = tpu.memref_slice %arg4[%dma_wait3A_844, %dma_wait3A_846, %dma_wait3A_847] : memref<2x32x1000xf32, #tpu.memory_space<vmem>> -> memref<1x32x1000xf32, #tpu.memory_space<vmem>>
    %dma_wait3A_849 = tpu.memref_squeeze %dma_wait3A_848 : memref<1x32x1000xf32, #tpu.memory_space<vmem>> -> memref<32x1000xf32, #tpu.memory_space<vmem>>
    %dma_wait3A_850 = arith.constant 0 : i32
    %dma_wait3A_851 = tpu.memref_slice %arg3[%add3A_843, %dma_wait3A_850] : memref<16384x1000xf32, #tpu.memory_space<hbm>> -> memref<32x1000xf32, #tpu.memory_space<hbm>>
    %dma_wait3A_852 = tpu.memref_slice %arg6[%dma_wait3A_845] : memref<2x!tpu.dma_semaphore, #tpu.memory_space<semaphore_mem>> -> memref<1x!tpu.dma_semaphore, #tpu.memory_space<semaphore_mem>>
    %dma_wait3A_853 = tpu.memref_squeeze %dma_wait3A_852 : memref<1x!tpu.dma_semaphore, #tpu.memory_space<semaphore_mem>> -> memref<!tpu.dma_semaphore, #tpu.memory_space<semaphore_mem>>
    %dma_wait3A_854 = arith.constant 0 : i32
    %dma_wait3A_855 = tpu.memref_slice %arg3[%add3A_843, %dma_wait3A_854] : memref<16384x1000xf32, #tpu.memory_space<hbm>> -> memref<32x1000xf32, #tpu.memory_space<hbm>>
    %dma_wait3A_856 = arith.constant 0 : i32
    %dma_wait3A_857 = arith.constant 0 : i32
    %dma_wait3A_858 = tpu.memref_slice %arg4[%dma_wait3A_844, %dma_wait3A_856, %dma_wait3A_857] : memref<2x32x1000xf32, #tpu.memory_space<vmem>> -> memref<1x32x1000xf32, #tpu.memory_space<vmem>>
    %dma_wait3A_859 = tpu.memref_squeeze %dma_wait3A_858 : memref<1x32x1000xf32, #tpu.memory_space<vmem>> -> memref<32x1000xf32, #tpu.memory_space<vmem>>
    tpu.wait_dma2 semaphore(%dma_wait3A_853 : memref<!tpu.dma_semaphore, #tpu.memory_space<semaphore_mem>>) src(%dma_wait3A_859 : memref<32x1000xf32, #tpu.memory_space<vmem>>) dst(%dma_wait3A_855 : memref<32x1000xf32, #tpu.memory_space<hbm>>)
    %add3A_860 = arith.constant 0 : i32
    %add3A_861 = vector.broadcast %add3A_860 : i32 to vector<16xi32>
    %add3A_862 = arith.addi %add3A_861, %iota3A : vector<16xi32>
    %get3A_863 = arith.constant 320 : index
    %get3A_864 = tpu.vector_load %arg5[%get3A_863] {strides = array<i32>} : memref<512xi32, #tpu.memory_space<vmem>>, vector<16xi32>,
    %scatter3A_865 = arith.constant 0 : i32
    %scatter3A_866 = arith.constant 0 : i32
    %scatter3A_867 = arith.constant 0 : i32
    %scatter3A_868 = tpu.memref_slice %arg4[%scatter3A_865, %scatter3A_866, %scatter3A_867] : memref<2x32x1000xf32, #tpu.memory_space<vmem>> -> memref<1x32x1000xf32, #tpu.memory_space<vmem>>
    %scatter3A_869 = tpu.memref_squeeze %scatter3A_868 : memref<1x32x1000xf32, #tpu.memory_space<vmem>> -> memref<32x1000xf32, #tpu.memory_space<vmem>>
    tpu.vector_store_idx %scatter3A_869[%add3A_862, %get3A_864], %broadcast_in_dim3A_3 : memref<32x1000xf32, #tpu.memory_space<vmem>>[vector<16xi32>, vector<16xi32>], vector<16xf32>,
    %add3A_870 = arith.constant 16 : i32
    %add3A_871 = vector.broadcast %add3A_870 : i32 to vector<16xi32>
    %add3A_872 = arith.addi %add3A_871, %iota3A : vector<16xi32>
    %get3A_873 = arith.constant 336 : index
    %get3A_874 = tpu.vector_load %arg5[%get3A_873] {strides = array<i32>} : memref<512xi32, #tpu.memory_space<vmem>>, vector<16xi32>,
    %scatter3A_875 = arith.constant 0 : i32
    %scatter3A_876 = arith.constant 0 : i32
    %scatter3A_877 = arith.constant 0 : i32
    %scatter3A_878 = tpu.memref_slice %arg4[%scatter3A_875, %scatter3A_876, %scatter3A_877] : memref<2x32x1000xf32, #tpu.memory_space<vmem>> -> memref<1x32x1000xf32, #tpu.memory_space<vmem>>
    %scatter3A_879 = tpu.memref_squeeze %scatter3A_878 : memref<1x32x1000xf32, #tpu.memory_space<vmem>> -> memref<32x1000xf32, #tpu.memory_space<vmem>>
    tpu.vector_store_idx %scatter3A_879[%add3A_872, %get3A_874], %broadcast_in_dim3A_3 : memref<32x1000xf32, #tpu.memory_space<vmem>>[vector<16xi32>, vector<16xi32>], vector<16xf32>,
    %add3A_880 = arith.constant 0 : i32
    %add3A_881 = vector.broadcast %add3A_880 : i32 to vector<16xi32>
    %add3A_882 = arith.addi %add3A_881, %iota3A : vector<16xi32>
    %get3A_883 = arith.constant 384 : index
    %get3A_884 = tpu.vector_load %arg5[%get3A_883] {strides = array<i32>} : memref<512xi32, #tpu.memory_space<vmem>>, vector<16xi32>,
    %scatter3A_885 = arith.constant 0 : i32
    %scatter3A_886 = arith.constant 0 : i32
    %scatter3A_887 = arith.constant 0 : i32
    %scatter3A_888 = tpu.memref_slice %arg4[%scatter3A_885, %scatter3A_886, %scatter3A_887] : memref<2x32x1000xf32, #tpu.memory_space<vmem>> -> memref<1x32x1000xf32, #tpu.memory_space<vmem>>
    %scatter3A_889 = tpu.memref_squeeze %scatter3A_888 : memref<1x32x1000xf32, #tpu.memory_space<vmem>> -> memref<32x1000xf32, #tpu.memory_space<vmem>>
    tpu.vector_store_idx %scatter3A_889[%add3A_882, %get3A_884], %broadcast_in_dim3A_9 : memref<32x1000xf32, #tpu.memory_space<vmem>>[vector<16xi32>, vector<16xi32>], vector<16xf32>,
    %add3A_890 = arith.constant 16 : i32
    %add3A_891 = vector.broadcast %add3A_890 : i32 to vector<16xi32>
    %add3A_892 = arith.addi %add3A_891, %iota3A : vector<16xi32>
    %get3A_893 = arith.constant 400 : index
    %get3A_894 = tpu.vector_load %arg5[%get3A_893] {strides = array<i32>} : memref<512xi32, #tpu.memory_space<vmem>>, vector<16xi32>,
    %scatter3A_895 = arith.constant 0 : i32
    %scatter3A_896 = arith.constant 0 : i32
    %scatter3A_897 = arith.constant 0 : i32
    %scatter3A_898 = tpu.memref_slice %arg4[%scatter3A_895, %scatter3A_896, %scatter3A_897] : memref<2x32x1000xf32, #tpu.memory_space<vmem>> -> memref<1x32x1000xf32, #tpu.memory_space<vmem>>
    %scatter3A_899 = tpu.memref_squeeze %scatter3A_898 : memref<1x32x1000xf32, #tpu.memory_space<vmem>> -> memref<32x1000xf32, #tpu.memory_space<vmem>>
    tpu.vector_store_idx %scatter3A_899[%add3A_892, %get3A_894], %broadcast_in_dim3A_9 : memref<32x1000xf32, #tpu.memory_space<vmem>>[vector<16xi32>, vector<16xi32>], vector<16xf32>,
    %add3A_900 = arith.constant 384 : i32
    %add3A_901 = arith.addi %mul3A_2, %add3A_900 : i32
    %dma_start3A_902 = arith.constant 0 : i32
    %dma_start3A_903 = arith.constant 0 : i32
    %dma_start3A_904 = arith.constant 0 : i32
    %dma_start3A_905 = arith.constant 0 : i32
    %dma_start3A_906 = tpu.memref_slice %arg4[%dma_start3A_902, %dma_start3A_904, %dma_start3A_905] : memref<2x32x1000xf32, #tpu.memory_space<vmem>> -> memref<1x32x1000xf32, #tpu.memory_space<vmem>>
    %dma_start3A_907 = tpu.memref_squeeze %dma_start3A_906 : memref<1x32x1000xf32, #tpu.memory_space<vmem>> -> memref<32x1000xf32, #tpu.memory_space<vmem>>
    %dma_start3A_908 = arith.constant 0 : i32
    %dma_start3A_909 = tpu.memref_slice %arg3[%add3A_901, %dma_start3A_908] : memref<16384x1000xf32, #tpu.memory_space<hbm>> -> memref<32x1000xf32, #tpu.memory_space<hbm>>
    %dma_start3A_910 = tpu.memref_slice %arg6[%dma_start3A_903] : memref<2x!tpu.dma_semaphore, #tpu.memory_space<semaphore_mem>> -> memref<1x!tpu.dma_semaphore, #tpu.memory_space<semaphore_mem>>
    %dma_start3A_911 = tpu.memref_squeeze %dma_start3A_910 : memref<1x!tpu.dma_semaphore, #tpu.memory_space<semaphore_mem>> -> memref<!tpu.dma_semaphore, #tpu.memory_space<semaphore_mem>>
    %dma_start3A_912 = arith.constant 0 : i32
    %dma_start3A_913 = tpu.memref_slice %arg3[%add3A_901, %dma_start3A_912] : memref<16384x1000xf32, #tpu.memory_space<hbm>> -> memref<32x1000xf32, #tpu.memory_space<hbm>>
    %dma_start3A_914 = arith.constant 0 : i32
    %dma_start3A_915 = arith.constant 0 : i32
    %dma_start3A_916 = tpu.memref_slice %arg4[%dma_start3A_902, %dma_start3A_914, %dma_start3A_915] : memref<2x32x1000xf32, #tpu.memory_space<vmem>> -> memref<1x32x1000xf32, #tpu.memory_space<vmem>>
    %dma_start3A_917 = tpu.memref_squeeze %dma_start3A_916 : memref<1x32x1000xf32, #tpu.memory_space<vmem>> -> memref<32x1000xf32, #tpu.memory_space<vmem>>
    tpu.enqueue_dma source(%dma_start3A_917 : memref<32x1000xf32, #tpu.memory_space<vmem>>) target(%dma_start3A_913 : memref<32x1000xf32, #tpu.memory_space<hbm>>) target_semaphore(%dma_start3A_911 : memref<!tpu.dma_semaphore, #tpu.memory_space<semaphore_mem>>)
    %add3A_918 = arith.constant 352 : i32
    %add3A_919 = arith.addi %mul3A_2, %add3A_918 : i32
    %dma_wait3A_920 = arith.constant 1 : i32
    %dma_wait3A_921 = arith.constant 1 : i32
    %dma_wait3A_922 = arith.constant 0 : i32
    %dma_wait3A_923 = arith.constant 0 : i32
    %dma_wait3A_924 = tpu.memref_slice %arg4[%dma_wait3A_920, %dma_wait3A_922, %dma_wait3A_923] : memref<2x32x1000xf32, #tpu.memory_space<vmem>> -> memref<1x32x1000xf32, #tpu.memory_space<vmem>>
    %dma_wait3A_925 = tpu.memref_squeeze %dma_wait3A_924 : memref<1x32x1000xf32, #tpu.memory_space<vmem>> -> memref<32x1000xf32, #tpu.memory_space<vmem>>
    %dma_wait3A_926 = arith.constant 0 : i32
    %dma_wait3A_927 = tpu.memref_slice %arg3[%add3A_919, %dma_wait3A_926] : memref<16384x1000xf32, #tpu.memory_space<hbm>> -> memref<32x1000xf32, #tpu.memory_space<hbm>>
    %dma_wait3A_928 = tpu.memref_slice %arg6[%dma_wait3A_921] : memref<2x!tpu.dma_semaphore, #tpu.memory_space<semaphore_mem>> -> memref<1x!tpu.dma_semaphore, #tpu.memory_space<semaphore_mem>>
    %dma_wait3A_929 = tpu.memref_squeeze %dma_wait3A_928 : memref<1x!tpu.dma_semaphore, #tpu.memory_space<semaphore_mem>> -> memref<!tpu.dma_semaphore, #tpu.memory_space<semaphore_mem>>
    %dma_wait3A_930 = arith.constant 0 : i32
    %dma_wait3A_931 = tpu.memref_slice %arg3[%add3A_919, %dma_wait3A_930] : memref<16384x1000xf32, #tpu.memory_space<hbm>> -> memref<32x1000xf32, #tpu.memory_space<hbm>>
    %dma_wait3A_932 = arith.constant 0 : i32
    %dma_wait3A_933 = arith.constant 0 : i32
    %dma_wait3A_934 = tpu.memref_slice %arg4[%dma_wait3A_920, %dma_wait3A_932, %dma_wait3A_933] : memref<2x32x1000xf32, #tpu.memory_space<vmem>> -> memref<1x32x1000xf32, #tpu.memory_space<vmem>>
    %dma_wait3A_935 = tpu.memref_squeeze %dma_wait3A_934 : memref<1x32x1000xf32, #tpu.memory_space<vmem>> -> memref<32x1000xf32, #tpu.memory_space<vmem>>
    tpu.wait_dma2 semaphore(%dma_wait3A_929 : memref<!tpu.dma_semaphore, #tpu.memory_space<semaphore_mem>>) src(%dma_wait3A_935 : memref<32x1000xf32, #tpu.memory_space<vmem>>) dst(%dma_wait3A_931 : memref<32x1000xf32, #tpu.memory_space<hbm>>)
    %add3A_936 = arith.constant 0 : i32
    %add3A_937 = vector.broadcast %add3A_936 : i32 to vector<16xi32>
    %add3A_938 = arith.addi %add3A_937, %iota3A : vector<16xi32>
    %get3A_939 = arith.constant 352 : index
    %get3A_940 = tpu.vector_load %arg5[%get3A_939] {strides = array<i32>} : memref<512xi32, #tpu.memory_space<vmem>>, vector<16xi32>,
    %scatter3A_941 = arith.constant 1 : i32
    %scatter3A_942 = arith.constant 0 : i32
    %scatter3A_943 = arith.constant 0 : i32
    %scatter3A_944 = tpu.memref_slice %arg4[%scatter3A_941, %scatter3A_942, %scatter3A_943] : memref<2x32x1000xf32, #tpu.memory_space<vmem>> -> memref<1x32x1000xf32, #tpu.memory_space<vmem>>
    %scatter3A_945 = tpu.memref_squeeze %scatter3A_944 : memref<1x32x1000xf32, #tpu.memory_space<vmem>> -> memref<32x1000xf32, #tpu.memory_space<vmem>>
    tpu.vector_store_idx %scatter3A_945[%add3A_938, %get3A_940], %broadcast_in_dim3A_3 : memref<32x1000xf32, #tpu.memory_space<vmem>>[vector<16xi32>, vector<16xi32>], vector<16xf32>,
    %add3A_946 = arith.constant 16 : i32
    %add3A_947 = vector.broadcast %add3A_946 : i32 to vector<16xi32>
    %add3A_948 = arith.addi %add3A_947, %iota3A : vector<16xi32>
    %get3A_949 = arith.constant 368 : index
    %get3A_950 = tpu.vector_load %arg5[%get3A_949] {strides = array<i32>} : memref<512xi32, #tpu.memory_space<vmem>>, vector<16xi32>,
    %scatter3A_951 = arith.constant 1 : i32
    %scatter3A_952 = arith.constant 0 : i32
    %scatter3A_953 = arith.constant 0 : i32
    %scatter3A_954 = tpu.memref_slice %arg4[%scatter3A_951, %scatter3A_952, %scatter3A_953] : memref<2x32x1000xf32, #tpu.memory_space<vmem>> -> memref<1x32x1000xf32, #tpu.memory_space<vmem>>
    %scatter3A_955 = tpu.memref_squeeze %scatter3A_954 : memref<1x32x1000xf32, #tpu.memory_space<vmem>> -> memref<32x1000xf32, #tpu.memory_space<vmem>>
    tpu.vector_store_idx %scatter3A_955[%add3A_948, %get3A_950], %broadcast_in_dim3A_3 : memref<32x1000xf32, #tpu.memory_space<vmem>>[vector<16xi32>, vector<16xi32>], vector<16xf32>,
    %add3A_956 = arith.constant 0 : i32
    %add3A_957 = vector.broadcast %add3A_956 : i32 to vector<16xi32>
    %add3A_958 = arith.addi %add3A_957, %iota3A : vector<16xi32>
    %get3A_959 = arith.constant 416 : index
    %get3A_960 = tpu.vector_load %arg5[%get3A_959] {strides = array<i32>} : memref<512xi32, #tpu.memory_space<vmem>>, vector<16xi32>,
    %scatter3A_961 = arith.constant 1 : i32
    %scatter3A_962 = arith.constant 0 : i32
    %scatter3A_963 = arith.constant 0 : i32
    %scatter3A_964 = tpu.memref_slice %arg4[%scatter3A_961, %scatter3A_962, %scatter3A_963] : memref<2x32x1000xf32, #tpu.memory_space<vmem>> -> memref<1x32x1000xf32, #tpu.memory_space<vmem>>
    %scatter3A_965 = tpu.memref_squeeze %scatter3A_964 : memref<1x32x1000xf32, #tpu.memory_space<vmem>> -> memref<32x1000xf32, #tpu.memory_space<vmem>>
    tpu.vector_store_idx %scatter3A_965[%add3A_958, %get3A_960], %broadcast_in_dim3A_9 : memref<32x1000xf32, #tpu.memory_space<vmem>>[vector<16xi32>, vector<16xi32>], vector<16xf32>,
    %add3A_966 = arith.constant 16 : i32
    %add3A_967 = vector.broadcast %add3A_966 : i32 to vector<16xi32>
    %add3A_968 = arith.addi %add3A_967, %iota3A : vector<16xi32>
    %get3A_969 = arith.constant 432 : index
    %get3A_970 = tpu.vector_load %arg5[%get3A_969] {strides = array<i32>} : memref<512xi32, #tpu.memory_space<vmem>>, vector<16xi32>,
    %scatter3A_971 = arith.constant 1 : i32
    %scatter3A_972 = arith.constant 0 : i32
    %scatter3A_973 = arith.constant 0 : i32
    %scatter3A_974 = tpu.memref_slice %arg4[%scatter3A_971, %scatter3A_972, %scatter3A_973] : memref<2x32x1000xf32, #tpu.memory_space<vmem>> -> memref<1x32x1000xf32, #tpu.memory_space<vmem>>
    %scatter3A_975 = tpu.memref_squeeze %scatter3A_974 : memref<1x32x1000xf32, #tpu.memory_space<vmem>> -> memref<32x1000xf32, #tpu.memory_space<vmem>>
    tpu.vector_store_idx %scatter3A_975[%add3A_968, %get3A_970], %broadcast_in_dim3A_9 : memref<32x1000xf32, #tpu.memory_space<vmem>>[vector<16xi32>, vector<16xi32>], vector<16xf32>,
    %add3A_976 = arith.constant 416 : i32
    %add3A_977 = arith.addi %mul3A_2, %add3A_976 : i32
    %dma_start3A_978 = arith.constant 1 : i32
    %dma_start3A_979 = arith.constant 1 : i32
    %dma_start3A_980 = arith.constant 0 : i32
    %dma_start3A_981 = arith.constant 0 : i32
    %dma_start3A_982 = tpu.memref_slice %arg4[%dma_start3A_978, %dma_start3A_980, %dma_start3A_981] : memref<2x32x1000xf32, #tpu.memory_space<vmem>> -> memref<1x32x1000xf32, #tpu.memory_space<vmem>>
    %dma_start3A_983 = tpu.memref_squeeze %dma_start3A_982 : memref<1x32x1000xf32, #tpu.memory_space<vmem>> -> memref<32x1000xf32, #tpu.memory_space<vmem>>
    %dma_start3A_984 = arith.constant 0 : i32
    %dma_start3A_985 = tpu.memref_slice %arg3[%add3A_977, %dma_start3A_984] : memref<16384x1000xf32, #tpu.memory_space<hbm>> -> memref<32x1000xf32, #tpu.memory_space<hbm>>
    %dma_start3A_986 = tpu.memref_slice %arg6[%dma_start3A_979] : memref<2x!tpu.dma_semaphore, #tpu.memory_space<semaphore_mem>> -> memref<1x!tpu.dma_semaphore, #tpu.memory_space<semaphore_mem>>
    %dma_start3A_987 = tpu.memref_squeeze %dma_start3A_986 : memref<1x!tpu.dma_semaphore, #tpu.memory_space<semaphore_mem>> -> memref<!tpu.dma_semaphore, #tpu.memory_space<semaphore_mem>>
    %dma_start3A_988 = arith.constant 0 : i32
    %dma_start3A_989 = tpu.memref_slice %arg3[%add3A_977, %dma_start3A_988] : memref<16384x1000xf32, #tpu.memory_space<hbm>> -> memref<32x1000xf32, #tpu.memory_space<hbm>>
    %dma_start3A_990 = arith.constant 0 : i32
    %dma_start3A_991 = arith.constant 0 : i32
    %dma_start3A_992 = tpu.memref_slice %arg4[%dma_start3A_978, %dma_start3A_990, %dma_start3A_991] : memref<2x32x1000xf32, #tpu.memory_space<vmem>> -> memref<1x32x1000xf32, #tpu.memory_space<vmem>>
    %dma_start3A_993 = tpu.memref_squeeze %dma_start3A_992 : memref<1x32x1000xf32, #tpu.memory_space<vmem>> -> memref<32x1000xf32, #tpu.memory_space<vmem>>
    tpu.enqueue_dma source(%dma_start3A_993 : memref<32x1000xf32, #tpu.memory_space<vmem>>) target(%dma_start3A_989 : memref<32x1000xf32, #tpu.memory_space<hbm>>) target_semaphore(%dma_start3A_987 : memref<!tpu.dma_semaphore, #tpu.memory_space<semaphore_mem>>)
    %add3A_994 = arith.constant 384 : i32
    %add3A_995 = arith.addi %mul3A_2, %add3A_994 : i32
    %dma_wait3A_996 = arith.constant 0 : i32
    %dma_wait3A_997 = arith.constant 0 : i32
    %dma_wait3A_998 = arith.constant 0 : i32
    %dma_wait3A_999 = arith.constant 0 : i32
    %dma_wait3A_1000 = tpu.memref_slice %arg4[%dma_wait3A_996, %dma_wait3A_998, %dma_wait3A_999] : memref<2x32x1000xf32, #tpu.memory_space<vmem>> -> memref<1x32x1000xf32, #tpu.memory_space<vmem>>
    %dma_wait3A_1001 = tpu.memref_squeeze %dma_wait3A_1000 : memref<1x32x1000xf32, #tpu.memory_space<vmem>> -> memref<32x1000xf32, #tpu.memory_space<vmem>>
    %dma_wait3A_1002 = arith.constant 0 : i32
    %dma_wait3A_1003 = tpu.memref_slice %arg3[%add3A_995, %dma_wait3A_1002] : memref<16384x1000xf32, #tpu.memory_space<hbm>> -> memref<32x1000xf32, #tpu.memory_space<hbm>>
    %dma_wait3A_1004 = tpu.memref_slice %arg6[%dma_wait3A_997] : memref<2x!tpu.dma_semaphore, #tpu.memory_space<semaphore_mem>> -> memref<1x!tpu.dma_semaphore, #tpu.memory_space<semaphore_mem>>
    %dma_wait3A_1005 = tpu.memref_squeeze %dma_wait3A_1004 : memref<1x!tpu.dma_semaphore, #tpu.memory_space<semaphore_mem>> -> memref<!tpu.dma_semaphore, #tpu.memory_space<semaphore_mem>>
    %dma_wait3A_1006 = arith.constant 0 : i32
    %dma_wait3A_1007 = tpu.memref_slice %arg3[%add3A_995, %dma_wait3A_1006] : memref<16384x1000xf32, #tpu.memory_space<hbm>> -> memref<32x1000xf32, #tpu.memory_space<hbm>>
    %dma_wait3A_1008 = arith.constant 0 : i32
    %dma_wait3A_1009 = arith.constant 0 : i32
    %dma_wait3A_1010 = tpu.memref_slice %arg4[%dma_wait3A_996, %dma_wait3A_1008, %dma_wait3A_1009] : memref<2x32x1000xf32, #tpu.memory_space<vmem>> -> memref<1x32x1000xf32, #tpu.memory_space<vmem>>
    %dma_wait3A_1011 = tpu.memref_squeeze %dma_wait3A_1010 : memref<1x32x1000xf32, #tpu.memory_space<vmem>> -> memref<32x1000xf32, #tpu.memory_space<vmem>>
    tpu.wait_dma2 semaphore(%dma_wait3A_1005 : memref<!tpu.dma_semaphore, #tpu.memory_space<semaphore_mem>>) src(%dma_wait3A_1011 : memref<32x1000xf32, #tpu.memory_space<vmem>>) dst(%dma_wait3A_1007 : memref<32x1000xf32, #tpu.memory_space<hbm>>)
    %add3A_1012 = arith.constant 0 : i32
    %add3A_1013 = vector.broadcast %add3A_1012 : i32 to vector<16xi32>
    %add3A_1014 = arith.addi %add3A_1013, %iota3A : vector<16xi32>
    %get3A_1015 = arith.constant 384 : index
    %get3A_1016 = tpu.vector_load %arg5[%get3A_1015] {strides = array<i32>} : memref<512xi32, #tpu.memory_space<vmem>>, vector<16xi32>,
    %scatter3A_1017 = arith.constant 0 : i32
    %scatter3A_1018 = arith.constant 0 : i32
    %scatter3A_1019 = arith.constant 0 : i32
    %scatter3A_1020 = tpu.memref_slice %arg4[%scatter3A_1017, %scatter3A_1018, %scatter3A_1019] : memref<2x32x1000xf32, #tpu.memory_space<vmem>> -> memref<1x32x1000xf32, #tpu.memory_space<vmem>>
    %scatter3A_1021 = tpu.memref_squeeze %scatter3A_1020 : memref<1x32x1000xf32, #tpu.memory_space<vmem>> -> memref<32x1000xf32, #tpu.memory_space<vmem>>
    tpu.vector_store_idx %scatter3A_1021[%add3A_1014, %get3A_1016], %broadcast_in_dim3A_3 : memref<32x1000xf32, #tpu.memory_space<vmem>>[vector<16xi32>, vector<16xi32>], vector<16xf32>,
    %add3A_1022 = arith.constant 16 : i32
    %add3A_1023 = vector.broadcast %add3A_1022 : i32 to vector<16xi32>
    %add3A_1024 = arith.addi %add3A_1023, %iota3A : vector<16xi32>
    %get3A_1025 = arith.constant 400 : index
    %get3A_1026 = tpu.vector_load %arg5[%get3A_1025] {strides = array<i32>} : memref<512xi32, #tpu.memory_space<vmem>>, vector<16xi32>,
    %scatter3A_1027 = arith.constant 0 : i32
    %scatter3A_1028 = arith.constant 0 : i32
    %scatter3A_1029 = arith.constant 0 : i32
    %scatter3A_1030 = tpu.memref_slice %arg4[%scatter3A_1027, %scatter3A_1028, %scatter3A_1029] : memref<2x32x1000xf32, #tpu.memory_space<vmem>> -> memref<1x32x1000xf32, #tpu.memory_space<vmem>>
    %scatter3A_1031 = tpu.memref_squeeze %scatter3A_1030 : memref<1x32x1000xf32, #tpu.memory_space<vmem>> -> memref<32x1000xf32, #tpu.memory_space<vmem>>
    tpu.vector_store_idx %scatter3A_1031[%add3A_1024, %get3A_1026], %broadcast_in_dim3A_3 : memref<32x1000xf32, #tpu.memory_space<vmem>>[vector<16xi32>, vector<16xi32>], vector<16xf32>,
    %add3A_1032 = arith.constant 0 : i32
    %add3A_1033 = vector.broadcast %add3A_1032 : i32 to vector<16xi32>
    %add3A_1034 = arith.addi %add3A_1033, %iota3A : vector<16xi32>
    %get3A_1035 = arith.constant 448 : index
    %get3A_1036 = tpu.vector_load %arg5[%get3A_1035] {strides = array<i32>} : memref<512xi32, #tpu.memory_space<vmem>>, vector<16xi32>,
    %scatter3A_1037 = arith.constant 0 : i32
    %scatter3A_1038 = arith.constant 0 : i32
    %scatter3A_1039 = arith.constant 0 : i32
    %scatter3A_1040 = tpu.memref_slice %arg4[%scatter3A_1037, %scatter3A_1038, %scatter3A_1039] : memref<2x32x1000xf32, #tpu.memory_space<vmem>> -> memref<1x32x1000xf32, #tpu.memory_space<vmem>>
    %scatter3A_1041 = tpu.memref_squeeze %scatter3A_1040 : memref<1x32x1000xf32, #tpu.memory_space<vmem>> -> memref<32x1000xf32, #tpu.memory_space<vmem>>
    tpu.vector_store_idx %scatter3A_1041[%add3A_1034, %get3A_1036], %broadcast_in_dim3A_9 : memref<32x1000xf32, #tpu.memory_space<vmem>>[vector<16xi32>, vector<16xi32>], vector<16xf32>,
    %add3A_1042 = arith.constant 16 : i32
    %add3A_1043 = vector.broadcast %add3A_1042 : i32 to vector<16xi32>
    %add3A_1044 = arith.addi %add3A_1043, %iota3A : vector<16xi32>
    %get3A_1045 = arith.constant 464 : index
    %get3A_1046 = tpu.vector_load %arg5[%get3A_1045] {strides = array<i32>} : memref<512xi32, #tpu.memory_space<vmem>>, vector<16xi32>,
    %scatter3A_1047 = arith.constant 0 : i32
    %scatter3A_1048 = arith.constant 0 : i32
    %scatter3A_1049 = arith.constant 0 : i32
    %scatter3A_1050 = tpu.memref_slice %arg4[%scatter3A_1047, %scatter3A_1048, %scatter3A_1049] : memref<2x32x1000xf32, #tpu.memory_space<vmem>> -> memref<1x32x1000xf32, #tpu.memory_space<vmem>>
    %scatter3A_1051 = tpu.memref_squeeze %scatter3A_1050 : memref<1x32x1000xf32, #tpu.memory_space<vmem>> -> memref<32x1000xf32, #tpu.memory_space<vmem>>
    tpu.vector_store_idx %scatter3A_1051[%add3A_1044, %get3A_1046], %broadcast_in_dim3A_9 : memref<32x1000xf32, #tpu.memory_space<vmem>>[vector<16xi32>, vector<16xi32>], vector<16xf32>,
    %add3A_1052 = arith.constant 448 : i32
    %add3A_1053 = arith.addi %mul3A_2, %add3A_1052 : i32
    %dma_start3A_1054 = arith.constant 0 : i32
    %dma_start3A_1055 = arith.constant 0 : i32
    %dma_start3A_1056 = arith.constant 0 : i32
    %dma_start3A_1057 = arith.constant 0 : i32
    %dma_start3A_1058 = tpu.memref_slice %arg4[%dma_start3A_1054, %dma_start3A_1056, %dma_start3A_1057] : memref<2x32x1000xf32, #tpu.memory_space<vmem>> -> memref<1x32x1000xf32, #tpu.memory_space<vmem>>
    %dma_start3A_1059 = tpu.memref_squeeze %dma_start3A_1058 : memref<1x32x1000xf32, #tpu.memory_space<vmem>> -> memref<32x1000xf32, #tpu.memory_space<vmem>>
    %dma_start3A_1060 = arith.constant 0 : i32
    %dma_start3A_1061 = tpu.memref_slice %arg3[%add3A_1053, %dma_start3A_1060] : memref<16384x1000xf32, #tpu.memory_space<hbm>> -> memref<32x1000xf32, #tpu.memory_space<hbm>>
    %dma_start3A_1062 = tpu.memref_slice %arg6[%dma_start3A_1055] : memref<2x!tpu.dma_semaphore, #tpu.memory_space<semaphore_mem>> -> memref<1x!tpu.dma_semaphore, #tpu.memory_space<semaphore_mem>>
    %dma_start3A_1063 = tpu.memref_squeeze %dma_start3A_1062 : memref<1x!tpu.dma_semaphore, #tpu.memory_space<semaphore_mem>> -> memref<!tpu.dma_semaphore, #tpu.memory_space<semaphore_mem>>
    %dma_start3A_1064 = arith.constant 0 : i32
    %dma_start3A_1065 = tpu.memref_slice %arg3[%add3A_1053, %dma_start3A_1064] : memref<16384x1000xf32, #tpu.memory_space<hbm>> -> memref<32x1000xf32, #tpu.memory_space<hbm>>
    %dma_start3A_1066 = arith.constant 0 : i32
    %dma_start3A_1067 = arith.constant 0 : i32
    %dma_start3A_1068 = tpu.memref_slice %arg4[%dma_start3A_1054, %dma_start3A_1066, %dma_start3A_1067] : memref<2x32x1000xf32, #tpu.memory_space<vmem>> -> memref<1x32x1000xf32, #tpu.memory_space<vmem>>
    %dma_start3A_1069 = tpu.memref_squeeze %dma_start3A_1068 : memref<1x32x1000xf32, #tpu.memory_space<vmem>> -> memref<32x1000xf32, #tpu.memory_space<vmem>>
    tpu.enqueue_dma source(%dma_start3A_1069 : memref<32x1000xf32, #tpu.memory_space<vmem>>) target(%dma_start3A_1065 : memref<32x1000xf32, #tpu.memory_space<hbm>>) target_semaphore(%dma_start3A_1063 : memref<!tpu.dma_semaphore, #tpu.memory_space<semaphore_mem>>)
    %add3A_1070 = arith.constant 416 : i32
    %add3A_1071 = arith.addi %mul3A_2, %add3A_1070 : i32
    %dma_wait3A_1072 = arith.constant 1 : i32
    %dma_wait3A_1073 = arith.constant 1 : i32
    %dma_wait3A_1074 = arith.constant 0 : i32
    %dma_wait3A_1075 = arith.constant 0 : i32
    %dma_wait3A_1076 = tpu.memref_slice %arg4[%dma_wait3A_1072, %dma_wait3A_1074, %dma_wait3A_1075] : memref<2x32x1000xf32, #tpu.memory_space<vmem>> -> memref<1x32x1000xf32, #tpu.memory_space<vmem>>
    %dma_wait3A_1077 = tpu.memref_squeeze %dma_wait3A_1076 : memref<1x32x1000xf32, #tpu.memory_space<vmem>> -> memref<32x1000xf32, #tpu.memory_space<vmem>>
    %dma_wait3A_1078 = arith.constant 0 : i32
    %dma_wait3A_1079 = tpu.memref_slice %arg3[%add3A_1071, %dma_wait3A_1078] : memref<16384x1000xf32, #tpu.memory_space<hbm>> -> memref<32x1000xf32, #tpu.memory_space<hbm>>
    %dma_wait3A_1080 = tpu.memref_slice %arg6[%dma_wait3A_1073] : memref<2x!tpu.dma_semaphore, #tpu.memory_space<semaphore_mem>> -> memref<1x!tpu.dma_semaphore, #tpu.memory_space<semaphore_mem>>
    %dma_wait3A_1081 = tpu.memref_squeeze %dma_wait3A_1080 : memref<1x!tpu.dma_semaphore, #tpu.memory_space<semaphore_mem>> -> memref<!tpu.dma_semaphore, #tpu.memory_space<semaphore_mem>>
    %dma_wait3A_1082 = arith.constant 0 : i32
    %dma_wait3A_1083 = tpu.memref_slice %arg3[%add3A_1071, %dma_wait3A_1082] : memref<16384x1000xf32, #tpu.memory_space<hbm>> -> memref<32x1000xf32, #tpu.memory_space<hbm>>
    %dma_wait3A_1084 = arith.constant 0 : i32
    %dma_wait3A_1085 = arith.constant 0 : i32
    %dma_wait3A_1086 = tpu.memref_slice %arg4[%dma_wait3A_1072, %dma_wait3A_1084, %dma_wait3A_1085] : memref<2x32x1000xf32, #tpu.memory_space<vmem>> -> memref<1x32x1000xf32, #tpu.memory_space<vmem>>
    %dma_wait3A_1087 = tpu.memref_squeeze %dma_wait3A_1086 : memref<1x32x1000xf32, #tpu.memory_space<vmem>> -> memref<32x1000xf32, #tpu.memory_space<vmem>>
    tpu.wait_dma2 semaphore(%dma_wait3A_1081 : memref<!tpu.dma_semaphore, #tpu.memory_space<semaphore_mem>>) src(%dma_wait3A_1087 : memref<32x1000xf32, #tpu.memory_space<vmem>>) dst(%dma_wait3A_1083 : memref<32x1000xf32, #tpu.memory_space<hbm>>)
    %add3A_1088 = arith.constant 0 : i32
    %add3A_1089 = vector.broadcast %add3A_1088 : i32 to vector<16xi32>
    %add3A_1090 = arith.addi %add3A_1089, %iota3A : vector<16xi32>
    %get3A_1091 = arith.constant 416 : index
    %get3A_1092 = tpu.vector_load %arg5[%get3A_1091] {strides = array<i32>} : memref<512xi32, #tpu.memory_space<vmem>>, vector<16xi32>,
    %scatter3A_1093 = arith.constant 1 : i32
    %scatter3A_1094 = arith.constant 0 : i32
    %scatter3A_1095 = arith.constant 0 : i32
    %scatter3A_1096 = tpu.memref_slice %arg4[%scatter3A_1093, %scatter3A_1094, %scatter3A_1095] : memref<2x32x1000xf32, #tpu.memory_space<vmem>> -> memref<1x32x1000xf32, #tpu.memory_space<vmem>>
    %scatter3A_1097 = tpu.memref_squeeze %scatter3A_1096 : memref<1x32x1000xf32, #tpu.memory_space<vmem>> -> memref<32x1000xf32, #tpu.memory_space<vmem>>
    tpu.vector_store_idx %scatter3A_1097[%add3A_1090, %get3A_1092], %broadcast_in_dim3A_3 : memref<32x1000xf32, #tpu.memory_space<vmem>>[vector<16xi32>, vector<16xi32>], vector<16xf32>,
    %add3A_1098 = arith.constant 16 : i32
    %add3A_1099 = vector.broadcast %add3A_1098 : i32 to vector<16xi32>
    %add3A_1100 = arith.addi %add3A_1099, %iota3A : vector<16xi32>
    %get3A_1101 = arith.constant 432 : index
    %get3A_1102 = tpu.vector_load %arg5[%get3A_1101] {strides = array<i32>} : memref<512xi32, #tpu.memory_space<vmem>>, vector<16xi32>,
    %scatter3A_1103 = arith.constant 1 : i32
    %scatter3A_1104 = arith.constant 0 : i32
    %scatter3A_1105 = arith.constant 0 : i32
    %scatter3A_1106 = tpu.memref_slice %arg4[%scatter3A_1103, %scatter3A_1104, %scatter3A_1105] : memref<2x32x1000xf32, #tpu.memory_space<vmem>> -> memref<1x32x1000xf32, #tpu.memory_space<vmem>>
    %scatter3A_1107 = tpu.memref_squeeze %scatter3A_1106 : memref<1x32x1000xf32, #tpu.memory_space<vmem>> -> memref<32x1000xf32, #tpu.memory_space<vmem>>
    tpu.vector_store_idx %scatter3A_1107[%add3A_1100, %get3A_1102], %broadcast_in_dim3A_3 : memref<32x1000xf32, #tpu.memory_space<vmem>>[vector<16xi32>, vector<16xi32>], vector<16xf32>,
    %add3A_1108 = arith.constant 0 : i32
    %add3A_1109 = vector.broadcast %add3A_1108 : i32 to vector<16xi32>
    %add3A_1110 = arith.addi %add3A_1109, %iota3A : vector<16xi32>
    %get3A_1111 = arith.constant 480 : index
    %get3A_1112 = tpu.vector_load %arg5[%get3A_1111] {strides = array<i32>} : memref<512xi32, #tpu.memory_space<vmem>>, vector<16xi32>,
    %scatter3A_1113 = arith.constant 1 : i32
    %scatter3A_1114 = arith.constant 0 : i32
    %scatter3A_1115 = arith.constant 0 : i32
    %scatter3A_1116 = tpu.memref_slice %arg4[%scatter3A_1113, %scatter3A_1114, %scatter3A_1115] : memref<2x32x1000xf32, #tpu.memory_space<vmem>> -> memref<1x32x1000xf32, #tpu.memory_space<vmem>>
    %scatter3A_1117 = tpu.memref_squeeze %scatter3A_1116 : memref<1x32x1000xf32, #tpu.memory_space<vmem>> -> memref<32x1000xf32, #tpu.memory_space<vmem>>
    tpu.vector_store_idx %scatter3A_1117[%add3A_1110, %get3A_1112], %broadcast_in_dim3A_9 : memref<32x1000xf32, #tpu.memory_space<vmem>>[vector<16xi32>, vector<16xi32>], vector<16xf32>,
    %add3A_1118 = arith.constant 16 : i32
    %add3A_1119 = vector.broadcast %add3A_1118 : i32 to vector<16xi32>
    %add3A_1120 = arith.addi %add3A_1119, %iota3A : vector<16xi32>
    %get3A_1121 = arith.constant 496 : index
    %get3A_1122 = tpu.vector_load %arg5[%get3A_1121] {strides = array<i32>} : memref<512xi32, #tpu.memory_space<vmem>>, vector<16xi32>,
    %scatter3A_1123 = arith.constant 1 : i32
    %scatter3A_1124 = arith.constant 0 : i32
    %scatter3A_1125 = arith.constant 0 : i32
    %scatter3A_1126 = tpu.memref_slice %arg4[%scatter3A_1123, %scatter3A_1124, %scatter3A_1125] : memref<2x32x1000xf32, #tpu.memory_space<vmem>> -> memref<1x32x1000xf32, #tpu.memory_space<vmem>>
    %scatter3A_1127 = tpu.memref_squeeze %scatter3A_1126 : memref<1x32x1000xf32, #tpu.memory_space<vmem>> -> memref<32x1000xf32, #tpu.memory_space<vmem>>
    tpu.vector_store_idx %scatter3A_1127[%add3A_1120, %get3A_1122], %broadcast_in_dim3A_9 : memref<32x1000xf32, #tpu.memory_space<vmem>>[vector<16xi32>, vector<16xi32>], vector<16xf32>,
    %add3A_1128 = arith.constant 480 : i32
    %add3A_1129 = arith.addi %mul3A_2, %add3A_1128 : i32
    %dma_start3A_1130 = arith.constant 1 : i32
    %dma_start3A_1131 = arith.constant 1 : i32
    %dma_start3A_1132 = arith.constant 0 : i32
    %dma_start3A_1133 = arith.constant 0 : i32
    %dma_start3A_1134 = tpu.memref_slice %arg4[%dma_start3A_1130, %dma_start3A_1132, %dma_start3A_1133] : memref<2x32x1000xf32, #tpu.memory_space<vmem>> -> memref<1x32x1000xf32, #tpu.memory_space<vmem>>
    %dma_start3A_1135 = tpu.memref_squeeze %dma_start3A_1134 : memref<1x32x1000xf32, #tpu.memory_space<vmem>> -> memref<32x1000xf32, #tpu.memory_space<vmem>>
    %dma_start3A_1136 = arith.constant 0 : i32
    %dma_start3A_1137 = tpu.memref_slice %arg3[%add3A_1129, %dma_start3A_1136] : memref<16384x1000xf32, #tpu.memory_space<hbm>> -> memref<32x1000xf32, #tpu.memory_space<hbm>>
    %dma_start3A_1138 = tpu.memref_slice %arg6[%dma_start3A_1131] : memref<2x!tpu.dma_semaphore, #tpu.memory_space<semaphore_mem>> -> memref<1x!tpu.dma_semaphore, #tpu.memory_space<semaphore_mem>>
    %dma_start3A_1139 = tpu.memref_squeeze %dma_start3A_1138 : memref<1x!tpu.dma_semaphore, #tpu.memory_space<semaphore_mem>> -> memref<!tpu.dma_semaphore, #tpu.memory_space<semaphore_mem>>
    %dma_start3A_1140 = arith.constant 0 : i32
    %dma_start3A_1141 = tpu.memref_slice %arg3[%add3A_1129, %dma_start3A_1140] : memref<16384x1000xf32, #tpu.memory_space<hbm>> -> memref<32x1000xf32, #tpu.memory_space<hbm>>
    %dma_start3A_1142 = arith.constant 0 : i32
    %dma_start3A_1143 = arith.constant 0 : i32
    %dma_start3A_1144 = tpu.memref_slice %arg4[%dma_start3A_1130, %dma_start3A_1142, %dma_start3A_1143] : memref<2x32x1000xf32, #tpu.memory_space<vmem>> -> memref<1x32x1000xf32, #tpu.memory_space<vmem>>
    %dma_start3A_1145 = tpu.memref_squeeze %dma_start3A_1144 : memref<1x32x1000xf32, #tpu.memory_space<vmem>> -> memref<32x1000xf32, #tpu.memory_space<vmem>>
    tpu.enqueue_dma source(%dma_start3A_1145 : memref<32x1000xf32, #tpu.memory_space<vmem>>) target(%dma_start3A_1141 : memref<32x1000xf32, #tpu.memory_space<hbm>>) target_semaphore(%dma_start3A_1139 : memref<!tpu.dma_semaphore, #tpu.memory_space<semaphore_mem>>)
    %add3A_1146 = arith.constant 448 : i32
    %add3A_1147 = arith.addi %mul3A_2, %add3A_1146 : i32
    %dma_wait3A_1148 = arith.constant 0 : i32
    %dma_wait3A_1149 = arith.constant 0 : i32
    %dma_wait3A_1150 = arith.constant 0 : i32
    %dma_wait3A_1151 = arith.constant 0 : i32
    %dma_wait3A_1152 = tpu.memref_slice %arg4[%dma_wait3A_1148, %dma_wait3A_1150, %dma_wait3A_1151] : memref<2x32x1000xf32, #tpu.memory_space<vmem>> -> memref<1x32x1000xf32, #tpu.memory_space<vmem>>
    %dma_wait3A_1153 = tpu.memref_squeeze %dma_wait3A_1152 : memref<1x32x1000xf32, #tpu.memory_space<vmem>> -> memref<32x1000xf32, #tpu.memory_space<vmem>>
    %dma_wait3A_1154 = arith.constant 0 : i32
    %dma_wait3A_1155 = tpu.memref_slice %arg3[%add3A_1147, %dma_wait3A_1154] : memref<16384x1000xf32, #tpu.memory_space<hbm>> -> memref<32x1000xf32, #tpu.memory_space<hbm>>
    %dma_wait3A_1156 = tpu.memref_slice %arg6[%dma_wait3A_1149] : memref<2x!tpu.dma_semaphore, #tpu.memory_space<semaphore_mem>> -> memref<1x!tpu.dma_semaphore, #tpu.memory_space<semaphore_mem>>
    %dma_wait3A_1157 = tpu.memref_squeeze %dma_wait3A_1156 : memref<1x!tpu.dma_semaphore, #tpu.memory_space<semaphore_mem>> -> memref<!tpu.dma_semaphore, #tpu.memory_space<semaphore_mem>>
    %dma_wait3A_1158 = arith.constant 0 : i32
    %dma_wait3A_1159 = tpu.memref_slice %arg3[%add3A_1147, %dma_wait3A_1158] : memref<16384x1000xf32, #tpu.memory_space<hbm>> -> memref<32x1000xf32, #tpu.memory_space<hbm>>
    %dma_wait3A_1160 = arith.constant 0 : i32
    %dma_wait3A_1161 = arith.constant 0 : i32
    %dma_wait3A_1162 = tpu.memref_slice %arg4[%dma_wait3A_1148, %dma_wait3A_1160, %dma_wait3A_1161] : memref<2x32x1000xf32, #tpu.memory_space<vmem>> -> memref<1x32x1000xf32, #tpu.memory_space<vmem>>
    %dma_wait3A_1163 = tpu.memref_squeeze %dma_wait3A_1162 : memref<1x32x1000xf32, #tpu.memory_space<vmem>> -> memref<32x1000xf32, #tpu.memory_space<vmem>>
    tpu.wait_dma2 semaphore(%dma_wait3A_1157 : memref<!tpu.dma_semaphore, #tpu.memory_space<semaphore_mem>>) src(%dma_wait3A_1163 : memref<32x1000xf32, #tpu.memory_space<vmem>>) dst(%dma_wait3A_1159 : memref<32x1000xf32, #tpu.memory_space<hbm>>)
    %add3A_1164 = arith.constant 480 : i32
    %add3A_1165 = arith.addi %mul3A_2, %add3A_1164 : i32
    %dma_wait3A_1166 = arith.constant 1 : i32
    %dma_wait3A_1167 = arith.constant 1 : i32
    %dma_wait3A_1168 = arith.constant 0 : i32
    %dma_wait3A_1169 = arith.constant 0 : i32
    %dma_wait3A_1170 = tpu.memref_slice %arg4[%dma_wait3A_1166, %dma_wait3A_1168, %dma_wait3A_1169] : memref<2x32x1000xf32, #tpu.memory_space<vmem>> -> memref<1x32x1000xf32, #tpu.memory_space<vmem>>
    %dma_wait3A_1171 = tpu.memref_squeeze %dma_wait3A_1170 : memref<1x32x1000xf32, #tpu.memory_space<vmem>> -> memref<32x1000xf32, #tpu.memory_space<vmem>>
    %dma_wait3A_1172 = arith.constant 0 : i32
    %dma_wait3A_1173 = tpu.memref_slice %arg3[%add3A_1165, %dma_wait3A_1172] : memref<16384x1000xf32, #tpu.memory_space<hbm>> -> memref<32x1000xf32, #tpu.memory_space<hbm>>
    %dma_wait3A_1174 = tpu.memref_slice %arg6[%dma_wait3A_1167] : memref<2x!tpu.dma_semaphore, #tpu.memory_space<semaphore_mem>> -> memref<1x!tpu.dma_semaphore, #tpu.memory_space<semaphore_mem>>
    %dma_wait3A_1175 = tpu.memref_squeeze %dma_wait3A_1174 : memref<1x!tpu.dma_semaphore, #tpu.memory_space<semaphore_mem>> -> memref<!tpu.dma_semaphore, #tpu.memory_space<semaphore_mem>>
    %dma_wait3A_1176 = arith.constant 0 : i32
    %dma_wait3A_1177 = tpu.memref_slice %arg3[%add3A_1165, %dma_wait3A_1176] : memref<16384x1000xf32, #tpu.memory_space<hbm>> -> memref<32x1000xf32, #tpu.memory_space<hbm>>
    %dma_wait3A_1178 = arith.constant 0 : i32
    %dma_wait3A_1179 = arith.constant 0 : i32
    %dma_wait3A_1180 = tpu.memref_slice %arg4[%dma_wait3A_1166, %dma_wait3A_1178, %dma_wait3A_1179] : memref<2x32x1000xf32, #tpu.memory_space<vmem>> -> memref<1x32x1000xf32, #tpu.memory_space<vmem>>
    %dma_wait3A_1181 = tpu.memref_squeeze %dma_wait3A_1180 : memref<1x32x1000xf32, #tpu.memory_space<vmem>> -> memref<32x1000xf32, #tpu.memory_space<vmem>>
    tpu.wait_dma2 semaphore(%dma_wait3A_1175 : memref<!tpu.dma_semaphore, #tpu.memory_space<semaphore_mem>>) src(%dma_wait3A_1181 : memref<32x1000xf32, #tpu.memory_space<vmem>>) dst(%dma_wait3A_1177 : memref<32x1000xf32, #tpu.memory_space<hbm>>)
    return
  }
}

</mosaic_0001>

<sc_bundles>
// kernel: kernel.3.cloned.1.call-start
scs
__scs_entry_jumppad:
0x0: {  	(pc) =	sbr.rel $0x88, $3  }
0x1: {  	(tag) =	ssettag $0x0;
	lr =	simm.s32 $0x1  }
0x2: {  	[smem:$0x3FA0] =	sst lr;
	_ =	strace $0xD0000000  }
0x3: {  	_ = 	snop  }
0x4: {  	_ = 	snop  }
0x5: {  	_ = 	snop  }
0x6: {  	_ = 	snop  }
0x7: {  	_ = 	snop  }
__scs_overlays_trampoline_lowered:
0x8: {  	[smem:$0x3FAF] =	sst s0  }
0x9: {  	[smem:$0x3FB0] =	sst s1  }
0xa: {  	[smem:$0x3FB1] =	sst s2  }
0xb: {  	[smem:$0x3FB2] =	sst s3  }
0xc: {  	[smem:$0x3FB3] =	sst s4  }
0xd: {  	[smem:$0x3FB4] =	sst s5  }
0xe: {  	[smem:$0x3FB5] =	sst s6  }
0xf: {  	[smem:$0x3FB6] =	sst s7  }
0x10: {  	[smem:$0x3FB7] =	sst s8  }
0x11: {  	[smem:$0x3FB8] =	sst s9;
	s0 =	simm.s32 @!p0 $0x0  }
0x12: {  	s1 =	sld [smem:$0x3F9E];
	s0 =	simm.s32 @p0 $0x1  }
0x13: {  	[smem:$0x3FB9] =	sst s0;
	s0 =	simm.s32 @!p1 $0x0  }
0x14: {  	s2 =	sld [smem:$0x3F9D];
	s0 =	simm.s32 @p1 $0x1  }
0x15: {  	[smem:$0x3FBA] =	sst s0;
	s0 =	simm.s32 @!p2 $0x0  }
0x16: {  	s3 =	sld [smem:$0x3FDB];
	s0 =	simm.s32 @p2 $0x1  }
0x17: {  	s4 =	simm.s32 $0x1BF5;
	[smem:$0x3FBC] =	sst s0  }
0x18: {  	s0 =	sld [smem:$0x3F9F];
	_ =	swait.ge [sflag:s4], $0x0  }
0x19: {  	s7 =	sld [smem:$0x3FA0]  }
0x1a: {  	s8 =	sadd.s32 $0xFFFFE003, lr  }
0x1b: {  	s9 =	sadd.s32 $0xFFFFFEF7, lr;
	s5 =	simm.s32 $0xFFFFFFFF;
	p2 =	slt.u32 s8, $0xFFFFF086  }
0x1c: {  	p1 =	slt.u32 s9, $0xF7A;
	s5 =	simm.s32 @!p2 $0x0  }
0x1d: {  	s5 =	simm.s32 @p1 $0x1;
	p0 =	seq.s32 s7, s2  }
0x1e: {  	s7 =	smul.u32 @!p0 $0xF7A, s2;
	p2 =	seq.s32 @!p0 s5, $0x0  }
0x1f: {  	s9 =	smul.u32 $0xF7A, s1;
	s8 =	simm.s32 @!p0 $0x1BF5;
	p2 =	por !p2, p0  }
0x20: {  	[sflag:s8] =	ssyncset.s32 @!p0 $0xFFFFF086;
	s6 =	sadd.s32 @!p0 s3, s7;
	s7 =	simm.s32 @!p0 $0x108  }
0x21: {  	s3 =	sadd.s32 s3, s9;
	s6 =	sadd.s32 @!p0 $0x88, s6;
	s7 =	simm.s32 @p2 $0x1082  }
0x22: {  	[simem:s7], [sflag:s8] =	dma.local @!p0 [hbm:s6], $0xF7A  }
0x23: {  	s9 =	sor.u32 $0xD0000000, s2;
	s6 =	simm.s32 $0x108;
	_ =	swait.ge @!p0 [sflag:s8], $0x0  }
0x24: {  	s3 =	sadd.s32 $0x88, s3;
	s6 =	simm.s32 @!p1 $0x1082;
	[sflag:s4] =	ssyncset.s32 $0xFFFFF086  }
0x25: {  	[simem:s6], [sflag:s4] =	dma.local [hbm:s3], $0xF7A  }
0x26: {  	[smem:$0x3FA0] =	sst s1;
	(tag) =	ssettag s2;
	_ =	strace s9  }
0x27: {  	s1 =	sld [smem:$0x3FB0]  }
0x28: {  	s2 =	sld [smem:$0x3FB1]  }
0x29: {  	s4 =	sld [smem:$0x3FB3]  }
0x2a: {  	p0 =	seq.s32 s5, $0x0;
	s5 =	sld [smem:$0x3FB4]  }
0x2b: {  	s6 =	sld [smem:$0x3FB5]  }
0x2c: {  	s7 =	sld [smem:$0x3FB6]  }
0x2d: {  	s3 =	simm.s32 $0x108;
	s8 =	sld [smem:$0x3FB7]  }
0x2e: {  	s3 =	simm.s32 @!p0 $0x1082;
	s9 =	sld [smem:$0x3FB8]  }
0x2f: {  	lr =	sadd.s32 s0, s3;
	s0 =	sld [smem:$0x3FAF]  }
0x30: {  	s3 =	sld [smem:$0x3FB2]  }
0x31: {  	[smem:$0x3FBB] =	sst s10  }
0x32: {  	s10 =	sld [smem:$0x3FB9];
	_ =	sdelay $0x3  }
0x33: {  	p0 =	seq.s32 s10, $0x1;
	s10 =	sld [smem:$0x3FBB];
	_ =	sdelay $0x3  }
0x34: {  	[smem:$0x3FBB] =	sst s10  }
0x35: {  	s10 =	sld [smem:$0x3FBA];
	_ =	sdelay $0x3  }
0x36: {  	p1 =	seq.s32 s10, $0x1;
	s10 =	sld [smem:$0x3FBB];
	_ =	sdelay $0x3  }
0x37: {  	[smem:$0x3FBB] =	sst s10  }
0x38: {  	s10 =	sld [smem:$0x3FBC]  }
0x39: {  	_ = 	snop;
	(pc) =	sbr.ind lr, $3  }
0x3a: {  	_ = 	snop  }
0x3b: {  	_ = 	snop  }
0x3c: {  	p2 =	seq.s32 s10, $0x1;
	s10 =	sld [smem:$0x3FBB]  }
0x3d: {  	_ =	shalt  }
0x3e: {  	_ =	shalt  }
0x3f: {  	_ =	shalt  }
0x40: {  	_ =	shalt  }
0x41: {  	_ =	shalt  }
0x42: {  	_ =	shalt  }
0x43: {  	_ =	shalt  }
0x44: {  	_ =	shalt  }
0x45: {  	_ =	shalt  }
0x46: {  	_ =	shalt  }
0x47: {  	_ =	shalt  }
0x48: {  	_ =	shalt  }
0x49: {  	_ =	shalt  }
0x4a: {  	_ =	shalt  }
0x4b: {  	_ =	shalt  }
0x4c: {  	_ =	shalt  }
0x4d: {  	_ =	shalt  }
0x4e: {  	_ =	shalt  }
0x4f: {  	_ =	shalt  }
0x50: {  	_ =	shalt  }
0x51: {  	_ =	shalt  }
0x52: {  	_ =	shalt  }
0x53: {  	_ =	shalt  }
0x54: {  	_ =	shalt  }
0x55: {  	_ =	shalt  }
0x56: {  	_ =	shalt  }
0x57: {  	_ =	shalt  }
0x58: {  	_ =	shalt  }
0x59: {  	_ =	shalt  }
0x5a: {  	_ =	shalt  }
0x5b: {  	_ =	shalt  }
0x5c: {  	_ =	shalt  }
0x5d: {  	_ =	shalt  }
0x5e: {  	_ =	shalt  }
0x5f: {  	_ =	shalt  }
0x60: {  	_ =	shalt  }
0x61: {  	_ =	shalt  }
0x62: {  	_ =	shalt  }
0x63: {  	_ =	shalt  }
0x64: {  	_ =	shalt  }
0x65: {  	_ =	shalt  }
0x66: {  	_ =	shalt  }
0x67: {  	_ =	shalt  }
0x68: {  	_ =	shalt  }
0x69: {  	_ =	shalt  }
0x6a: {  	_ =	shalt  }
0x6b: {  	_ =	shalt  }
0x6c: {  	_ =	shalt  }
0x6d: {  	_ =	shalt  }
0x6e: {  	_ =	shalt  }
0x6f: {  	_ =	shalt  }
0x70: {  	_ =	shalt  }
0x71: {  	_ =	shalt  }
0x72: {  	_ =	shalt  }
0x73: {  	_ =	shalt  }
0x74: {  	_ =	shalt  }
0x75: {  	_ =	shalt  }
0x76: {  	_ =	shalt  }
0x77: {  	_ =	shalt  }
0x78: {  	_ =	shalt  }
0x79: {  	_ =	shalt  }
0x7a: {  	_ =	shalt  }
0x7b: {  	_ =	shalt  }
0x7c: {  	_ =	shalt  }
0x7d: {  	_ =	shalt  }
0x7e: {  	_ =	shalt  }
0x7f: {  	_ =	shalt  }
0x80: {  	_ =	shalt  }
0x81: {  	_ =	shalt  }
0x82: {  	_ =	shalt  }
0x83: {  	_ =	shalt  }
0x84: {  	_ =	shalt  }
0x85: {  	_ =	shalt  }
0x86: {  	_ =	shalt  }
0x87: {  	_ =	shalt  }
.Lfunc_end0:
.L_simem_size_0:
called_computation_lowered:
.L_overlay_start_0:
0x88: {  	s2 =	sld [smem:$0x3FD9]  }
0x89: {  	s3 =	sld [smem:$0x3FFE];
	_ =	sdelay $0x1  }
0x8a: {  	s1 =	srdreg.scid  }
0x8b: {  	s0 =	sand.u32 $0x1, s1  }
0x8c: {  	s17 =	sshll.u32 s0, $0xA;
	s2 =	sadd.s32 s3, s2  }
0x8d: {  	s2 =	sadd.s32 s2, s17  }
0x8e: {  	[smem:$0x3FC7] =	sst s2  }
0x8f: {  	_ = 	snop  }
0x90: {  	s2 =	sld [smem:$0x3FC9];
	(tm) =	ssettm $0x1  }
0x91: {  	s18 =	sld [smem:$0x3FFB];
	_ =	sdelay $0x3  }
0x92: {  	_ =	strace s18  }
0x93: {  	s3 =	sld [smem:$0x3FFC];
	_ =	sdelay $0x3  }
0x94: {  	_ =	strace s3  }
0x95: {  	s3 =	sld [smem:$0x3FFD];
	_ =	sdelay $0x3  }
0x96: {  	_ =	strace s3  }
0x97: {  	_ =	strace $0x8FFFFFFF  }
0x98: {  	s19 =	sld [smem:$0x3FDB];
	_ =	sdelay $0x1  }
0x99: {  	s4 =	simm.s32 $_scs_section_size  }
0x9a: {  	s5 =	simm.s32 $_size__tile_overlayer_lowered;
	s6 =	simm.s32 $_tile_overlayer_lowered  }
0x9b: {  	s22 =	simm.s32 $0x1BFF;
	s21 =	sshll.u32 s6, $0x1;
	s3 =	sadd.s32 s4, s19  }
0x9c: {  	s7 =	simm.s32 $0x0;
	s20 =	sshll.u32 s5, $0x1;
	s5 =	sadd.s32 s21, s3  }
0x9d: {  	[timem:s7], [sflag:s22] =	dma.local [hbm:s5], s20  }
0x9e: {  	_ =	swait.ge [sflag:s22], s20  }
0x9f: {  	s4 =	ssub.s32 $0x0, s20;
	[sflag:s22] =	ssyncset.done $0x0  }
0xa0: {  	[sflag:s22] =	ssyncadd.s32 s4;
	_ =	sdelay $0x1  }
0xa1: {  	s23 =	simm.s32 $0x1B8B  }
0xa2: {  	_ =	swait.ge [sflag:s23], $0x1  }
0xa3: {  	[sflag:s23] =	ssyncset.done $0x0  }
0xa4: {  	s25 =	simm.s32 $0x1B8E;
	s24 =	sld [smem:$0x3FFE];
	[sflag:s23] =	ssyncadd.s32 $0xFFFFFFFF  }
0xa5: {  	s26 =	simm.s32 $execute0_lowered;
	[smem:$0x3FD2] =	sst s25  }
0xa6: {  	s5 =	sshll.u32 s26, $0x1;
	_ =	strace $0x80000046;
	[dreg:$0x1] =	wrdreg $0xFFFFFFFF  }
0xa7: {  	s28 =	simm.s32 $_size_execute0_lowered;
	s3 =	sadd.s32 s3, s5;
	[dreg:$0x0] =	wrdreg $0x0  }
0xa8: {  	s5 =	sshll.u32 s28, $0x1;
	[dreg:$0x2] =	wrdreg s3  }
0xa9: {  	[dreg:$0x3] =	wrdreg s5  }
0xaa: {  	[dreg:$0x4] =	wrdreg $0xC0  }
0xab: {  	_ =	task [dreg:s7], $0x5FFFF  }
0xac: {  	[dreg:$0x1] =	wrdreg $0xFFFFFFFF  }
0xad: {  	[dreg:$0x0] =	wrdreg $0x60  }
0xae: {  	[dreg:$0x2] =	wrdreg s2  }
0xaf: {  	[dreg:$0x3] =	wrdreg s24  }
0xb0: {  	[dreg:$0x4] =	wrdreg $0x9  }
0xb1: {  	_ =	task.clear_ibuf [dreg:s7], $0x5FFFF;
	_ =	strace $0x90000046  }
0xb2: {  	s29 =	simm.s32 $0x9;
	_ =	strace $0x80000048  }
0xb3: {  	_ =	swait.ge [sflag:s29], $0x1  }
0xb4: {  	[sflag:s29] =	ssyncadd.s32 $0xFFFFFFFF  }
0xb5: {  	_ =	strace $0x90000048  }
0xb6: {  	_ =	sfence  }
0xb7: {  	s30 =	sld [smem:$0x0];
	_ =	sdelay $0x2  }
0xb8: {  	s31 =	sshll.u32 s1, $0xD;
	s1 =	sshrl.u32 s1, $0x2  }
0xb9: {  	s3 =	sand.u32 $0x4000, s31;
	s1 =	sadd.s32 s1, s30  }
0xba: {  	s0 =	sor.u32 s3, s0;
	s1 =	sshll.u32 s1, $0x11  }
0xbb: {  	s0 =	sor.u32 s1, s0  }
0xbc: {  	s0 =	sadd.s32 $0x8F2B, s0  }
0xbd: {  	[sflag:s0] =	ssyncadd.remote.s32 $0x1  }
0xbe: {  	_ =	sfence.sel $0xFFFF  }
0xbf: {  	[dreg:$0x0] =	wrdreg $0xFFFFFFFF;
	(pc) =	sbr.abs _section_cstart, $3  }
0xc0: {  	[dreg:$0x1] =	wrdreg $0xFFFFFFFF  }
0xc1: {  	_ =	task.clear_ibuf [dreg:s7], $0x2FFFF;
	_ =	strace $0x9FFFFFFF  }
0xc2: {  	(tm) =	ssettm $0x7FFFFFFF  }
0xc3: {  	_ =	shalt  }
tec
execute0_lowered:
.L_overlay_start_1:
0x0: {  	(tag) =	ssettag $0x1  }
0x1: {  	v0 =	vimm.f32 $0.0e+00  }
0x2: {  	v1 =	vimm.s32 $0x2380;
	vm0 =	vcmask $0x300;
	v2 =	vimm.s32 $0x6380  }
0x3: {  	s0 =	rddreg [dreg:$0x0];
	vm1 =	vcmask $0x704;
	v1 =	vsel vm0, $0x0, v1;
	v2 =	vsel vm0, $0x4000, v2  }
0x4: {  	s3 =	rddreg [dreg:$0x1];
	vm15 =	vcmask $0xB08;
	v1 =	vsel vm1, $0x80, v1;
	v2 =	vsel vm1, $0x4080, v2  }
0x5: {  	s2 =	srdreg.scid;
	s1 =	stileid.u32;
	vm4 =	vcmask $0xF0C;
	v1 =	vsel vm15, $0x100, v1;
	v2 =	vsel vm15, $0x4100, v2  }
0x6: {  	vm5 =	vcmask $0x1310;
	s22 =	simm.s32 $0x3;
	s23 =	simm.s32 $0x8000;
	s24 =	simm.s32 $0x1;
	v1 =	vsel vm4, $0x180, v1;
	v2 =	vsel vm4, $0x4180, v2  }
0x7: {  	vm6 =	vcmask $0x1714;
	s25 =	simm.s32 $0x2;
	s26 =	simm.s32 $0x0;
	s4 =	sand.u32 $0x1, s2;
	v1 =	vsel vm5, $0x200, v1;
	v2 =	vsel vm5, $0x4200, v2  }
0x8: {  	vm7 =	vcmask $0x1B18;
	s2 =	simm.s32 $0x0;
	s5 =	sshll.u32 s1, $0xA;
	s6 =	sshll.u32 s4, $0x9;
	v1 =	vsel vm6, $0x280, v1;
	v2 =	vsel vm6, $0x4280, v2  }
0x9: {  	vm8 =	vcmask $0x1F1C;
	[smem:$0x7FF] =	sst s2;
	s4 =	ssub.s32 $0x2, s4;
	s5 =	sor.u32 s6, s5;
	v1 =	vsel vm7, $0x300, v1;
	v2 =	vsel vm7, $0x4300, v2  }
0xa: {  	vm9 =	vcmask $0x2320;
	_ =	strace $0x80000047;
	s7 =	sshrl.u32 s4, $0x1;
	s6 =	sshll.u32 s5, $0x7;
	v1 =	vsel vm8, $0x380, v1;
	v2 =	vsel vm8, $0x4380, v2  }
0xb: {  	vm10 =	vcmask $0x2724;
	s20 =	ssub.s32 s4, s7;
	s31 =	sshrl.u32 s5, $0x3;
	s19 =	sadd.s32 s6, s3;
	v1 =	vsel vm9, $0x2000, v1;
	v2 =	vsel vm9, $0x6000, v2  }
0xc: {  	vm11 =	vcmask $0x2B28;
	s3 =	sadd.s32 s0, s31;
	s20 =	smax.u32 s20, $0x1;
	s4 =	sadd.s32 $0x400, s19;
	v1 =	vsel vm10, $0x2080, v1;
	v2 =	vsel vm10, $0x6080, v2  }
0xd: {  	vm12 =	vcmask $0x2F2C;
	s5 =	sadd.s32 $0x1400, s19;
	s6 =	sadd.s32 $0x2400, s19;
	s7 =	sadd.s32 $0x3400, s19;
	v1 =	vsel vm11, $0x2100, v1;
	v2 =	vsel vm11, $0x6100, v2  }
0xe: {  	vm13 =	vcmask $0x3330;
	s8 =	sadd.s32 $0x4400, s19;
	s9 =	sadd.s32 $0x5400, s19;
	s10 =	sadd.s32 $0x6400, s19;
	v1 =	vsel vm12, $0x2180, v1;
	v2 =	vsel vm12, $0x6180, v2  }
0xf: {  	vm14 =	vcmask $0x3734;
	s11 =	sadd.s32 $0x7400, s19;
	s12 =	sadd.s32 $0x8400, s19;
	s13 =	sadd.s32 $0x9400, s19;
	v1 =	vsel vm13, $0x2200, v1;
	v2 =	vsel vm13, $0x6200, v2  }
0x10: {  	vm15 =	vcmask $0x3B38;
	s14 =	sadd.s32 $0xA400, s19;
	s15 =	sadd.s32 $0xB400, s19;
	s16 =	sadd.s32 $0xC400, s19;
	v1 =	vsel vm14, $0x2280, v1;
	v3 =	vsel vm14, $0x6280, v2  }
0x11: {  	s17 =	sadd.s32 $0xD400, s19;
	s18 =	sadd.s32 $0xE400, s19;
	s19 =	sadd.s32 $0xF400, s19;
	v2 =	vimm.f32 $1.000000000e+00;
	v1 =	vsel vm15, $0x2300, v1;
	v3 =	vsel vm15, $0x6300, v3  }
.LBB2_1:
0x12: {  	s28 =	simm.s32 $0x0;
	s29 =	simm.s32 $0x0;
	s30 =	simm.s32 $0x0  }
.LBB2_2:
0x13: {  	s0 =	sand.u32 $0x6000, s30;
	s31 =	sand.u32 $0x380, s29  }
0x14: {  	s31 =	sor.u32 s31, s0  }
0x15: {  	[tilespmem:s31+$0x0] =	vst v0  }
0x16: {  	[tilespmem:s31+$0x10] =	vst v0  }
0x17: {  	[tilespmem:s31+$0x20] =	vst v0  }
0x18: {  	[tilespmem:s31+$0x30] =	vst v0  }
0x19: {  	[tilespmem:s31+$0x40] =	vst v0  }
0x1a: {  	[tilespmem:s31+$0x50] =	vst v0  }
0x1b: {  	[tilespmem:s31+$0x60] =	vst v0  }
0x1c: {  	[tilespmem:s31+$0x70] =	vst v0  }
0x1d: {  	[tilespmem:s31+$0x400] =	vst v0  }
0x1e: {  	[tilespmem:s31+$0x410] =	vst v0  }
0x1f: {  	[tilespmem:s31+$0x420] =	vst v0  }
0x20: {  	[tilespmem:s31+$0x430] =	vst v0  }
0x21: {  	[tilespmem:s31+$0x440] =	vst v0  }
0x22: {  	[tilespmem:s31+$0x450] =	vst v0  }
0x23: {  	[tilespmem:s31+$0x460] =	vst v0  }
0x24: {  	[tilespmem:s31+$0x470] =	vst v0  }
0x25: {  	[tilespmem:s31+$0x800] =	vst v0  }
0x26: {  	[tilespmem:s31+$0x810] =	vst v0  }
0x27: {  	[tilespmem:s31+$0x820] =	vst v0  }
0x28: {  	[tilespmem:s31+$0x830] =	vst v0  }
0x29: {  	[tilespmem:s31+$0x840] =	vst v0  }
0x2a: {  	[tilespmem:s31+$0x850] =	vst v0  }
0x2b: {  	[tilespmem:s31+$0x860] =	vst v0  }
0x2c: {  	[tilespmem:s31+$0x870] =	vst v0  }
0x2d: {  	[tilespmem:s31+$0xC00] =	vst v0  }
0x2e: {  	[tilespmem:s31+$0xC10] =	vst v0  }
0x2f: {  	[tilespmem:s31+$0xC20] =	vst v0  }
0x30: {  	[tilespmem:s31+$0xC30] =	vst v0  }
0x31: {  	[tilespmem:s31+$0xC40] =	vst v0  }
0x32: {  	[tilespmem:s31+$0xC50] =	vst v0  }
0x33: {  	[tilespmem:s31+$0xC60] =	vst v0  }
0x34: {  	[tilespmem:s31+$0xC70] =	vst v0  }
0x35: {  	[tilespmem:s31+$0x1000] =	vst v0  }
0x36: {  	[tilespmem:s31+$0x1010] =	vst v0  }
0x37: {  	[tilespmem:s31+$0x1020] =	vst v0  }
0x38: {  	[tilespmem:s31+$0x1030] =	vst v0  }
0x39: {  	[tilespmem:s31+$0x1040] =	vst v0  }
0x3a: {  	[tilespmem:s31+$0x1050] =	vst v0  }
0x3b: {  	[tilespmem:s31+$0x1060] =	vst v0  }
0x3c: {  	[tilespmem:s31+$0x1070] =	vst v0  }
0x3d: {  	[tilespmem:s31+$0x1400] =	vst v0  }
0x3e: {  	[tilespmem:s31+$0x1410] =	vst v0  }
0x3f: {  	[tilespmem:s31+$0x1420] =	vst v0  }
0x40: {  	[tilespmem:s31+$0x1430] =	vst v0  }
0x41: {  	[tilespmem:s31+$0x1440] =	vst v0  }
0x42: {  	[tilespmem:s31+$0x1450] =	vst v0  }
0x43: {  	[tilespmem:s31+$0x1460] =	vst v0  }
0x44: {  	[tilespmem:s31+$0x1470] =	vst v0  }
0x45: {  	[tilespmem:s31+$0x1800] =	vst v0  }
0x46: {  	[tilespmem:s31+$0x1810] =	vst v0  }
0x47: {  	[tilespmem:s31+$0x1820] =	vst v0  }
0x48: {  	[tilespmem:s31+$0x1830] =	vst v0  }
0x49: {  	s1 =	sand.u32 $0x7, s28;
	[tilespmem:s31+$0x1840] =	vst v0  }
0x4a: {  	s1 =	sshll.u32 s1, $0x7;
	[tilespmem:s31+$0x1850] =	vst v0  }
0x4b: {  	[tilespmem:s31+$0x1860] =	vst v0;
	s1 =	sadd.s32 s1, s30  }
0x4c: {  	[tilespmem:s31+$0x1870] =	vst v0;
	s21 =	sor.u32 $0x1C00, s1  }
0x4d: {  	[tilespmem:s21+$0x0] =	vst v0;
	s21 =	sor.u32 $0x1C10, s1  }
0x4e: {  	[tilespmem:s21+$0x0] =	vst v0;
	s21 =	sor.u32 $0x1C20, s1  }
0x4f: {  	[tilespmem:s21+$0x0] =	vst v0;
	s21 =	sor.u32 $0x1C30, s1  }
0x50: {  	[tilespmem:s21+$0x0] =	vst v0;
	s21 =	sor.u32 $0x1C40, s1  }
0x51: {  	[tilespmem:s21+$0x0] =	vst v0;
	s21 =	sor.u32 $0x1C50, s1  }
0x52: {  	s1 =	sor.u32 $0x1C58, s1;
	[tilespmem:s21+$0x0] =	vst v0  }
0x53: {  	[tilespmem:s1+$0x0] =	vst v0  }
0x54: {  	[tilespmem:s31+$0x8000] =	vst v0  }
0x55: {  	[tilespmem:s31+$0x8010] =	vst v0  }
0x56: {  	[tilespmem:s31+$0x8020] =	vst v0  }
0x57: {  	[tilespmem:s31+$0x8030] =	vst v0  }
0x58: {  	[tilespmem:s31+$0x8040] =	vst v0  }
0x59: {  	[tilespmem:s31+$0x8050] =	vst v0  }
0x5a: {  	[tilespmem:s31+$0x8060] =	vst v0  }
0x5b: {  	[tilespmem:s31+$0x8070] =	vst v0  }
0x5c: {  	[tilespmem:s31+$0x8400] =	vst v0  }
0x5d: {  	[tilespmem:s31+$0x8410] =	vst v0  }
0x5e: {  	[tilespmem:s31+$0x8420] =	vst v0  }
0x5f: {  	[tilespmem:s31+$0x8430] =	vst v0  }
0x60: {  	[tilespmem:s31+$0x8440] =	vst v0  }
0x61: {  	[tilespmem:s31+$0x8450] =	vst v0  }
0x62: {  	[tilespmem:s31+$0x8460] =	vst v0  }
0x63: {  	[tilespmem:s31+$0x8470] =	vst v0  }
0x64: {  	[tilespmem:s31+$0x8800] =	vst v0  }
0x65: {  	[tilespmem:s31+$0x8810] =	vst v0  }
0x66: {  	[tilespmem:s31+$0x8820] =	vst v0  }
0x67: {  	[tilespmem:s31+$0x8830] =	vst v0  }
0x68: {  	[tilespmem:s31+$0x8840] =	vst v0  }
0x69: {  	[tilespmem:s31+$0x8850] =	vst v0  }
0x6a: {  	s0 =	sor.u32 s0, s29;
	[tilespmem:s31+$0x8860] =	vst v0  }
0x6b: {  	s0 =	sor.u32 $0x8C00, s0;
	[tilespmem:s31+$0x8870] =	vst v0  }
0x6c: {  	[tilespmem:s0+$0x0] =	vst v0  }
0x6d: {  	[tilespmem:s0+$0x10] =	vst v0  }
0x6e: {  	[tilespmem:s0+$0x20] =	vst v0  }
0x6f: {  	[tilespmem:s0+$0x30] =	vst v0  }
0x70: {  	[tilespmem:s0+$0x40] =	vst v0  }
0x71: {  	[tilespmem:s0+$0x50] =	vst v0  }
0x72: {  	[tilespmem:s0+$0x60] =	vst v0  }
0x73: {  	[tilespmem:s0+$0x70] =	vst v0  }
0x74: {  	[tilespmem:s31+$0x9000] =	vst v0  }
0x75: {  	[tilespmem:s31+$0x9010] =	vst v0  }
0x76: {  	[tilespmem:s31+$0x9020] =	vst v0  }
0x77: {  	[tilespmem:s31+$0x9030] =	vst v0  }
0x78: {  	[tilespmem:s31+$0x9040] =	vst v0  }
0x79: {  	[tilespmem:s31+$0x9050] =	vst v0  }
0x7a: {  	[tilespmem:s31+$0x9060] =	vst v0  }
0x7b: {  	[tilespmem:s31+$0x9070] =	vst v0  }
0x7c: {  	[tilespmem:s31+$0x9400] =	vst v0  }
0x7d: {  	[tilespmem:s31+$0x9410] =	vst v0  }
0x7e: {  	[tilespmem:s31+$0x9420] =	vst v0  }
0x7f: {  	[tilespmem:s31+$0x9430] =	vst v0  }
0x80: {  	[tilespmem:s31+$0x9440] =	vst v0  }
0x81: {  	[tilespmem:s31+$0x9450] =	vst v0  }
0x82: {  	[tilespmem:s31+$0x9460] =	vst v0  }
0x83: {  	[tilespmem:s31+$0x9470] =	vst v0  }
0x84: {  	[tilespmem:s31+$0x9800] =	vst v0  }
0x85: {  	[tilespmem:s31+$0x9810] =	vst v0  }
0x86: {  	[tilespmem:s31+$0x9820] =	vst v0  }
0x87: {  	[tilespmem:s31+$0x9830] =	vst v0  }
0x88: {  	[tilespmem:s31+$0x9840] =	vst v0  }
0x89: {  	[tilespmem:s31+$0x9850] =	vst v0  }
0x8a: {  	s21 =	sor.u32 s30, s29;
	[tilespmem:s31+$0x9860] =	vst v0  }
0x8b: {  	s0 =	sor.u32 $0x9C00, s21;
	[tilespmem:s31+$0x9870] =	vst v0  }
0x8c: {  	[tilespmem:s0+$0x0] =	vst v0  }
0x8d: {  	p0 =	sne.s32 s30, $0x7C00;
	[tilespmem:s0+$0x10] =	vst v0  }
.Ltmp0:
0x8e: {  	[tilespmem:s0+$0x20] =	vst v0;
	(pc) =	sbr.rel @p0 .LBB2_2-.Ltmp0, $4  }
0x8f: {  	[tilespmem:s0+$0x30] =	vst v0  }
0x90: {  	[tilespmem:s0+$0x40] =	vst v0  }
0x91: {  	[tilespmem:s0+$0x50] =	vst v0  }
0x92: {  	s28 =	sadd.s32 $0x1, s28;
	s29 =	sadd.s32 $0x80, s29;
	s30 =	sadd.s32 $0x400, s30;
	[tilespmem:s0+$0x58] =	vst v0  }
0x93: {  	s0 =	simm.s32 $0x10000  }
0x94: {  	[tilespmem:s0], [sflag:$0x3] =	stream.linear.gather [hbm4b:s3+s2], $0x200, $0x38;
	[tilespmem:$0x10200] =	vst v63  }
0x95: {  	_ =	swait.ge [sflag:s22], $0x200  }
0x96: {  	[sflag:s22] =	ssyncset.done $0x0  }
0x97: {  	[sflag:s22] =	ssyncadd.s32 $0xFFFFFE00  }
0x98: {  	v4 =	vld [tilespmem:$0x10000];
	_ =	sdelay $0x4  }
0x99: {  	v5 =	vshll.u32 v4, $0x3  }
0x9a: {  	v4 =	vand.u32 $0x7F, v4;
	v5 =	vand.u32 $0xFFFFFC00, v5  }
0x9b: {  	v4 =	vor.u32 v4, v5  }
0x9c: {  	v4 =	vadd.s32 v1, v4;
	_ =	sdelay $0x4  }
0x9d: {  	[tilespmem:v4+s2+$0x0] =	vst.idx.msk $0xffff, v2  }
0x9e: {  	v4 =	vld [tilespmem:$0x10010];
	_ =	sdelay $0x4  }
0x9f: {  	v5 =	vshll.u32 v4, $0x3  }
0xa0: {  	v4 =	vand.u32 $0x7F, v4;
	v5 =	vand.u32 $0xFFFFFC00, v5  }
0xa1: {  	v4 =	vor.u32 v4, v5  }
0xa2: {  	v4 =	vadd.s32 v3, v4;
	_ =	sdelay $0x4  }
0xa3: {  	[tilespmem:v4+s2+$0x0] =	vst.idx.msk $0xffff, v2  }
0xa4: {  	[hbm4b:s4+s2] =	stream.linear.scatter [tilespmem:s2], [sflag:$0x1], $0x8000, $0x38;
	[tilespmem:$0x10200] =	vst v63  }
0xa5: {  	v4 =	vld [tilespmem:$0x10020];
	_ =	sdelay $0x4  }
0xa6: {  	v5 =	vshll.u32 v4, $0x3  }
0xa7: {  	v4 =	vand.u32 $0x7F, v4;
	v5 =	vand.u32 $0xFFFFFC00, v5  }
0xa8: {  	v4 =	vor.u32 v4, v5  }
0xa9: {  	v4 =	vadd.s32 v1, v4;
	_ =	sdelay $0x4  }
0xaa: {  	[tilespmem:v4+s23+$0x0] =	vst.idx.msk $0xffff, v2  }
0xab: {  	v4 =	vld [tilespmem:$0x10030];
	_ =	sdelay $0x4  }
0xac: {  	v5 =	vshll.u32 v4, $0x3  }
0xad: {  	v4 =	vand.u32 $0x7F, v4;
	v5 =	vand.u32 $0xFFFFFC00, v5  }
0xae: {  	v4 =	vor.u32 v4, v5  }
0xaf: {  	v4 =	vadd.s32 v3, v4;
	_ =	sdelay $0x4  }
0xb0: {  	[tilespmem:v4+s23+$0x0] =	vst.idx.msk $0xffff, v2  }
0xb1: {  	[hbm4b:s5+s2] =	stream.linear.scatter [tilespmem:s23], [sflag:$0x2], $0x8000, $0x38;
	[tilespmem:$0x10200] =	vst v63  }
0xb2: {  	_ =	swait.ge [sflag:s24], $0x8000  }
0xb3: {  	[sflag:s24] =	ssyncset.done $0x0  }
0xb4: {  	[sflag:s24] =	ssyncadd.s32 $0xFFFF8000  }
0xb5: {  	v4 =	vld [tilespmem:$0x10000];
	_ =	sdelay $0x4  }
0xb6: {  	v5 =	vshll.u32 v4, $0x3  }
0xb7: {  	v4 =	vand.u32 $0x7F, v4;
	v5 =	vand.u32 $0xFFFFFC00, v5  }
0xb8: {  	v4 =	vor.u32 v4, v5  }
0xb9: {  	v4 =	vadd.s32 v1, v4;
	_ =	sdelay $0x4  }
0xba: {  	[tilespmem:v4+s2+$0x0] =	vst.idx.msk $0xffff, v0  }
0xbb: {  	v4 =	vld [tilespmem:$0x10010];
	_ =	sdelay $0x4  }
0xbc: {  	v5 =	vshll.u32 v4, $0x3  }
0xbd: {  	v4 =	vand.u32 $0x7F, v4;
	v5 =	vand.u32 $0xFFFFFC00, v5  }
0xbe: {  	v4 =	vor.u32 v4, v5  }
0xbf: {  	v4 =	vadd.s32 v3, v4;
	_ =	sdelay $0x4  }
0xc0: {  	[tilespmem:v4+s2+$0x0] =	vst.idx.msk $0xffff, v0  }
0xc1: {  	v4 =	vld [tilespmem:$0x10040];
	_ =	sdelay $0x4  }
0xc2: {  	v5 =	vshll.u32 v4, $0x3  }
0xc3: {  	v4 =	vand.u32 $0x7F, v4;
	v5 =	vand.u32 $0xFFFFFC00, v5  }
0xc4: {  	v4 =	vor.u32 v4, v5  }
0xc5: {  	v4 =	vadd.s32 v1, v4;
	_ =	sdelay $0x4  }
0xc6: {  	[tilespmem:v4+s2+$0x0] =	vst.idx.msk $0xffff, v2  }
0xc7: {  	v4 =	vld [tilespmem:$0x10050];
	_ =	sdelay $0x4  }
0xc8: {  	v5 =	vshll.u32 v4, $0x3  }
0xc9: {  	v4 =	vand.u32 $0x7F, v4;
	v5 =	vand.u32 $0xFFFFFC00, v5  }
0xca: {  	v4 =	vor.u32 v4, v5  }
0xcb: {  	v4 =	vadd.s32 v3, v4;
	_ =	sdelay $0x4  }
0xcc: {  	[tilespmem:v4+s2+$0x0] =	vst.idx.msk $0xffff, v2  }
0xcd: {  	[hbm4b:s6+s2] =	stream.linear.scatter [tilespmem:s2], [sflag:$0x1], $0x8000, $0x38;
	[tilespmem:$0x10200] =	vst v63  }
0xce: {  	_ =	swait.ge [sflag:s25], $0x8000  }
0xcf: {  	[sflag:s25] =	ssyncset.done $0x0  }
0xd0: {  	[sflag:s25] =	ssyncadd.s32 $0xFFFF8000  }
0xd1: {  	v4 =	vld [tilespmem:$0x10020];
	_ =	sdelay $0x4  }
0xd2: {  	v5 =	vshll.u32 v4, $0x3  }
0xd3: {  	v4 =	vand.u32 $0x7F, v4;
	v5 =	vand.u32 $0xFFFFFC00, v5  }
0xd4: {  	v4 =	vor.u32 v4, v5  }
0xd5: {  	v4 =	vadd.s32 v1, v4;
	_ =	sdelay $0x4  }
0xd6: {  	[tilespmem:v4+s23+$0x0] =	vst.idx.msk $0xffff, v0  }
0xd7: {  	v4 =	vld [tilespmem:$0x10030];
	_ =	sdelay $0x4  }
0xd8: {  	v5 =	vshll.u32 v4, $0x3  }
0xd9: {  	v4 =	vand.u32 $0x7F, v4;
	v5 =	vand.u32 $0xFFFFFC00, v5  }
0xda: {  	v4 =	vor.u32 v4, v5  }
0xdb: {  	v4 =	vadd.s32 v3, v4;
	_ =	sdelay $0x4  }
0xdc: {  	[tilespmem:v4+s23+$0x0] =	vst.idx.msk $0xffff, v0  }
0xdd: {  	v4 =	vld [tilespmem:$0x10060];
	_ =	sdelay $0x4  }
0xde: {  	v5 =	vshll.u32 v4, $0x3  }
0xdf: {  	v4 =	vand.u32 $0x7F, v4;
	v5 =	vand.u32 $0xFFFFFC00, v5  }
0xe0: {  	v4 =	vor.u32 v4, v5  }
0xe1: {  	v4 =	vadd.s32 v1, v4;
	_ =	sdelay $0x4  }
0xe2: {  	[tilespmem:v4+s23+$0x0] =	vst.idx.msk $0xffff, v2  }
0xe3: {  	v4 =	vld [tilespmem:$0x10070];
	_ =	sdelay $0x4  }
0xe4: {  	v5 =	vshll.u32 v4, $0x3  }
0xe5: {  	v4 =	vand.u32 $0x7F, v4;
	v5 =	vand.u32 $0xFFFFFC00, v5  }
0xe6: {  	v4 =	vor.u32 v4, v5  }
0xe7: {  	v4 =	vadd.s32 v3, v4;
	_ =	sdelay $0x4  }
0xe8: {  	[tilespmem:v4+s23+$0x0] =	vst.idx.msk $0xffff, v2  }
0xe9: {  	[hbm4b:s7+s2] =	stream.linear.scatter [tilespmem:s23], [sflag:$0x2], $0x8000, $0x38;
	[tilespmem:$0x10200] =	vst v63  }
0xea: {  	_ =	swait.ge [sflag:s24], $0x8000  }
0xeb: {  	[sflag:s24] =	ssyncset.done $0x0  }
0xec: {  	[sflag:s24] =	ssyncadd.s32 $0xFFFF8000  }
0xed: {  	v4 =	vld [tilespmem:$0x10040];
	_ =	sdelay $0x4  }
0xee: {  	v5 =	vshll.u32 v4, $0x3  }
0xef: {  	v4 =	vand.u32 $0x7F, v4;
	v5 =	vand.u32 $0xFFFFFC00, v5  }
0xf0: {  	v4 =	vor.u32 v4, v5  }
0xf1: {  	v4 =	vadd.s32 v1, v4;
	_ =	sdelay $0x4  }
0xf2: {  	[tilespmem:v4+s2+$0x0] =	vst.idx.msk $0xffff, v0  }
0xf3: {  	v4 =	vld [tilespmem:$0x10050];
	_ =	sdelay $0x4  }
0xf4: {  	v5 =	vshll.u32 v4, $0x3  }
0xf5: {  	v4 =	vand.u32 $0x7F, v4;
	v5 =	vand.u32 $0xFFFFFC00, v5  }
0xf6: {  	v4 =	vor.u32 v4, v5  }
0xf7: {  	v4 =	vadd.s32 v3, v4;
	_ =	sdelay $0x4  }
0xf8: {  	[tilespmem:v4+s2+$0x0] =	vst.idx.msk $0xffff, v0  }
0xf9: {  	v4 =	vld [tilespmem:$0x10080];
	_ =	sdelay $0x4  }
0xfa: {  	v5 =	vshll.u32 v4, $0x3  }
0xfb: {  	v4 =	vand.u32 $0x7F, v4;
	v5 =	vand.u32 $0xFFFFFC00, v5  }
0xfc: {  	v4 =	vor.u32 v4, v5  }
0xfd: {  	v4 =	vadd.s32 v1, v4;
	_ =	sdelay $0x4  }
0xfe: {  	[tilespmem:v4+s2+$0x0] =	vst.idx.msk $0xffff, v2  }
0xff: {  	v4 =	vld [tilespmem:$0x10090];
	_ =	sdelay $0x4  }
0x100: {  	v5 =	vshll.u32 v4, $0x3  }
0x101: {  	v4 =	vand.u32 $0x7F, v4;
	v5 =	vand.u32 $0xFFFFFC00, v5  }
0x102: {  	v4 =	vor.u32 v4, v5  }
0x103: {  	v4 =	vadd.s32 v3, v4;
	_ =	sdelay $0x4  }
0x104: {  	[tilespmem:v4+s2+$0x0] =	vst.idx.msk $0xffff, v2  }
0x105: {  	[hbm4b:s8+s2] =	stream.linear.scatter [tilespmem:s2], [sflag:$0x1], $0x8000, $0x38;
	[tilespmem:$0x10200] =	vst v63  }
0x106: {  	_ =	swait.ge [sflag:s25], $0x8000  }
0x107: {  	[sflag:s25] =	ssyncset.done $0x0  }
0x108: {  	[sflag:s25] =	ssyncadd.s32 $0xFFFF8000  }
0x109: {  	v4 =	vld [tilespmem:$0x10060];
	_ =	sdelay $0x4  }
0x10a: {  	v5 =	vshll.u32 v4, $0x3  }
0x10b: {  	v4 =	vand.u32 $0x7F, v4;
	v5 =	vand.u32 $0xFFFFFC00, v5  }
0x10c: {  	v4 =	vor.u32 v4, v5  }
0x10d: {  	v4 =	vadd.s32 v1, v4;
	_ =	sdelay $0x4  }
0x10e: {  	[tilespmem:v4+s23+$0x0] =	vst.idx.msk $0xffff, v0  }
0x10f: {  	v4 =	vld [tilespmem:$0x10070];
	_ =	sdelay $0x4  }
0x110: {  	v5 =	vshll.u32 v4, $0x3  }
0x111: {  	v4 =	vand.u32 $0x7F, v4;
	v5 =	vand.u32 $0xFFFFFC00, v5  }
0x112: {  	v4 =	vor.u32 v4, v5  }
0x113: {  	v4 =	vadd.s32 v3, v4;
	_ =	sdelay $0x4  }
0x114: {  	[tilespmem:v4+s23+$0x0] =	vst.idx.msk $0xffff, v0  }
0x115: {  	v4 =	vld [tilespmem:$0x100A0];
	_ =	sdelay $0x4  }
0x116: {  	v5 =	vshll.u32 v4, $0x3  }
0x117: {  	v4 =	vand.u32 $0x7F, v4;
	v5 =	vand.u32 $0xFFFFFC00, v5  }
0x118: {  	v4 =	vor.u32 v4, v5  }
0x119: {  	v4 =	vadd.s32 v1, v4;
	_ =	sdelay $0x4  }
0x11a: {  	[tilespmem:v4+s23+$0x0] =	vst.idx.msk $0xffff, v2  }
0x11b: {  	v4 =	vld [tilespmem:$0x100B0];
	_ =	sdelay $0x4  }
0x11c: {  	v5 =	vshll.u32 v4, $0x3  }
0x11d: {  	v4 =	vand.u32 $0x7F, v4;
	v5 =	vand.u32 $0xFFFFFC00, v5  }
0x11e: {  	v4 =	vor.u32 v4, v5  }
0x11f: {  	v4 =	vadd.s32 v3, v4;
	_ =	sdelay $0x4  }
0x120: {  	[tilespmem:v4+s23+$0x0] =	vst.idx.msk $0xffff, v2  }
0x121: {  	[hbm4b:s9+s2] =	stream.linear.scatter [tilespmem:s23], [sflag:$0x2], $0x8000, $0x38;
	[tilespmem:$0x10200] =	vst v63  }
0x122: {  	_ =	swait.ge [sflag:s24], $0x8000  }
0x123: {  	[sflag:s24] =	ssyncset.done $0x0  }
0x124: {  	[sflag:s24] =	ssyncadd.s32 $0xFFFF8000  }
0x125: {  	v4 =	vld [tilespmem:$0x10080];
	_ =	sdelay $0x4  }
0x126: {  	v5 =	vshll.u32 v4, $0x3  }
0x127: {  	v4 =	vand.u32 $0x7F, v4;
	v5 =	vand.u32 $0xFFFFFC00, v5  }
0x128: {  	v4 =	vor.u32 v4, v5  }
0x129: {  	v4 =	vadd.s32 v1, v4;
	_ =	sdelay $0x4  }
0x12a: {  	[tilespmem:v4+s2+$0x0] =	vst.idx.msk $0xffff, v0  }
0x12b: {  	v4 =	vld [tilespmem:$0x10090];
	_ =	sdelay $0x4  }
0x12c: {  	v5 =	vshll.u32 v4, $0x3  }
0x12d: {  	v4 =	vand.u32 $0x7F, v4;
	v5 =	vand.u32 $0xFFFFFC00, v5  }
0x12e: {  	v4 =	vor.u32 v4, v5  }
0x12f: {  	v4 =	vadd.s32 v3, v4;
	_ =	sdelay $0x4  }
0x130: {  	[tilespmem:v4+s2+$0x0] =	vst.idx.msk $0xffff, v0  }
0x131: {  	v4 =	vld [tilespmem:$0x100C0];
	_ =	sdelay $0x4  }
0x132: {  	v5 =	vshll.u32 v4, $0x3  }
0x133: {  	v4 =	vand.u32 $0x7F, v4;
	v5 =	vand.u32 $0xFFFFFC00, v5  }
0x134: {  	v4 =	vor.u32 v4, v5  }
0x135: {  	v4 =	vadd.s32 v1, v4;
	_ =	sdelay $0x4  }
0x136: {  	[tilespmem:v4+s2+$0x0] =	vst.idx.msk $0xffff, v2  }
0x137: {  	v4 =	vld [tilespmem:$0x100D0];
	_ =	sdelay $0x4  }
0x138: {  	v5 =	vshll.u32 v4, $0x3  }
0x139: {  	v4 =	vand.u32 $0x7F, v4;
	v5 =	vand.u32 $0xFFFFFC00, v5  }
0x13a: {  	v4 =	vor.u32 v4, v5  }
0x13b: {  	v4 =	vadd.s32 v3, v4;
	_ =	sdelay $0x4  }
0x13c: {  	[tilespmem:v4+s2+$0x0] =	vst.idx.msk $0xffff, v2  }
0x13d: {  	[hbm4b:s10+s2] =	stream.linear.scatter [tilespmem:s2], [sflag:$0x1], $0x8000, $0x38;
	[tilespmem:$0x10200] =	vst v63  }
0x13e: {  	_ =	swait.ge [sflag:s25], $0x8000  }
0x13f: {  	[sflag:s25] =	ssyncset.done $0x0  }
0x140: {  	[sflag:s25] =	ssyncadd.s32 $0xFFFF8000  }
0x141: {  	v4 =	vld [tilespmem:$0x100A0];
	_ =	sdelay $0x4  }
0x142: {  	v5 =	vshll.u32 v4, $0x3  }
0x143: {  	v4 =	vand.u32 $0x7F, v4;
	v5 =	vand.u32 $0xFFFFFC00, v5  }
0x144: {  	v4 =	vor.u32 v4, v5  }
0x145: {  	v4 =	vadd.s32 v1, v4;
	_ =	sdelay $0x4  }
0x146: {  	[tilespmem:v4+s23+$0x0] =	vst.idx.msk $0xffff, v0  }
0x147: {  	v4 =	vld [tilespmem:$0x100B0];
	_ =	sdelay $0x4  }
0x148: {  	v5 =	vshll.u32 v4, $0x3  }
0x149: {  	v4 =	vand.u32 $0x7F, v4;
	v5 =	vand.u32 $0xFFFFFC00, v5  }
0x14a: {  	v4 =	vor.u32 v4, v5  }
0x14b: {  	v4 =	vadd.s32 v3, v4;
	_ =	sdelay $0x4  }
0x14c: {  	[tilespmem:v4+s23+$0x0] =	vst.idx.msk $0xffff, v0  }
0x14d: {  	v4 =	vld [tilespmem:$0x100E0];
	_ =	sdelay $0x4  }
0x14e: {  	v5 =	vshll.u32 v4, $0x3  }
0x14f: {  	v4 =	vand.u32 $0x7F, v4;
	v5 =	vand.u32 $0xFFFFFC00, v5  }
0x150: {  	v4 =	vor.u32 v4, v5  }
0x151: {  	v4 =	vadd.s32 v1, v4;
	_ =	sdelay $0x4  }
0x152: {  	[tilespmem:v4+s23+$0x0] =	vst.idx.msk $0xffff, v2  }
0x153: {  	v4 =	vld [tilespmem:$0x100F0];
	_ =	sdelay $0x4  }
0x154: {  	v5 =	vshll.u32 v4, $0x3  }
0x155: {  	v4 =	vand.u32 $0x7F, v4;
	v5 =	vand.u32 $0xFFFFFC00, v5  }
0x156: {  	v4 =	vor.u32 v4, v5  }
0x157: {  	v4 =	vadd.s32 v3, v4;
	_ =	sdelay $0x4  }
0x158: {  	[tilespmem:v4+s23+$0x0] =	vst.idx.msk $0xffff, v2  }
0x159: {  	[hbm4b:s11+s2] =	stream.linear.scatter [tilespmem:s23], [sflag:$0x2], $0x8000, $0x38;
	[tilespmem:$0x10200] =	vst v63  }
0x15a: {  	_ =	swait.ge [sflag:s24], $0x8000  }
0x15b: {  	[sflag:s24] =	ssyncset.done $0x0  }
0x15c: {  	[sflag:s24] =	ssyncadd.s32 $0xFFFF8000  }
0x15d: {  	v4 =	vld [tilespmem:$0x100C0];
	_ =	sdelay $0x4  }
0x15e: {  	v5 =	vshll.u32 v4, $0x3  }
0x15f: {  	v4 =	vand.u32 $0x7F, v4;
	v5 =	vand.u32 $0xFFFFFC00, v5  }
0x160: {  	v4 =	vor.u32 v4, v5  }
0x161: {  	v4 =	vadd.s32 v1, v4;
	_ =	sdelay $0x4  }
0x162: {  	[tilespmem:v4+s2+$0x0] =	vst.idx.msk $0xffff, v0  }
0x163: {  	v4 =	vld [tilespmem:$0x100D0];
	_ =	sdelay $0x4  }
0x164: {  	v5 =	vshll.u32 v4, $0x3  }
0x165: {  	v4 =	vand.u32 $0x7F, v4;
	v5 =	vand.u32 $0xFFFFFC00, v5  }
0x166: {  	v4 =	vor.u32 v4, v5  }
0x167: {  	v4 =	vadd.s32 v3, v4;
	_ =	sdelay $0x4  }
0x168: {  	[tilespmem:v4+s2+$0x0] =	vst.idx.msk $0xffff, v0  }
0x169: {  	v4 =	vld [tilespmem:$0x10100];
	_ =	sdelay $0x4  }
0x16a: {  	v5 =	vshll.u32 v4, $0x3  }
0x16b: {  	v4 =	vand.u32 $0x7F, v4;
	v5 =	vand.u32 $0xFFFFFC00, v5  }
0x16c: {  	v4 =	vor.u32 v4, v5  }
0x16d: {  	v4 =	vadd.s32 v1, v4;
	_ =	sdelay $0x4  }
0x16e: {  	[tilespmem:v4+s2+$0x0] =	vst.idx.msk $0xffff, v2  }
0x16f: {  	v4 =	vld [tilespmem:$0x10110];
	_ =	sdelay $0x4  }
0x170: {  	v5 =	vshll.u32 v4, $0x3  }
0x171: {  	v4 =	vand.u32 $0x7F, v4;
	v5 =	vand.u32 $0xFFFFFC00, v5  }
0x172: {  	v4 =	vor.u32 v4, v5  }
0x173: {  	v4 =	vadd.s32 v3, v4;
	_ =	sdelay $0x4  }
0x174: {  	[tilespmem:v4+s2+$0x0] =	vst.idx.msk $0xffff, v2  }
0x175: {  	[hbm4b:s12+s2] =	stream.linear.scatter [tilespmem:s2], [sflag:$0x1], $0x8000, $0x38;
	[tilespmem:$0x10200] =	vst v63  }
0x176: {  	_ =	swait.ge [sflag:s25], $0x8000  }
0x177: {  	[sflag:s25] =	ssyncset.done $0x0  }
0x178: {  	[sflag:s25] =	ssyncadd.s32 $0xFFFF8000  }
0x179: {  	v4 =	vld [tilespmem:$0x100E0];
	_ =	sdelay $0x4  }
0x17a: {  	v5 =	vshll.u32 v4, $0x3  }
0x17b: {  	v4 =	vand.u32 $0x7F, v4;
	v5 =	vand.u32 $0xFFFFFC00, v5  }
0x17c: {  	v4 =	vor.u32 v4, v5  }
0x17d: {  	v4 =	vadd.s32 v1, v4;
	_ =	sdelay $0x4  }
0x17e: {  	[tilespmem:v4+s23+$0x0] =	vst.idx.msk $0xffff, v0  }
0x17f: {  	v4 =	vld [tilespmem:$0x100F0];
	_ =	sdelay $0x4  }
0x180: {  	v5 =	vshll.u32 v4, $0x3  }
0x181: {  	v4 =	vand.u32 $0x7F, v4;
	v5 =	vand.u32 $0xFFFFFC00, v5  }
0x182: {  	v4 =	vor.u32 v4, v5  }
0x183: {  	v4 =	vadd.s32 v3, v4;
	_ =	sdelay $0x4  }
0x184: {  	[tilespmem:v4+s23+$0x0] =	vst.idx.msk $0xffff, v0  }
0x185: {  	v4 =	vld [tilespmem:$0x10120];
	_ =	sdelay $0x4  }
0x186: {  	v5 =	vshll.u32 v4, $0x3  }
0x187: {  	v4 =	vand.u32 $0x7F, v4;
	v5 =	vand.u32 $0xFFFFFC00, v5  }
0x188: {  	v4 =	vor.u32 v4, v5  }
0x189: {  	v4 =	vadd.s32 v1, v4;
	_ =	sdelay $0x4  }
0x18a: {  	[tilespmem:v4+s23+$0x0] =	vst.idx.msk $0xffff, v2  }
0x18b: {  	v4 =	vld [tilespmem:$0x10130];
	_ =	sdelay $0x4  }
0x18c: {  	v5 =	vshll.u32 v4, $0x3  }
0x18d: {  	v4 =	vand.u32 $0x7F, v4;
	v5 =	vand.u32 $0xFFFFFC00, v5  }
0x18e: {  	v4 =	vor.u32 v4, v5  }
0x18f: {  	v4 =	vadd.s32 v3, v4;
	_ =	sdelay $0x4  }
0x190: {  	[tilespmem:v4+s23+$0x0] =	vst.idx.msk $0xffff, v2  }
0x191: {  	[hbm4b:s13+s2] =	stream.linear.scatter [tilespmem:s23], [sflag:$0x2], $0x8000, $0x38;
	[tilespmem:$0x10200] =	vst v63  }
0x192: {  	_ =	swait.ge [sflag:s24], $0x8000  }
0x193: {  	[sflag:s24] =	ssyncset.done $0x0  }
0x194: {  	[sflag:s24] =	ssyncadd.s32 $0xFFFF8000  }
0x195: {  	v4 =	vld [tilespmem:$0x10100];
	_ =	sdelay $0x4  }
0x196: {  	v5 =	vshll.u32 v4, $0x3  }
0x197: {  	v4 =	vand.u32 $0x7F, v4;
	v5 =	vand.u32 $0xFFFFFC00, v5  }
0x198: {  	v4 =	vor.u32 v4, v5  }
0x199: {  	v4 =	vadd.s32 v1, v4;
	_ =	sdelay $0x4  }
0x19a: {  	[tilespmem:v4+s2+$0x0] =	vst.idx.msk $0xffff, v0  }
0x19b: {  	v4 =	vld [tilespmem:$0x10110];
	_ =	sdelay $0x4  }
0x19c: {  	v5 =	vshll.u32 v4, $0x3  }
0x19d: {  	v4 =	vand.u32 $0x7F, v4;
	v5 =	vand.u32 $0xFFFFFC00, v5  }
0x19e: {  	v4 =	vor.u32 v4, v5  }
0x19f: {  	v4 =	vadd.s32 v3, v4;
	_ =	sdelay $0x4  }
0x1a0: {  	[tilespmem:v4+s2+$0x0] =	vst.idx.msk $0xffff, v0  }
0x1a1: {  	v4 =	vld [tilespmem:$0x10140];
	_ =	sdelay $0x4  }
0x1a2: {  	v5 =	vshll.u32 v4, $0x3  }
0x1a3: {  	v4 =	vand.u32 $0x7F, v4;
	v5 =	vand.u32 $0xFFFFFC00, v5  }
0x1a4: {  	v4 =	vor.u32 v4, v5  }
0x1a5: {  	v4 =	vadd.s32 v1, v4;
	_ =	sdelay $0x4  }
0x1a6: {  	[tilespmem:v4+s2+$0x0] =	vst.idx.msk $0xffff, v2  }
0x1a7: {  	v4 =	vld [tilespmem:$0x10150];
	_ =	sdelay $0x4  }
0x1a8: {  	v5 =	vshll.u32 v4, $0x3  }
0x1a9: {  	v4 =	vand.u32 $0x7F, v4;
	v5 =	vand.u32 $0xFFFFFC00, v5  }
0x1aa: {  	v4 =	vor.u32 v4, v5  }
0x1ab: {  	v4 =	vadd.s32 v3, v4;
	_ =	sdelay $0x4  }
0x1ac: {  	[tilespmem:v4+s2+$0x0] =	vst.idx.msk $0xffff, v2  }
0x1ad: {  	[hbm4b:s14+s2] =	stream.linear.scatter [tilespmem:s2], [sflag:$0x1], $0x8000, $0x38;
	[tilespmem:$0x10200] =	vst v63  }
0x1ae: {  	_ =	swait.ge [sflag:s25], $0x8000  }
0x1af: {  	[sflag:s25] =	ssyncset.done $0x0  }
0x1b0: {  	[sflag:s25] =	ssyncadd.s32 $0xFFFF8000  }
0x1b1: {  	v4 =	vld [tilespmem:$0x10120];
	_ =	sdelay $0x4  }
0x1b2: {  	v5 =	vshll.u32 v4, $0x3  }
0x1b3: {  	v4 =	vand.u32 $0x7F, v4;
	v5 =	vand.u32 $0xFFFFFC00, v5  }
0x1b4: {  	v4 =	vor.u32 v4, v5  }
0x1b5: {  	v4 =	vadd.s32 v1, v4;
	_ =	sdelay $0x4  }
0x1b6: {  	[tilespmem:v4+s23+$0x0] =	vst.idx.msk $0xffff, v0  }
0x1b7: {  	v4 =	vld [tilespmem:$0x10130];
	_ =	sdelay $0x4  }
0x1b8: {  	v5 =	vshll.u32 v4, $0x3  }
0x1b9: {  	v4 =	vand.u32 $0x7F, v4;
	v5 =	vand.u32 $0xFFFFFC00, v5  }
0x1ba: {  	v4 =	vor.u32 v4, v5  }
0x1bb: {  	v4 =	vadd.s32 v3, v4;
	_ =	sdelay $0x4  }
0x1bc: {  	[tilespmem:v4+s23+$0x0] =	vst.idx.msk $0xffff, v0  }
0x1bd: {  	v4 =	vld [tilespmem:$0x10160];
	_ =	sdelay $0x4  }
0x1be: {  	v5 =	vshll.u32 v4, $0x3  }
0x1bf: {  	v4 =	vand.u32 $0x7F, v4;
	v5 =	vand.u32 $0xFFFFFC00, v5  }
0x1c0: {  	v4 =	vor.u32 v4, v5  }
0x1c1: {  	v4 =	vadd.s32 v1, v4;
	_ =	sdelay $0x4  }
0x1c2: {  	[tilespmem:v4+s23+$0x0] =	vst.idx.msk $0xffff, v2  }
0x1c3: {  	v4 =	vld [tilespmem:$0x10170];
	_ =	sdelay $0x4  }
0x1c4: {  	v5 =	vshll.u32 v4, $0x3  }
0x1c5: {  	v4 =	vand.u32 $0x7F, v4;
	v5 =	vand.u32 $0xFFFFFC00, v5  }
0x1c6: {  	v4 =	vor.u32 v4, v5  }
0x1c7: {  	v4 =	vadd.s32 v3, v4;
	_ =	sdelay $0x4  }
0x1c8: {  	[tilespmem:v4+s23+$0x0] =	vst.idx.msk $0xffff, v2  }
0x1c9: {  	[hbm4b:s15+s2] =	stream.linear.scatter [tilespmem:s23], [sflag:$0x2], $0x8000, $0x38;
	[tilespmem:$0x10200] =	vst v63  }
0x1ca: {  	_ =	swait.ge [sflag:s24], $0x8000  }
0x1cb: {  	[sflag:s24] =	ssyncset.done $0x0  }
0x1cc: {  	[sflag:s24] =	ssyncadd.s32 $0xFFFF8000  }
0x1cd: {  	v4 =	vld [tilespmem:$0x10140];
	_ =	sdelay $0x4  }
0x1ce: {  	v5 =	vshll.u32 v4, $0x3  }
0x1cf: {  	v4 =	vand.u32 $0x7F, v4;
	v5 =	vand.u32 $0xFFFFFC00, v5  }
0x1d0: {  	v4 =	vor.u32 v4, v5  }
0x1d1: {  	v4 =	vadd.s32 v1, v4;
	_ =	sdelay $0x4  }
0x1d2: {  	[tilespmem:v4+s2+$0x0] =	vst.idx.msk $0xffff, v0  }
0x1d3: {  	v4 =	vld [tilespmem:$0x10150];
	_ =	sdelay $0x4  }
0x1d4: {  	v5 =	vshll.u32 v4, $0x3  }
0x1d5: {  	v4 =	vand.u32 $0x7F, v4;
	v5 =	vand.u32 $0xFFFFFC00, v5  }
0x1d6: {  	v4 =	vor.u32 v4, v5  }
0x1d7: {  	v4 =	vadd.s32 v3, v4;
	_ =	sdelay $0x4  }
0x1d8: {  	[tilespmem:v4+s2+$0x0] =	vst.idx.msk $0xffff, v0  }
0x1d9: {  	v4 =	vld [tilespmem:$0x10180];
	_ =	sdelay $0x4  }
0x1da: {  	v5 =	vshll.u32 v4, $0x3  }
0x1db: {  	v4 =	vand.u32 $0x7F, v4;
	v5 =	vand.u32 $0xFFFFFC00, v5  }
0x1dc: {  	v4 =	vor.u32 v4, v5  }
0x1dd: {  	v4 =	vadd.s32 v1, v4;
	_ =	sdelay $0x4  }
0x1de: {  	[tilespmem:v4+s2+$0x0] =	vst.idx.msk $0xffff, v2  }
0x1df: {  	v4 =	vld [tilespmem:$0x10190];
	_ =	sdelay $0x4  }
0x1e0: {  	v5 =	vshll.u32 v4, $0x3  }
0x1e1: {  	v4 =	vand.u32 $0x7F, v4;
	v5 =	vand.u32 $0xFFFFFC00, v5  }
0x1e2: {  	v4 =	vor.u32 v4, v5  }
0x1e3: {  	v4 =	vadd.s32 v3, v4;
	_ =	sdelay $0x4  }
0x1e4: {  	[tilespmem:v4+s2+$0x0] =	vst.idx.msk $0xffff, v2  }
0x1e5: {  	[hbm4b:s16+s2] =	stream.linear.scatter [tilespmem:s2], [sflag:$0x1], $0x8000, $0x38;
	[tilespmem:$0x10200] =	vst v63  }
0x1e6: {  	_ =	swait.ge [sflag:s25], $0x8000  }
0x1e7: {  	[sflag:s25] =	ssyncset.done $0x0  }
0x1e8: {  	[sflag:s25] =	ssyncadd.s32 $0xFFFF8000  }
0x1e9: {  	v4 =	vld [tilespmem:$0x10160];
	_ =	sdelay $0x4  }
0x1ea: {  	v5 =	vshll.u32 v4, $0x3  }
0x1eb: {  	v4 =	vand.u32 $0x7F, v4;
	v5 =	vand.u32 $0xFFFFFC00, v5  }
0x1ec: {  	v4 =	vor.u32 v4, v5  }
0x1ed: {  	v4 =	vadd.s32 v1, v4;
	_ =	sdelay $0x4  }
0x1ee: {  	[tilespmem:v4+s23+$0x0] =	vst.idx.msk $0xffff, v0  }
0x1ef: {  	v4 =	vld [tilespmem:$0x10170];
	_ =	sdelay $0x4  }
0x1f0: {  	v5 =	vshll.u32 v4, $0x3  }
0x1f1: {  	v4 =	vand.u32 $0x7F, v4;
	v5 =	vand.u32 $0xFFFFFC00, v5  }
0x1f2: {  	v4 =	vor.u32 v4, v5  }
0x1f3: {  	v4 =	vadd.s32 v3, v4;
	_ =	sdelay $0x4  }
0x1f4: {  	[tilespmem:v4+s23+$0x0] =	vst.idx.msk $0xffff, v0  }
0x1f5: {  	v4 =	vld [tilespmem:$0x101A0];
	_ =	sdelay $0x4  }
0x1f6: {  	v5 =	vshll.u32 v4, $0x3  }
0x1f7: {  	v4 =	vand.u32 $0x7F, v4;
	v5 =	vand.u32 $0xFFFFFC00, v5  }
0x1f8: {  	v4 =	vor.u32 v4, v5  }
0x1f9: {  	v4 =	vadd.s32 v1, v4;
	_ =	sdelay $0x4  }
0x1fa: {  	[tilespmem:v4+s23+$0x0] =	vst.idx.msk $0xffff, v2  }
0x1fb: {  	v4 =	vld [tilespmem:$0x101B0];
	_ =	sdelay $0x4  }
0x1fc: {  	v5 =	vshll.u32 v4, $0x3  }
0x1fd: {  	v4 =	vand.u32 $0x7F, v4;
	v5 =	vand.u32 $0xFFFFFC00, v5  }
0x1fe: {  	v4 =	vor.u32 v4, v5  }
0x1ff: {  	v4 =	vadd.s32 v3, v4;
	_ =	sdelay $0x4  }
0x200: {  	[tilespmem:v4+s23+$0x0] =	vst.idx.msk $0xffff, v2  }
0x201: {  	[hbm4b:s17+s2] =	stream.linear.scatter [tilespmem:s23], [sflag:$0x2], $0x8000, $0x38;
	[tilespmem:$0x10200] =	vst v63  }
0x202: {  	_ =	swait.ge [sflag:s24], $0x8000  }
0x203: {  	[sflag:s24] =	ssyncset.done $0x0  }
0x204: {  	[sflag:s24] =	ssyncadd.s32 $0xFFFF8000  }
0x205: {  	v4 =	vld [tilespmem:$0x10180];
	_ =	sdelay $0x4  }
0x206: {  	v5 =	vshll.u32 v4, $0x3  }
0x207: {  	v4 =	vand.u32 $0x7F, v4;
	v5 =	vand.u32 $0xFFFFFC00, v5  }
0x208: {  	v4 =	vor.u32 v4, v5  }
0x209: {  	v4 =	vadd.s32 v1, v4;
	_ =	sdelay $0x4  }
0x20a: {  	[tilespmem:v4+s2+$0x0] =	vst.idx.msk $0xffff, v0  }
0x20b: {  	v4 =	vld [tilespmem:$0x10190];
	_ =	sdelay $0x4  }
0x20c: {  	v5 =	vshll.u32 v4, $0x3  }
0x20d: {  	v4 =	vand.u32 $0x7F, v4;
	v5 =	vand.u32 $0xFFFFFC00, v5  }
0x20e: {  	v4 =	vor.u32 v4, v5  }
0x20f: {  	v4 =	vadd.s32 v3, v4;
	_ =	sdelay $0x4  }
0x210: {  	[tilespmem:v4+s2+$0x0] =	vst.idx.msk $0xffff, v0  }
0x211: {  	v4 =	vld [tilespmem:$0x101C0];
	_ =	sdelay $0x4  }
0x212: {  	v5 =	vshll.u32 v4, $0x3  }
0x213: {  	v4 =	vand.u32 $0x7F, v4;
	v5 =	vand.u32 $0xFFFFFC00, v5  }
0x214: {  	v4 =	vor.u32 v4, v5  }
0x215: {  	v4 =	vadd.s32 v1, v4;
	_ =	sdelay $0x4  }
0x216: {  	[tilespmem:v4+s2+$0x0] =	vst.idx.msk $0xffff, v2  }
0x217: {  	v4 =	vld [tilespmem:$0x101D0];
	_ =	sdelay $0x4  }
0x218: {  	v5 =	vshll.u32 v4, $0x3  }
0x219: {  	v4 =	vand.u32 $0x7F, v4;
	v5 =	vand.u32 $0xFFFFFC00, v5  }
0x21a: {  	v4 =	vor.u32 v4, v5  }
0x21b: {  	v4 =	vadd.s32 v3, v4;
	_ =	sdelay $0x4  }
0x21c: {  	[tilespmem:v4+s2+$0x0] =	vst.idx.msk $0xffff, v2  }
0x21d: {  	[hbm4b:s18+s2] =	stream.linear.scatter [tilespmem:s2], [sflag:$0x1], $0x8000, $0x38;
	[tilespmem:$0x10200] =	vst v63  }
0x21e: {  	_ =	swait.ge [sflag:s25], $0x8000  }
0x21f: {  	[sflag:s25] =	ssyncset.done $0x0  }
0x220: {  	[sflag:s25] =	ssyncadd.s32 $0xFFFF8000  }
0x221: {  	v4 =	vld [tilespmem:$0x101A0];
	_ =	sdelay $0x4  }
0x222: {  	v5 =	vshll.u32 v4, $0x3  }
0x223: {  	v4 =	vand.u32 $0x7F, v4;
	v5 =	vand.u32 $0xFFFFFC00, v5  }
0x224: {  	v4 =	vor.u32 v4, v5  }
0x225: {  	v4 =	vadd.s32 v1, v4;
	_ =	sdelay $0x4  }
0x226: {  	[tilespmem:v4+s23+$0x0] =	vst.idx.msk $0xffff, v0  }
0x227: {  	v4 =	vld [tilespmem:$0x101B0];
	_ =	sdelay $0x4  }
0x228: {  	v5 =	vshll.u32 v4, $0x3  }
0x229: {  	v4 =	vand.u32 $0x7F, v4;
	v5 =	vand.u32 $0xFFFFFC00, v5  }
0x22a: {  	v4 =	vor.u32 v4, v5  }
0x22b: {  	v4 =	vadd.s32 v3, v4;
	_ =	sdelay $0x4  }
0x22c: {  	[tilespmem:v4+s23+$0x0] =	vst.idx.msk $0xffff, v0  }
0x22d: {  	v4 =	vld [tilespmem:$0x101E0];
	_ =	sdelay $0x4  }
0x22e: {  	v5 =	vshll.u32 v4, $0x3  }
0x22f: {  	v4 =	vand.u32 $0x7F, v4;
	v5 =	vand.u32 $0xFFFFFC00, v5  }
0x230: {  	v4 =	vor.u32 v4, v5  }
0x231: {  	v4 =	vadd.s32 v1, v4;
	_ =	sdelay $0x4  }
0x232: {  	[tilespmem:v4+s23+$0x0] =	vst.idx.msk $0xffff, v2  }
0x233: {  	v4 =	vld [tilespmem:$0x101F0];
	_ =	sdelay $0x4  }
0x234: {  	v5 =	vshll.u32 v4, $0x3  }
0x235: {  	v4 =	vand.u32 $0x7F, v4;
	v5 =	vand.u32 $0xFFFFFC00, v5  }
0x236: {  	v4 =	vor.u32 v4, v5  }
0x237: {  	v4 =	vadd.s32 v3, v4;
	_ =	sdelay $0x4  }
0x238: {  	s26 =	sadd.s32 $0x1, s26;
	[tilespmem:v4+s23+$0x0] =	vst.idx.msk $0xffff, v2  }
0x239: {  	[hbm4b:s19+s2] =	stream.linear.scatter [tilespmem:s23], [sflag:$0x2], $0x8000, $0x38;
	[tilespmem:$0x10200] =	vst v63  }
0x23a: {  	p0 =	sne.s32 s26, s20;
	_ =	swait.ge [sflag:s24], $0x8000  }
.Ltmp1:
0x23b: {  	[sflag:s24] =	ssyncset.done $0x0;
	(pc) =	sbr.rel @p0 .LBB2_1-.Ltmp1, $4  }
0x23c: {  	[sflag:s24] =	ssyncadd.s32 $0xFFFF8000  }
0x23d: {  	_ =	swait.ge [sflag:s25], $0x8000  }
0x23e: {  	[sflag:s25] =	ssyncset.done $0x0  }
0x23f: {  	[sflag:s25] =	ssyncadd.s32 $0xFFFF8000  }
0x240: {  	_ =	sfence.sel $0x180000  }
0x241: {  	[bflag:$0x0] =	sbarrier.arrive $0xFFFF  }
0x242: {  	_ =	strace $0x90000047  }
0x243: {  	s0 =	stileid.u32;
	[bflag:$0x2] =	sbarrier.arrive $0xFFFF  }
0x244: {  	p0 =	sne.s32 s0, $0x0;
	s0 =	rddreg [dreg:$0x2]  }
0x245: {  	s0 =	sadd.s32 @!p0 $0x100000, s0  }
0x246: {  	[sflag:s0] =	ssyncadd.tile.s32 @!p0 $0x1;
	_ =	shalt  }
.Lfunc_end2:
_tile_overlayer_lowered:
.L_overlay_start_2:
0x247: {  	(tag) =	ssettag $0x2  }
0x248: {  	s0 =	rddreg [dreg:$0x0];
	s2 =	stileid.u32  }
0x249: {  	s1 =	rddreg [dreg:$0x1];
	p0 =	sne.s32 s2, $0x0  }
0x24a: {  	s3 =	rddreg [dreg:$0x2];
	[bflag:$0x3] =	sbarrier.arrive $0xFFFF;
	s2 =	simm.s32 @!p0 $0x1C03  }
0x24b: {  	[timem:s3], [sflag:s2] =	dma.local @!p0 [hbm:s0], s1  }
0x24c: {  	s0 =	simm.s32 @!p0 $0x3  }
0x24d: {  	_ =	swait.ge @!p0 [sflag:s0], s1  }
0x24e: {  	s1 =	ssub.s32 @!p0 $0x0, s1;
	[sflag:s0] =	ssyncset.done @!p0 $0x0  }
0x24f: {  	[sflag:s0] =	ssyncadd.s32 @!p0 s1  }
0x250: {  	[bflag:$0x3] =	sbarrier.arrive $0xFFFF  }
0x251: {  	_ =	shalt  }

</sc_bundles>
